<compile_context>
chip_gen: v7x
topology: tpu7x:2x2x1
jax: 0.10.2.dev20260603
libtpu: 0.0.44.dev20260713+nightly
codegen_flags: <defaults>
</compile_context>

<pallas_src>
import functools

import jax
import jax.numpy as jnp
from jax import lax
from jax.experimental import pallas as pl
from jax.experimental.pallas import tpu as pltpu
from jax.experimental.pallas import tpu_sc as plsc

N_USERS = 2000
N_ITEMS = 8000
N = 10000
D = 256
DH = 128
NLAYER = 3
E = 160000
BATCH = 4096

NTILE = 16
EPT = E // NTILE
CHUNK = 80
NCHUNK = EPT // CHUNK
NPAD = 10240
RPT = NPAD // NTILE
PPT = BATCH // 32

_MESH = plsc.VectorSubcoreMesh(core_axis_name="c", subcore_axis_name="s",
                               num_cores=2, num_subcores=NTILE)


@functools.partial(
    pl.kernel,
    out_type=jax.ShapeDtypeStruct((NPAD, 16), jnp.float32),
    mesh=_MESH,
    compiler_params=pltpu.CompilerParams(use_tc_tiling_on_sc=False),
    scratch_types=[
        pltpu.VMEM((EPT,), jnp.int32),
        pltpu.VMEM((CHUNK,), jnp.int32),
        pltpu.VMEM((CHUNK, 16), jnp.float32),
        pltpu.VMEM_SHARED((NPAD, 16), jnp.float32),
    ],
)
def _deg_kernel(row1_hbm, ones_hbm, zeros8_hbm, deg8_hbm, row_v, rbuf, ones_v,
                acc):
    c = lax.axis_index("c")
    s = lax.axis_index("s")
    pltpu.sync_copy(zeros8_hbm, acc.at[pl.ds(s * RPT, RPT)])
    pltpu.sync_copy(row1_hbm.at[pl.ds(s * EPT, EPT)], row_v)
    pltpu.sync_copy(ones_hbm, ones_v)
    plsc.subcore_barrier()

    def body(g, carry):
        def cp(k, c2):
            rbuf[pl.ds(k * 16, 16)] = row_v[pl.ds(g * CHUNK + k * 16, 16)]
            return c2

        lax.fori_loop(0, CHUNK // 16, cp, 0)
        pltpu.sync_copy(ones_v, acc.at[rbuf], add=True)
        return carry

    lax.fori_loop(0, NCHUNK, body, 0)
    plsc.subcore_barrier()

    @pl.when(c == 0)
    def _():
        pltpu.sync_copy(acc.at[pl.ds(s * RPT, RPT)],
                        deg8_hbm.at[pl.ds(s * RPT, RPT)])


@functools.partial(
    pl.kernel,
    out_type=jax.ShapeDtypeStruct((2, NPAD, DH), jnp.float32),
    mesh=_MESH,
    compiler_params=pltpu.CompilerParams(use_tc_tiling_on_sc=False),
    scratch_types=[
        pltpu.VMEM((EPT,), jnp.int32),
        pltpu.VMEM((EPT,), jnp.int32),
        pltpu.VMEM((CHUNK,), jnp.int32),
        pltpu.VMEM((CHUNK,), jnp.int32),
        pltpu.VMEM((CHUNK, DH), jnp.float32),
        pltpu.VMEM((CHUNK, DH), jnp.float32),
        pltpu.SemaphoreType.DMA,
        pltpu.SemaphoreType.DMA,
        pltpu.VMEM_SHARED((NPAD, DH), jnp.float32),
    ],
)
def _spmm_kernel(tab_hbm, col1_hbm, row1_hbm, zdh_hbm, out_hbm,
                 col_v, row_v, rbuf0, rbuf1, gb0, gb1, sem0, sem1, acc):
    c = lax.axis_index("c")
    s = lax.axis_index("s")
    pltpu.sync_copy(zdh_hbm, acc.at[pl.ds(s * RPT, RPT)])
    pltpu.sync_copy(col1_hbm.at[pl.ds(s * EPT, EPT)], col_v)
    pltpu.sync_copy(row1_hbm.at[pl.ds(s * EPT, EPT)], row_v)

    def xform(i, carry):
        v = col_v[pl.ds(i * 16, 16)]
        col_v[pl.ds(i * 16, 16)] = v * 2 + c
        return carry

    lax.fori_loop(0, EPT // 16, xform, 0)
    plsc.subcore_barrier()

    def start(g, gb, sem):
        pltpu.async_copy(tab_hbm.at[col_v.at[pl.ds(g * CHUNK, CHUNK)]],
                         gb, sem)

    def finish(g, gb, rbuf, sem):
        pltpu.make_async_copy(tab_hbm.at[col_v.at[pl.ds(g * CHUNK, CHUNK)]],
                              gb, sem).wait()

        def cp(k, c2):
            rbuf[pl.ds(k * 16, 16)] = row_v[pl.ds(g * CHUNK + k * 16, 16)]
            return c2

        lax.fori_loop(0, CHUNK // 16, cp, 0)
        pltpu.sync_copy(gb, acc.at[rbuf], add=True)

    start(0, gb0, sem0)

    def body(m, carry):
        start(2 * m + 1, gb1, sem1)
        finish(2 * m, gb0, rbuf0, sem0)
        start(2 * m + 2, gb0, sem0)
        finish(2 * m + 1, gb1, rbuf1, sem1)
        return carry

    lax.fori_loop(0, (NCHUNK - 1) // 2, body, 0)
    finish(NCHUNK - 1, gb0, rbuf0, sem0)
    plsc.subcore_barrier()
    pltpu.sync_copy(acc.at[pl.ds(s * RPT, RPT)],
                    out_hbm.at[c, pl.ds(s * RPT, RPT)])


@functools.partial(
    pl.kernel,
    out_type=(jax.ShapeDtypeStruct((4, BATCH, D), jnp.float32),
              jax.ShapeDtypeStruct((4, BATCH, D), jnp.float32)),
    mesh=_MESH,
    compiler_params=pltpu.CompilerParams(use_tc_tiling_on_sc=False),
    scratch_types=[
        pltpu.VMEM((PPT,), jnp.int32),
        pltpu.VMEM((PPT,), jnp.int32),
        pltpu.VMEM((PPT, D), jnp.float32),
        pltpu.VMEM((PPT, D), jnp.float32),
        pltpu.SemaphoreType.DMA,
        pltpu.SemaphoreType.DMA,
    ],
)
def _pair_kernel(e0, e1, e2, e3, uid_hbm, vid_hbm, u_out, v_out,
                 uidx, vidx, gu, gv, semu, semv):
    c = lax.axis_index("c")
    s = lax.axis_index("s")
    w = s * 2 + c
    base = w * PPT
    pltpu.sync_copy(uid_hbm.at[pl.ds(base, PPT)], uidx)
    pltpu.sync_copy(vid_hbm.at[pl.ds(base, PPT)], vidx)

    def off(k, carry):
        vidx[pl.ds(k * 16, 16)] = vidx[pl.ds(k * 16, 16)] + N_USERS
        return carry

    lax.fori_loop(0, PPT // 16, off, 0)
    for tab_i, tab in enumerate((e0, e1, e2, e3)):
        cu = pltpu.async_copy(tab.at[uidx], gu, semu)
        cv = pltpu.async_copy(tab.at[vidx], gv, semv)
        cu.wait()
        pltpu.sync_copy(gu, u_out.at[tab_i, pl.ds(base, PPT)])
        cv.wait()
        pltpu.sync_copy(gv, v_out.at[tab_i, pl.ds(base, PPT)])


_BLK = 400


def _dis(deg_ref):
    deg = deg_ref[:, 0:1]
    return jnp.where(deg > 0.0, lax.rsqrt(deg), 0.0)


def _prep_body(deg_ref, emb_ref, es_ref):
    es_ref[...] = emb_ref[...] * _dis(deg_ref)


_prep_call = pl.pallas_call(
    _prep_body,
    grid=(N // _BLK,),
    in_specs=[pl.BlockSpec((_BLK, 16), lambda i: (i, 0)),
              pl.BlockSpec((_BLK, D), lambda i: (i, 0))],
    out_specs=pl.BlockSpec((_BLK, D), lambda i: (i, 0)),
    out_shape=jax.ShapeDtypeStruct((N, D), jnp.float32),
)


def _layer_body(deg_ref, emb_ref, a_ref, w1_ref, b1_ref,
                w2_ref, b2_ref, out_ref, es_ref):
    dis = _dis(deg_ref)
    emb = emb_ref[...]
    a = a_ref[...]
    neigh = jnp.concatenate([a[0], a[1]], axis=1) * dis
    ego = jnp.dot(emb, w1_ref[...],
                  preferred_element_type=jnp.float32) + b1_ref[...]
    side = jnp.dot(neigh * (1.0 + emb), w2_ref[...],
                   preferred_element_type=jnp.float32) + b2_ref[...]
    x = ego + side
    x = jnp.where(x >= 0.0, x, 0.2 * x)
    nrm = jnp.sqrt(jnp.sum(x * x, axis=1, keepdims=True))
    x = x / jnp.maximum(nrm, 1e-12)
    out_ref[...] = x
    es_ref[...] = x * dis


_layer_call = pl.pallas_call(
    _layer_body,
    grid=(N // _BLK,),
    in_specs=[pl.BlockSpec((_BLK, 16), lambda i: (i, 0)),
              pl.BlockSpec((_BLK, D), lambda i: (i, 0)),
              pl.BlockSpec((2, _BLK, DH), lambda i: (0, i, 0)),
              pl.BlockSpec((D, D), lambda i: (0, 0)),
              pl.BlockSpec((1, D), lambda i: (0, 0)),
              pl.BlockSpec((D, D), lambda i: (0, 0)),
              pl.BlockSpec((1, D), lambda i: (0, 0))],
    out_specs=[pl.BlockSpec((_BLK, D), lambda i: (i, 0)),
               pl.BlockSpec((_BLK, D), lambda i: (i, 0))],
    out_shape=(jax.ShapeDtypeStruct((N, D), jnp.float32),
               jax.ShapeDtypeStruct((N, D), jnp.float32)),
)


_DBLK = 512


def _dot_body(u_ref, v_ref, o_ref):
    x = u_ref[...] * v_ref[...]
    r = jnp.sum(jnp.sum(x, axis=2), axis=0)
    o_ref[...] = r[:, None]


_dot_call = pl.pallas_call(
    _dot_body,
    grid=(BATCH // _DBLK,),
    in_specs=[pl.BlockSpec((4, _DBLK, D), lambda i: (0, i, 0)),
              pl.BlockSpec((4, _DBLK, D), lambda i: (0, i, 0))],
    out_specs=pl.BlockSpec((_DBLK, 1), lambda i: (i, 0)),
    out_shape=jax.ShapeDtypeStruct((BATCH, 1), jnp.float32),
)


def kernel(user_ids, item_ids, edge_index, user_table, item_table,
           W1, b1, W2, b2):
    row = edge_index[0].astype(jnp.int32)
    col = edge_index[1].astype(jnp.int32)
    emb0 = jnp.concatenate([user_table, item_table], axis=0)
    zeros8 = jnp.zeros((RPT, 16), jnp.float32)
    ones8 = jnp.ones((CHUNK, 16), jnp.float32)
    zdh = jnp.zeros((RPT, DH), jnp.float32)

    deg8 = _deg_kernel(row, ones8, zeros8)
    es = _prep_call(deg8, emb0)

    outs = [emb0]
    emb = emb0
    for i in range(NLAYER):
        acc2 = _spmm_kernel(es.reshape(2 * N, DH), col, row, zdh)
        out_i, es = _layer_call(deg8, emb, acc2,
                                W1[i], b1[i].reshape(1, D),
                                W2[i], b2[i].reshape(1, D))
        outs.append(out_i)
        emb = out_i

    uid = user_ids.astype(jnp.int32)
    vid = item_ids.astype(jnp.int32)
    u3, v3 = _pair_kernel(outs[0], outs[1], outs[2], outs[3], uid, vid)
    score = _dot_call(u3, v3)
    return score.reshape(BATCH)

# --- scband reference (transcript-rebuilt; emitter-appended) ---
"""Pipeline reference for scband-ngcf-38611755991227 (READ-ONLY COPY).

The authoritative reference and input builder live on the scoring server;
editing this copy changes nothing except your own understanding.
"""

import jax, jax.numpy as jnp
import numpy as np

NUM_USERS = 2000
NUM_ITEMS = 8000
N_NODES = NUM_USERS + NUM_ITEMS
D = 256
L = 3
N_INTER = 80000
B = 4096


def setup_inputs(seed: int = 0) -> dict:
    key = jax.random.key(seed)
    ks = jax.random.split(key, 10)
    user_ids = jax.random.randint(ks[0], (B,), 0, NUM_USERS, dtype=jnp.int64) if jax.config.jax_enable_x64 else jax.random.randint(ks[0], (B,), 0, NUM_USERS, dtype=jnp.int32)
    item_ids = jax.random.randint(ks[1], (B,), 0, NUM_ITEMS, dtype=user_ids.dtype)
    rows = jax.random.randint(ks[2], (N_INTER,), 0, NUM_USERS, dtype=user_ids.dtype)
    cols = jax.random.randint(ks[3], (N_INTER,), 0, NUM_ITEMS, dtype=user_ids.dtype) + NUM_USERS
    edge_index = jnp.stack([jnp.concatenate([rows, cols]), jnp.concatenate([cols, rows])], axis=0)
    # xavier-uniform embeddings
    bound_emb = float(np.sqrt(6.0 / (NUM_USERS + D)))
    user_table = jax.random.uniform(ks[4], (NUM_USERS, D), minval=-bound_emb, maxval=bound_emb, dtype=jnp.float32)
    bound_emb2 = float(np.sqrt(6.0 / (NUM_ITEMS + D)))
    item_table = jax.random.uniform(ks[5], (NUM_ITEMS, D), minval=-bound_emb2, maxval=bound_emb2, dtype=jnp.float32)
    bw = float(np.sqrt(1.0 / D))
    W1 = jax.random.uniform(ks[6], (L, D, D), minval=-bw, maxval=bw, dtype=jnp.float32)
    b1 = jnp.zeros((L, D), dtype=jnp.float32)
    W2 = jax.random.uniform(ks[7], (L, D, D), minval=-bw, maxval=bw, dtype=jnp.float32)
    b2 = jnp.zeros((L, D), dtype=jnp.float32)
    return {"user_ids": user_ids, "item_ids": item_ids, "edge_index": edge_index,
            "user_table": user_table, "item_table": item_table,
            "W1": W1, "b1": b1, "W2": W2, "b2": b2}


def reference(user_ids, item_ids, edge_index, user_table, item_table, W1, b1, W2, b2):
    row = edge_index[0]
    col = edge_index[1]
    # symmetric-normalized adjacency weights (build_graph)
    deg = jnp.zeros((N_NODES,), dtype=jnp.float32).at[row].add(jnp.ones_like(row, dtype=jnp.float32))
    deg_inv_sqrt = jnp.where(deg > 0, deg ** -0.5, 0.0)
    w = deg_inv_sqrt[row] * deg_inv_sqrt[col]
    emb = jnp.concatenate([user_table, item_table], axis=0)
    emb_list = [emb]
    for i in range(L):
        ego = emb @ W1[i] + b1[i]
        # sparse adj @ emb : gather + weighted scatter-add
        neighbor = jnp.zeros((N_NODES, D), dtype=jnp.float32).at[row].add(w[:, None] * emb[col])
        interaction = neighbor * emb
        side = (neighbor + interaction) @ W2[i] + b2[i]
        out = jax.nn.leaky_relu(ego + side, negative_slope=0.2)
        # dropout skipped (eval mode / deterministic reference)
        nrm = jnp.linalg.norm(out, axis=1, keepdims=True)
        out = out / jnp.maximum(nrm, 1e-12)
        emb_list.append(out)
        emb = out
    final = jnp.concatenate(emb_list, axis=1)
    user_emb = final[:NUM_USERS]
    item_emb = final[NUM_USERS:]
    u = user_emb[user_ids]
    v = item_emb[item_ids]
    return jnp.sum(u * v, axis=1)

if __name__ == "__main__":
    import jax
    _d = setup_inputs()
    print(jax.jit(kernel)(*tuple(_d.values())))

</pallas_src>

<mosaic_0001>
#map = affine_map<(d0, d1) -> (0, 0)>
#map1 = affine_map<(d0, d1) -> (0)>
#map2 = affine_map<(d0, d1) -> (0, 0, 0)>
module attributes {stable_mosaic.version = 14 : i64} {
  func.func @_spmm_kernel(%arg0: i32, %arg1: i32, %arg2: memref<20000x128xf32, #tpu.memory_space<hbm>>, %arg3: memref<160000xi32, #tpu.memory_space<hbm>>, %arg4: memref<160000xi32, #tpu.memory_space<hbm>>, %arg5: memref<640x128xf32, #tpu.memory_space<hbm>>, %arg6: memref<2x10240x128xf32, #tpu.memory_space<hbm>>, %arg7: memref<10000xi32, #tpu.memory_space<vmem>>, %arg8: memref<10000xi32, #tpu.memory_space<vmem>>, %arg9: memref<80xi32, #tpu.memory_space<vmem>>, %arg10: memref<80xi32, #tpu.memory_space<vmem>>, %arg11: memref<80x128xf32, #tpu.memory_space<vmem>>, %arg12: memref<80x128xf32, #tpu.memory_space<vmem>>, %arg13: memref<!tpu.dma_semaphore, #tpu.memory_space<semaphore_mem>>, %arg14: memref<!tpu.dma_semaphore, #tpu.memory_space<semaphore_mem>>, %arg15: memref<10240x128xf32, #tpu.memory_space<vmem_shared>>) attributes {dimension_semantics = [#tpu.dimension_semantics<core_parallel>, #tpu.dimension_semantics<subcore_parallel>], iteration_bounds = array<i64: 2, 16>, scalar_prefetch = 0 : i64, scratch_operands = 9 : i64, tpu.core_type = #tpu.core_type<sc_vector_subcore>, window_params = [{transform_indices = #map}, {transform_indices = #map1}, {transform_indices = #map1}, {transform_indices = #map}, {transform_indices = #map2}]} {
    %mul3A = arith.constant 640 : i32
    %mul3A_0 = arith.muli %arg1, %mul3A : i32
    "tpu.region"() ({
      %run_scoped3A = tpu.sem_alloc : memref<!tpu.dma_semaphore, #tpu.memory_space<semaphore_mem>>
      %dma_start3A_35 = arith.constant 0 : i32
      %dma_start3A_36 = tpu.memref_slice %arg15[%mul3A_0, %dma_start3A_35] : memref<10240x128xf32, #tpu.memory_space<vmem_shared>> -> memref<640x128xf32, #tpu.memory_space<vmem_shared>>
      tpu.enqueue_dma source(%arg5 : memref<640x128xf32, #tpu.memory_space<hbm>>) target(%dma_start3A_36 : memref<640x128xf32, #tpu.memory_space<vmem_shared>>) target_semaphore(%run_scoped3A : memref<!tpu.dma_semaphore, #tpu.memory_space<semaphore_mem>>)
      %dma_wait3A_37 = arith.constant 0 : i32
      %dma_wait3A_38 = tpu.memref_slice %arg15[%mul3A_0, %dma_wait3A_37] : memref<10240x128xf32, #tpu.memory_space<vmem_shared>> -> memref<640x128xf32, #tpu.memory_space<vmem_shared>>
      tpu.wait_dma2 semaphore(%run_scoped3A : memref<!tpu.dma_semaphore, #tpu.memory_space<semaphore_mem>>) src(%arg5 : memref<640x128xf32, #tpu.memory_space<hbm>>) dst(%dma_wait3A_38 : memref<640x128xf32, #tpu.memory_space<vmem_shared>>)
      tpu.yield
    }) : () -> ()
    %mul3A_1 = arith.constant 10000 : i32
    %mul3A_2 = arith.muli %arg1, %mul3A_1 : i32
    "tpu.region"() ({
      %run_scoped3A = tpu.sem_alloc : memref<!tpu.dma_semaphore, #tpu.memory_space<semaphore_mem>>
      %dma_start3A_35 = tpu.memref_slice %arg3[%mul3A_2] : memref<160000xi32, #tpu.memory_space<hbm>> -> memref<10000xi32, #tpu.memory_space<hbm>>
      %dma_start3A_36 = tpu.memref_slice %arg3[%mul3A_2] : memref<160000xi32, #tpu.memory_space<hbm>> -> memref<10000xi32, #tpu.memory_space<hbm>>
      tpu.enqueue_dma source(%dma_start3A_36 : memref<10000xi32, #tpu.memory_space<hbm>>) target(%arg7 : memref<10000xi32, #tpu.memory_space<vmem>>) target_semaphore(%run_scoped3A : memref<!tpu.dma_semaphore, #tpu.memory_space<semaphore_mem>>)
      %dma_wait3A_37 = tpu.memref_slice %arg3[%mul3A_2] : memref<160000xi32, #tpu.memory_space<hbm>> -> memref<10000xi32, #tpu.memory_space<hbm>>
      %dma_wait3A_38 = tpu.memref_slice %arg3[%mul3A_2] : memref<160000xi32, #tpu.memory_space<hbm>> -> memref<10000xi32, #tpu.memory_space<hbm>>
      tpu.wait_dma2 semaphore(%run_scoped3A : memref<!tpu.dma_semaphore, #tpu.memory_space<semaphore_mem>>) src(%dma_wait3A_38 : memref<10000xi32, #tpu.memory_space<hbm>>) dst(%arg7 : memref<10000xi32, #tpu.memory_space<vmem>>)
      tpu.yield
    }) : () -> ()
    %mul3A_3 = arith.constant 10000 : i32
    %mul3A_4 = arith.muli %arg1, %mul3A_3 : i32
    "tpu.region"() ({
      %run_scoped3A = tpu.sem_alloc : memref<!tpu.dma_semaphore, #tpu.memory_space<semaphore_mem>>
      %dma_start3A_35 = tpu.memref_slice %arg4[%mul3A_4] : memref<160000xi32, #tpu.memory_space<hbm>> -> memref<10000xi32, #tpu.memory_space<hbm>>
      %dma_start3A_36 = tpu.memref_slice %arg4[%mul3A_4] : memref<160000xi32, #tpu.memory_space<hbm>> -> memref<10000xi32, #tpu.memory_space<hbm>>
      tpu.enqueue_dma source(%dma_start3A_36 : memref<10000xi32, #tpu.memory_space<hbm>>) target(%arg8 : memref<10000xi32, #tpu.memory_space<vmem>>) target_semaphore(%run_scoped3A : memref<!tpu.dma_semaphore, #tpu.memory_space<semaphore_mem>>)
      %dma_wait3A_37 = tpu.memref_slice %arg4[%mul3A_4] : memref<160000xi32, #tpu.memory_space<hbm>> -> memref<10000xi32, #tpu.memory_space<hbm>>
      %dma_wait3A_38 = tpu.memref_slice %arg4[%mul3A_4] : memref<160000xi32, #tpu.memory_space<hbm>> -> memref<10000xi32, #tpu.memory_space<hbm>>
      tpu.wait_dma2 semaphore(%run_scoped3A : memref<!tpu.dma_semaphore, #tpu.memory_space<semaphore_mem>>) src(%dma_wait3A_38 : memref<10000xi32, #tpu.memory_space<hbm>>) dst(%arg8 : memref<10000xi32, #tpu.memory_space<vmem>>)
      tpu.yield
    }) : () -> ()
    %scan3A = arith.constant 0 : i32
    %scan3A_5 = arith.constant 0 : i32
    %scan3A_6 = arith.constant 625 : i32
    %scan3A_7 = arith.addi %scan3A_5, %scan3A_6 : i32
    %scan3A_8 = arith.constant 1 : i32
    scf.for %scan3A_35 = %scan3A_5 to %scan3A_7 step %scan3A_8  : i32 {
      %mul3A_36 = arith.constant 16 : i32
      %mul3A_37 = arith.muli %scan3A_35, %mul3A_36 : i32
      %get3A = arith.index_cast %mul3A_37 : i32 to index
      %get3A_38 = tpu.vector_load %arg7[%get3A] {strides = array<i32>} : memref<10000xi32, #tpu.memory_space<vmem>>, vector<16xi32>,
      %get3A_39 = vector.shape_cast %get3A_38 : vector<16xi32> to vector<16xi32>
      %mul3A_40 = arith.constant 2 : i32
      %mul3A_41 = vector.broadcast %mul3A_40 : i32 to vector<16xi32>
      %mul3A_42 = arith.muli %get3A_39, %mul3A_41 : vector<16xi32>
      %add3A = vector.broadcast %arg0 : i32 to vector<16xi32>
      %add3A_43 = arith.addi %mul3A_42, %add3A : vector<16xi32>
      %mul3A_44 = arith.constant 16 : i32
      %mul3A_45 = arith.muli %scan3A_35, %mul3A_44 : i32
      %swap3A = arith.index_cast %mul3A_45 : i32 to index
      %swap3A_46 = tpu.vector_load %arg7[%swap3A] {strides = array<i32>} : memref<10000xi32, #tpu.memory_space<vmem>>, vector<16xi32>,
      %swap3A_47 = vector.shape_cast %swap3A_46 : vector<16xi32> to vector<16xi32>
      %swap3A_48 = vector.shape_cast %add3A_43 : vector<16xi32> to vector<16xi32>
      tpu.vector_store %arg7[%swap3A], %swap3A_48 {strides = array<i32>} : memref<10000xi32, #tpu.memory_space<vmem>>, vector<16xi32>,
    }
    %scan3A_9 = arith.constant 625 : i32
    %barrier3A = arith.constant 0 : index
    tpu.barrier barrier_id(%barrier3A)
    %dma_start3A = arith.constant 0 : i32
    %dma_start3A_10 = tpu.memref_slice %arg7[%dma_start3A] : memref<10000xi32, #tpu.memory_space<vmem>> -> memref<80xi32, #tpu.memory_space<vmem>>
    %dma_start3A_11 = arith.constant 0 : i32
    %dma_start3A_12 = arith.constant 0 : i32
    %dma_start3A_13 = tpu.memref_slice %arg2[%dma_start3A_11, %dma_start3A_12] : memref<20000x128xf32, #tpu.memory_space<hbm>> -> memref<20000x128xf32, #tpu.memory_space<hbm>>
    tpu.enqueue_indirect_dma source(%dma_start3A_13 : memref<20000x128xf32, #tpu.memory_space<hbm>>) target(%arg11 : memref<80x128xf32, #tpu.memory_space<vmem>>) offsets(%dma_start3A_10 : memref<80xi32, #tpu.memory_space<vmem>>) semaphore(%arg13 : memref<!tpu.dma_semaphore, #tpu.memory_space<semaphore_mem>>)
    %scan3A_14 = arith.constant 0 : i32
    %scan3A_15 = arith.constant 0 : i32
    %scan3A_16 = arith.constant 62 : i32
    %scan3A_17 = arith.addi %scan3A_15, %scan3A_16 : i32
    %scan3A_18 = arith.constant 1 : i32
    scf.for %scan3A_35 = %scan3A_15 to %scan3A_17 step %scan3A_18  : i32 {
      %mul3A_36 = arith.constant 2 : i32
      %mul3A_37 = arith.muli %mul3A_36, %scan3A_35 : i32
      %add3A = arith.constant 1 : i32
      %add3A_38 = arith.addi %mul3A_37, %add3A : i32
      %mul3A_39 = arith.constant 80 : i32
      %mul3A_40 = arith.muli %add3A_38, %mul3A_39 : i32
      %dma_start3A_41 = tpu.memref_slice %arg7[%mul3A_40] : memref<10000xi32, #tpu.memory_space<vmem>> -> memref<80xi32, #tpu.memory_space<vmem>>
      %dma_start3A_42 = arith.constant 0 : i32
      %dma_start3A_43 = arith.constant 0 : i32
      %dma_start3A_44 = tpu.memref_slice %arg2[%dma_start3A_42, %dma_start3A_43] : memref<20000x128xf32, #tpu.memory_space<hbm>> -> memref<20000x128xf32, #tpu.memory_space<hbm>>
      tpu.enqueue_indirect_dma source(%dma_start3A_44 : memref<20000x128xf32, #tpu.memory_space<hbm>>) target(%arg12 : memref<80x128xf32, #tpu.memory_space<vmem>>) offsets(%dma_start3A_41 : memref<80xi32, #tpu.memory_space<vmem>>) semaphore(%arg14 : memref<!tpu.dma_semaphore, #tpu.memory_space<semaphore_mem>>)
      %mul3A_45 = arith.constant 2 : i32
      %mul3A_46 = arith.muli %mul3A_45, %scan3A_35 : i32
      %mul3A_47 = arith.constant 80 : i32
      %mul3A_48 = arith.muli %mul3A_46, %mul3A_47 : i32
      %dma_wait3A_49 = tpu.memref_slice %arg7[%mul3A_48] : memref<10000xi32, #tpu.memory_space<vmem>> -> memref<80xi32, #tpu.memory_space<vmem>>
      %dma_wait3A_50 = arith.constant 0 : i32
      %dma_wait3A_51 = arith.constant 0 : i32
      %dma_wait3A_52 = tpu.memref_slice %arg2[%dma_wait3A_50, %dma_wait3A_51] : memref<20000x128xf32, #tpu.memory_space<hbm>> -> memref<20000x128xf32, #tpu.memory_space<hbm>>
      tpu.wait_indirect_dma semaphore(%arg13 : memref<!tpu.dma_semaphore, #tpu.memory_space<semaphore_mem>>) src(%dma_wait3A_52 : memref<20000x128xf32, #tpu.memory_space<hbm>>) dst(%arg11 : memref<80x128xf32, #tpu.memory_space<vmem>>)
      %scan3A_53 = arith.constant 0 : i32
      %scan3A_54 = arith.constant 0 : i32
      %scan3A_55 = arith.constant 5 : i32
      %scan3A_56 = arith.addi %scan3A_54, %scan3A_55 : i32
      %scan3A_57 = arith.constant 1 : i32
      scf.for %scan3A_85 = %scan3A_54 to %scan3A_56 step %scan3A_57  : i32 {
        %mul3A_86 = arith.constant 80 : i32
        %mul3A_87 = arith.muli %mul3A_46, %mul3A_86 : i32
        %mul3A_88 = arith.constant 16 : i32
        %mul3A_89 = arith.muli %scan3A_85, %mul3A_88 : i32
        %add3A_90 = arith.addi %mul3A_87, %mul3A_89 : i32
        %get3A = arith.index_cast %add3A_90 : i32 to index
        %get3A_91 = tpu.vector_load %arg8[%get3A] {strides = array<i32>} : memref<10000xi32, #tpu.memory_space<vmem>>, vector<16xi32>,
        %get3A_92 = vector.shape_cast %get3A_91 : vector<16xi32> to vector<16xi32>
        %mul3A_93 = arith.constant 16 : i32
        %mul3A_94 = arith.muli %scan3A_85, %mul3A_93 : i32
        %swap3A = arith.index_cast %mul3A_94 : i32 to index
        %swap3A_95 = tpu.vector_load %arg9[%swap3A] {strides = array<i32>} : memref<80xi32, #tpu.memory_space<vmem>>, vector<16xi32>,
        %swap3A_96 = vector.shape_cast %swap3A_95 : vector<16xi32> to vector<16xi32>
        %swap3A_97 = vector.shape_cast %get3A_92 : vector<16xi32> to vector<16xi32>
        tpu.vector_store %arg9[%swap3A], %swap3A_97 {strides = array<i32>} : memref<80xi32, #tpu.memory_space<vmem>>, vector<16xi32>,
      }
      %scan3A_58 = arith.constant 5 : i32
      "tpu.region"() ({
        %run_scoped3A = tpu.sem_alloc : memref<!tpu.dma_semaphore, #tpu.memory_space<semaphore_mem>>
        %dma_start3A_85 = arith.constant 0 : i32
        %dma_start3A_86 = arith.constant 0 : i32
        %dma_start3A_87 = tpu.memref_slice %arg15[%dma_start3A_85, %dma_start3A_86] : memref<10240x128xf32, #tpu.memory_space<vmem_shared>> -> memref<10240x128xf32, #tpu.memory_space<vmem_shared>>
        tpu.enqueue_indirect_dma source(%arg11 : memref<80x128xf32, #tpu.memory_space<vmem>>) target(%dma_start3A_87 : memref<10240x128xf32, #tpu.memory_space<vmem_shared>>) offsets(%arg9 : memref<80xi32, #tpu.memory_space<vmem>>) semaphore(%run_scoped3A : memref<!tpu.dma_semaphore, #tpu.memory_space<semaphore_mem>>) {add = true}
        %dma_wait3A_88 = arith.constant 0 : i32
        %dma_wait3A_89 = arith.constant 0 : i32
        %dma_wait3A_90 = tpu.memref_slice %arg15[%dma_wait3A_88, %dma_wait3A_89] : memref<10240x128xf32, #tpu.memory_space<vmem_shared>> -> memref<10240x128xf32, #tpu.memory_space<vmem_shared>>
        tpu.wait_indirect_dma semaphore(%run_scoped3A : memref<!tpu.dma_semaphore, #tpu.memory_space<semaphore_mem>>) src(%arg11 : memref<80x128xf32, #tpu.memory_space<vmem>>) dst(%dma_wait3A_90 : memref<10240x128xf32, #tpu.memory_space<vmem_shared>>)
        tpu.yield
      }) : () -> ()
      %mul3A_59 = arith.constant 2 : i32
      %mul3A_60 = arith.muli %mul3A_59, %scan3A_35 : i32
      %add3A_61 = arith.constant 2 : i32
      %add3A_62 = arith.addi %mul3A_60, %add3A_61 : i32
      %mul3A_63 = arith.constant 80 : i32
      %mul3A_64 = arith.muli %add3A_62, %mul3A_63 : i32
      %dma_start3A_65 = tpu.memref_slice %arg7[%mul3A_64] : memref<10000xi32, #tpu.memory_space<vmem>> -> memref<80xi32, #tpu.memory_space<vmem>>
      %dma_start3A_66 = arith.constant 0 : i32
      %dma_start3A_67 = arith.constant 0 : i32
      %dma_start3A_68 = tpu.memref_slice %arg2[%dma_start3A_66, %dma_start3A_67] : memref<20000x128xf32, #tpu.memory_space<hbm>> -> memref<20000x128xf32, #tpu.memory_space<hbm>>
      tpu.enqueue_indirect_dma source(%dma_start3A_68 : memref<20000x128xf32, #tpu.memory_space<hbm>>) target(%arg11 : memref<80x128xf32, #tpu.memory_space<vmem>>) offsets(%dma_start3A_65 : memref<80xi32, #tpu.memory_space<vmem>>) semaphore(%arg13 : memref<!tpu.dma_semaphore, #tpu.memory_space<semaphore_mem>>)
      %mul3A_69 = arith.constant 2 : i32
      %mul3A_70 = arith.muli %mul3A_69, %scan3A_35 : i32
      %add3A_71 = arith.constant 1 : i32
      %add3A_72 = arith.addi %mul3A_70, %add3A_71 : i32
      %mul3A_73 = arith.constant 80 : i32
      %mul3A_74 = arith.muli %add3A_72, %mul3A_73 : i32
      %dma_wait3A_75 = tpu.memref_slice %arg7[%mul3A_74] : memref<10000xi32, #tpu.memory_space<vmem>> -> memref<80xi32, #tpu.memory_space<vmem>>
      %dma_wait3A_76 = arith.constant 0 : i32
      %dma_wait3A_77 = arith.constant 0 : i32
      %dma_wait3A_78 = tpu.memref_slice %arg2[%dma_wait3A_76, %dma_wait3A_77] : memref<20000x128xf32, #tpu.memory_space<hbm>> -> memref<20000x128xf32, #tpu.memory_space<hbm>>
      tpu.wait_indirect_dma semaphore(%arg14 : memref<!tpu.dma_semaphore, #tpu.memory_space<semaphore_mem>>) src(%dma_wait3A_78 : memref<20000x128xf32, #tpu.memory_space<hbm>>) dst(%arg12 : memref<80x128xf32, #tpu.memory_space<vmem>>)
      %scan3A_79 = arith.constant 0 : i32
      %scan3A_80 = arith.constant 0 : i32
      %scan3A_81 = arith.constant 5 : i32
      %scan3A_82 = arith.addi %scan3A_80, %scan3A_81 : i32
      %scan3A_83 = arith.constant 1 : i32
      scf.for %scan3A_85 = %scan3A_80 to %scan3A_82 step %scan3A_83  : i32 {
        %mul3A_86 = arith.constant 80 : i32
        %mul3A_87 = arith.muli %add3A_72, %mul3A_86 : i32
        %mul3A_88 = arith.constant 16 : i32
        %mul3A_89 = arith.muli %scan3A_85, %mul3A_88 : i32
        %add3A_90 = arith.addi %mul3A_87, %mul3A_89 : i32
        %get3A = arith.index_cast %add3A_90 : i32 to index
        %get3A_91 = tpu.vector_load %arg8[%get3A] {strides = array<i32>} : memref<10000xi32, #tpu.memory_space<vmem>>, vector<16xi32>,
        %get3A_92 = vector.shape_cast %get3A_91 : vector<16xi32> to vector<16xi32>
        %mul3A_93 = arith.constant 16 : i32
        %mul3A_94 = arith.muli %scan3A_85, %mul3A_93 : i32
        %swap3A = arith.index_cast %mul3A_94 : i32 to index
        %swap3A_95 = tpu.vector_load %arg10[%swap3A] {strides = array<i32>} : memref<80xi32, #tpu.memory_space<vmem>>, vector<16xi32>,
        %swap3A_96 = vector.shape_cast %swap3A_95 : vector<16xi32> to vector<16xi32>
        %swap3A_97 = vector.shape_cast %get3A_92 : vector<16xi32> to vector<16xi32>
        tpu.vector_store %arg10[%swap3A], %swap3A_97 {strides = array<i32>} : memref<80xi32, #tpu.memory_space<vmem>>, vector<16xi32>,
      }
      %scan3A_84 = arith.constant 5 : i32
      "tpu.region"() ({
        %run_scoped3A = tpu.sem_alloc : memref<!tpu.dma_semaphore, #tpu.memory_space<semaphore_mem>>
        %dma_start3A_85 = arith.constant 0 : i32
        %dma_start3A_86 = arith.constant 0 : i32
        %dma_start3A_87 = tpu.memref_slice %arg15[%dma_start3A_85, %dma_start3A_86] : memref<10240x128xf32, #tpu.memory_space<vmem_shared>> -> memref<10240x128xf32, #tpu.memory_space<vmem_shared>>
        tpu.enqueue_indirect_dma source(%arg12 : memref<80x128xf32, #tpu.memory_space<vmem>>) target(%dma_start3A_87 : memref<10240x128xf32, #tpu.memory_space<vmem_shared>>) offsets(%arg10 : memref<80xi32, #tpu.memory_space<vmem>>) semaphore(%run_scoped3A : memref<!tpu.dma_semaphore, #tpu.memory_space<semaphore_mem>>) {add = true}
        %dma_wait3A_88 = arith.constant 0 : i32
        %dma_wait3A_89 = arith.constant 0 : i32
        %dma_wait3A_90 = tpu.memref_slice %arg15[%dma_wait3A_88, %dma_wait3A_89] : memref<10240x128xf32, #tpu.memory_space<vmem_shared>> -> memref<10240x128xf32, #tpu.memory_space<vmem_shared>>
        tpu.wait_indirect_dma semaphore(%run_scoped3A : memref<!tpu.dma_semaphore, #tpu.memory_space<semaphore_mem>>) src(%arg12 : memref<80x128xf32, #tpu.memory_space<vmem>>) dst(%dma_wait3A_90 : memref<10240x128xf32, #tpu.memory_space<vmem_shared>>)
        tpu.yield
      }) : () -> ()
    }
    %scan3A_19 = arith.constant 62 : i32
    %dma_wait3A = arith.constant 9920 : i32
    %dma_wait3A_20 = tpu.memref_slice %arg7[%dma_wait3A] : memref<10000xi32, #tpu.memory_space<vmem>> -> memref<80xi32, #tpu.memory_space<vmem>>
    %dma_wait3A_21 = arith.constant 0 : i32
    %dma_wait3A_22 = arith.constant 0 : i32
    %dma_wait3A_23 = tpu.memref_slice %arg2[%dma_wait3A_21, %dma_wait3A_22] : memref<20000x128xf32, #tpu.memory_space<hbm>> -> memref<20000x128xf32, #tpu.memory_space<hbm>>
    tpu.wait_indirect_dma semaphore(%arg13 : memref<!tpu.dma_semaphore, #tpu.memory_space<semaphore_mem>>) src(%dma_wait3A_23 : memref<20000x128xf32, #tpu.memory_space<hbm>>) dst(%arg11 : memref<80x128xf32, #tpu.memory_space<vmem>>)
    %scan3A_24 = arith.constant 0 : i32
    %scan3A_25 = arith.constant 0 : i32
    %scan3A_26 = arith.constant 5 : i32
    %scan3A_27 = arith.addi %scan3A_25, %scan3A_26 : i32
    %scan3A_28 = arith.constant 1 : i32
    scf.for %scan3A_35 = %scan3A_25 to %scan3A_27 step %scan3A_28  : i32 {
      %mul3A_36 = arith.constant 16 : i32
      %mul3A_37 = arith.muli %scan3A_35, %mul3A_36 : i32
      %add3A = arith.constant 9920 : i32
      %add3A_38 = arith.addi %add3A, %mul3A_37 : i32
      %get3A = arith.index_cast %add3A_38 : i32 to index
      %get3A_39 = tpu.vector_load %arg8[%get3A] {strides = array<i32>} : memref<10000xi32, #tpu.memory_space<vmem>>, vector<16xi32>,
      %get3A_40 = vector.shape_cast %get3A_39 : vector<16xi32> to vector<16xi32>
      %mul3A_41 = arith.constant 16 : i32
      %mul3A_42 = arith.muli %scan3A_35, %mul3A_41 : i32
      %swap3A = arith.index_cast %mul3A_42 : i32 to index
      %swap3A_43 = tpu.vector_load %arg9[%swap3A] {strides = array<i32>} : memref<80xi32, #tpu.memory_space<vmem>>, vector<16xi32>,
      %swap3A_44 = vector.shape_cast %swap3A_43 : vector<16xi32> to vector<16xi32>
      %swap3A_45 = vector.shape_cast %get3A_40 : vector<16xi32> to vector<16xi32>
      tpu.vector_store %arg9[%swap3A], %swap3A_45 {strides = array<i32>} : memref<80xi32, #tpu.memory_space<vmem>>, vector<16xi32>,
    }
    %scan3A_29 = arith.constant 5 : i32
    "tpu.region"() ({
      %run_scoped3A = tpu.sem_alloc : memref<!tpu.dma_semaphore, #tpu.memory_space<semaphore_mem>>
      %dma_start3A_35 = arith.constant 0 : i32
      %dma_start3A_36 = arith.constant 0 : i32
      %dma_start3A_37 = tpu.memref_slice %arg15[%dma_start3A_35, %dma_start3A_36] : memref<10240x128xf32, #tpu.memory_space<vmem_shared>> -> memref<10240x128xf32, #tpu.memory_space<vmem_shared>>
      tpu.enqueue_indirect_dma source(%arg11 : memref<80x128xf32, #tpu.memory_space<vmem>>) target(%dma_start3A_37 : memref<10240x128xf32, #tpu.memory_space<vmem_shared>>) offsets(%arg9 : memref<80xi32, #tpu.memory_space<vmem>>) semaphore(%run_scoped3A : memref<!tpu.dma_semaphore, #tpu.memory_space<semaphore_mem>>) {add = true}
      %dma_wait3A_38 = arith.constant 0 : i32
      %dma_wait3A_39 = arith.constant 0 : i32
      %dma_wait3A_40 = tpu.memref_slice %arg15[%dma_wait3A_38, %dma_wait3A_39] : memref<10240x128xf32, #tpu.memory_space<vmem_shared>> -> memref<10240x128xf32, #tpu.memory_space<vmem_shared>>
      tpu.wait_indirect_dma semaphore(%run_scoped3A : memref<!tpu.dma_semaphore, #tpu.memory_space<semaphore_mem>>) src(%arg11 : memref<80x128xf32, #tpu.memory_space<vmem>>) dst(%dma_wait3A_40 : memref<10240x128xf32, #tpu.memory_space<vmem_shared>>)
      tpu.yield
    }) : () -> ()
    %barrier3A_30 = arith.constant 0 : index
    tpu.barrier barrier_id(%barrier3A_30)
    %mul3A_31 = arith.constant 640 : i32
    %mul3A_32 = arith.muli %arg1, %mul3A_31 : i32
    %mul3A_33 = arith.constant 640 : i32
    %mul3A_34 = arith.muli %arg1, %mul3A_33 : i32
    "tpu.region"() ({
      %run_scoped3A = tpu.sem_alloc : memref<!tpu.dma_semaphore, #tpu.memory_space<semaphore_mem>>
      %dma_start3A_35 = arith.constant 0 : i32
      %dma_start3A_36 = tpu.memref_slice %arg6[%arg0, %mul3A_34, %dma_start3A_35] : memref<2x10240x128xf32, #tpu.memory_space<hbm>> -> memref<1x640x128xf32, #tpu.memory_space<hbm>>
      %dma_start3A_37 = tpu.memref_squeeze %dma_start3A_36 : memref<1x640x128xf32, #tpu.memory_space<hbm>> -> memref<640x128xf32, #tpu.memory_space<hbm>>
      %dma_start3A_38 = arith.constant 0 : i32
      %dma_start3A_39 = tpu.memref_slice %arg15[%mul3A_32, %dma_start3A_38] : memref<10240x128xf32, #tpu.memory_space<vmem_shared>> -> memref<640x128xf32, #tpu.memory_space<vmem_shared>>
      tpu.enqueue_dma source(%dma_start3A_39 : memref<640x128xf32, #tpu.memory_space<vmem_shared>>) target(%dma_start3A_37 : memref<640x128xf32, #tpu.memory_space<hbm>>) target_semaphore(%run_scoped3A : memref<!tpu.dma_semaphore, #tpu.memory_space<semaphore_mem>>)
      %dma_wait3A_40 = arith.constant 0 : i32
      %dma_wait3A_41 = tpu.memref_slice %arg6[%arg0, %mul3A_34, %dma_wait3A_40] : memref<2x10240x128xf32, #tpu.memory_space<hbm>> -> memref<1x640x128xf32, #tpu.memory_space<hbm>>
      %dma_wait3A_42 = tpu.memref_squeeze %dma_wait3A_41 : memref<1x640x128xf32, #tpu.memory_space<hbm>> -> memref<640x128xf32, #tpu.memory_space<hbm>>
      %dma_wait3A_43 = arith.constant 0 : i32
      %dma_wait3A_44 = tpu.memref_slice %arg15[%mul3A_32, %dma_wait3A_43] : memref<10240x128xf32, #tpu.memory_space<vmem_shared>> -> memref<640x128xf32, #tpu.memory_space<vmem_shared>>
      tpu.wait_dma2 semaphore(%run_scoped3A : memref<!tpu.dma_semaphore, #tpu.memory_space<semaphore_mem>>) src(%dma_wait3A_44 : memref<640x128xf32, #tpu.memory_space<vmem_shared>>) dst(%dma_wait3A_42 : memref<640x128xf32, #tpu.memory_space<hbm>>)
      tpu.yield
    }) : () -> ()
    return
  }
}

#map = affine_map<(d0, d1) -> (0)>
#map1 = affine_map<(d0, d1) -> (0, 0)>
module attributes {stable_mosaic.version = 14 : i64} {
  func.func @_deg_kernel(%arg0: i32, %arg1: i32, %arg2: memref<160000xi32, #tpu.memory_space<hbm>>, %arg3: memref<80x16xf32, #tpu.memory_space<hbm>>, %arg4: memref<640x16xf32, #tpu.memory_space<hbm>>, %arg5: memref<10240x16xf32, #tpu.memory_space<hbm>>, %arg6: memref<10000xi32, #tpu.memory_space<vmem>>, %arg7: memref<80xi32, #tpu.memory_space<vmem>>, %arg8: memref<80x16xf32, #tpu.memory_space<vmem>>, %arg9: memref<10240x16xf32, #tpu.memory_space<vmem_shared>>) attributes {dimension_semantics = [#tpu.dimension_semantics<core_parallel>, #tpu.dimension_semantics<subcore_parallel>], iteration_bounds = array<i64: 2, 16>, scalar_prefetch = 0 : i64, scratch_operands = 4 : i64, tpu.core_type = #tpu.core_type<sc_vector_subcore>, window_params = [{transform_indices = #map}, {transform_indices = #map1}, {transform_indices = #map1}, {transform_indices = #map1}]} {
    %mul3A = arith.constant 640 : i32
    %mul3A_0 = arith.muli %arg1, %mul3A : i32
    "tpu.region"() ({
      %run_scoped3A = tpu.sem_alloc : memref<!tpu.dma_semaphore, #tpu.memory_space<semaphore_mem>>
      %dma_start3A = arith.constant 0 : i32
      %dma_start3A_11 = tpu.memref_slice %arg9[%mul3A_0, %dma_start3A] : memref<10240x16xf32, #tpu.memory_space<vmem_shared>> -> memref<640x16xf32, #tpu.memory_space<vmem_shared>>
      tpu.enqueue_dma source(%arg4 : memref<640x16xf32, #tpu.memory_space<hbm>>) target(%dma_start3A_11 : memref<640x16xf32, #tpu.memory_space<vmem_shared>>) target_semaphore(%run_scoped3A : memref<!tpu.dma_semaphore, #tpu.memory_space<semaphore_mem>>)
      %dma_wait3A = arith.constant 0 : i32
      %dma_wait3A_12 = tpu.memref_slice %arg9[%mul3A_0, %dma_wait3A] : memref<10240x16xf32, #tpu.memory_space<vmem_shared>> -> memref<640x16xf32, #tpu.memory_space<vmem_shared>>
      tpu.wait_dma2 semaphore(%run_scoped3A : memref<!tpu.dma_semaphore, #tpu.memory_space<semaphore_mem>>) src(%arg4 : memref<640x16xf32, #tpu.memory_space<hbm>>) dst(%dma_wait3A_12 : memref<640x16xf32, #tpu.memory_space<vmem_shared>>)
      tpu.yield
    }) : () -> ()
    %mul3A_1 = arith.constant 10000 : i32
    %mul3A_2 = arith.muli %arg1, %mul3A_1 : i32
    "tpu.region"() ({
      %run_scoped3A = tpu.sem_alloc : memref<!tpu.dma_semaphore, #tpu.memory_space<semaphore_mem>>
      %dma_start3A = tpu.memref_slice %arg2[%mul3A_2] : memref<160000xi32, #tpu.memory_space<hbm>> -> memref<10000xi32, #tpu.memory_space<hbm>>
      %dma_start3A_11 = tpu.memref_slice %arg2[%mul3A_2] : memref<160000xi32, #tpu.memory_space<hbm>> -> memref<10000xi32, #tpu.memory_space<hbm>>
      tpu.enqueue_dma source(%dma_start3A_11 : memref<10000xi32, #tpu.memory_space<hbm>>) target(%arg6 : memref<10000xi32, #tpu.memory_space<vmem>>) target_semaphore(%run_scoped3A : memref<!tpu.dma_semaphore, #tpu.memory_space<semaphore_mem>>)
      %dma_wait3A = tpu.memref_slice %arg2[%mul3A_2] : memref<160000xi32, #tpu.memory_space<hbm>> -> memref<10000xi32, #tpu.memory_space<hbm>>
      %dma_wait3A_12 = tpu.memref_slice %arg2[%mul3A_2] : memref<160000xi32, #tpu.memory_space<hbm>> -> memref<10000xi32, #tpu.memory_space<hbm>>
      tpu.wait_dma2 semaphore(%run_scoped3A : memref<!tpu.dma_semaphore, #tpu.memory_space<semaphore_mem>>) src(%dma_wait3A_12 : memref<10000xi32, #tpu.memory_space<hbm>>) dst(%arg6 : memref<10000xi32, #tpu.memory_space<vmem>>)
      tpu.yield
    }) : () -> ()
    "tpu.region"() ({
      %run_scoped3A = tpu.sem_alloc : memref<!tpu.dma_semaphore, #tpu.memory_space<semaphore_mem>>
      tpu.enqueue_dma source(%arg3 : memref<80x16xf32, #tpu.memory_space<hbm>>) target(%arg8 : memref<80x16xf32, #tpu.memory_space<vmem>>) target_semaphore(%run_scoped3A : memref<!tpu.dma_semaphore, #tpu.memory_space<semaphore_mem>>)
      tpu.wait_dma2 semaphore(%run_scoped3A : memref<!tpu.dma_semaphore, #tpu.memory_space<semaphore_mem>>) src(%arg3 : memref<80x16xf32, #tpu.memory_space<hbm>>) dst(%arg8 : memref<80x16xf32, #tpu.memory_space<vmem>>)
      tpu.yield
    }) : () -> ()
    %barrier3A = arith.constant 0 : index
    tpu.barrier barrier_id(%barrier3A)
    %scan3A = arith.constant 0 : i32
    %scan3A_3 = arith.constant 0 : i32
    %scan3A_4 = arith.constant 125 : i32
    %scan3A_5 = arith.addi %scan3A_3, %scan3A_4 : i32
    %scan3A_6 = arith.constant 1 : i32
    scf.for %scan3A_11 = %scan3A_3 to %scan3A_5 step %scan3A_6  : i32 {
      %scan3A_12 = arith.constant 0 : i32
      %scan3A_13 = arith.constant 0 : i32
      %scan3A_14 = arith.constant 5 : i32
      %scan3A_15 = arith.addi %scan3A_13, %scan3A_14 : i32
      %scan3A_16 = arith.constant 1 : i32
      scf.for %scan3A_18 = %scan3A_13 to %scan3A_15 step %scan3A_16  : i32 {
        %mul3A_19 = arith.constant 80 : i32
        %mul3A_20 = arith.muli %scan3A_11, %mul3A_19 : i32
        %mul3A_21 = arith.constant 16 : i32
        %mul3A_22 = arith.muli %scan3A_18, %mul3A_21 : i32
        %add3A = arith.addi %mul3A_20, %mul3A_22 : i32
        %get3A = arith.index_cast %add3A : i32 to index
        %get3A_23 = tpu.vector_load %arg6[%get3A] {strides = array<i32>} : memref<10000xi32, #tpu.memory_space<vmem>>, vector<16xi32>,
        %get3A_24 = vector.shape_cast %get3A_23 : vector<16xi32> to vector<16xi32>
        %mul3A_25 = arith.constant 16 : i32
        %mul3A_26 = arith.muli %scan3A_18, %mul3A_25 : i32
        %swap3A = arith.index_cast %mul3A_26 : i32 to index
        %swap3A_27 = tpu.vector_load %arg7[%swap3A] {strides = array<i32>} : memref<80xi32, #tpu.memory_space<vmem>>, vector<16xi32>,
        %swap3A_28 = vector.shape_cast %swap3A_27 : vector<16xi32> to vector<16xi32>
        %swap3A_29 = vector.shape_cast %get3A_24 : vector<16xi32> to vector<16xi32>
        tpu.vector_store %arg7[%swap3A], %swap3A_29 {strides = array<i32>} : memref<80xi32, #tpu.memory_space<vmem>>, vector<16xi32>,
      }
      %scan3A_17 = arith.constant 5 : i32
      "tpu.region"() ({
        %run_scoped3A = tpu.sem_alloc : memref<!tpu.dma_semaphore, #tpu.memory_space<semaphore_mem>>
        %dma_start3A = arith.constant 0 : i32
        %dma_start3A_18 = arith.constant 0 : i32
        %dma_start3A_19 = tpu.memref_slice %arg9[%dma_start3A, %dma_start3A_18] : memref<10240x16xf32, #tpu.memory_space<vmem_shared>> -> memref<10240x16xf32, #tpu.memory_space<vmem_shared>>
        tpu.enqueue_indirect_dma source(%arg8 : memref<80x16xf32, #tpu.memory_space<vmem>>) target(%dma_start3A_19 : memref<10240x16xf32, #tpu.memory_space<vmem_shared>>) offsets(%arg7 : memref<80xi32, #tpu.memory_space<vmem>>) semaphore(%run_scoped3A : memref<!tpu.dma_semaphore, #tpu.memory_space<semaphore_mem>>) {add = true}
        %dma_wait3A = arith.constant 0 : i32
        %dma_wait3A_20 = arith.constant 0 : i32
        %dma_wait3A_21 = tpu.memref_slice %arg9[%dma_wait3A, %dma_wait3A_20] : memref<10240x16xf32, #tpu.memory_space<vmem_shared>> -> memref<10240x16xf32, #tpu.memory_space<vmem_shared>>
        tpu.wait_indirect_dma semaphore(%run_scoped3A : memref<!tpu.dma_semaphore, #tpu.memory_space<semaphore_mem>>) src(%arg8 : memref<80x16xf32, #tpu.memory_space<vmem>>) dst(%dma_wait3A_21 : memref<10240x16xf32, #tpu.memory_space<vmem_shared>>)
        tpu.yield
      }) : () -> ()
    }
    %scan3A_7 = arith.constant 125 : i32
    %barrier3A_8 = arith.constant 0 : index
    tpu.barrier barrier_id(%barrier3A_8)
    %eq3A = arith.constant 0 : i32
    %eq3A_9 = arith.cmpi eq, %arg0, %eq3A : i32
    %convert_element_type3A = arith.extui %eq3A_9 : i1 to i32
    %cond3A = arith.constant 0 : i32
    %cond3A_10 = arith.cmpi ne, %convert_element_type3A, %cond3A : i32
    scf.if %cond3A_10 {
      %mul3A_11 = arith.constant 640 : i32
      %mul3A_12 = arith.muli %arg1, %mul3A_11 : i32
      %mul3A_13 = arith.constant 640 : i32
      %mul3A_14 = arith.muli %arg1, %mul3A_13 : i32
      "tpu.region"() ({
        %run_scoped3A = tpu.sem_alloc : memref<!tpu.dma_semaphore, #tpu.memory_space<semaphore_mem>>
        %dma_start3A = arith.constant 0 : i32
        %dma_start3A_15 = tpu.memref_slice %arg5[%mul3A_14, %dma_start3A] : memref<10240x16xf32, #tpu.memory_space<hbm>> -> memref<640x16xf32, #tpu.memory_space<hbm>>
        %dma_start3A_16 = arith.constant 0 : i32
        %dma_start3A_17 = tpu.memref_slice %arg9[%mul3A_12, %dma_start3A_16] : memref<10240x16xf32, #tpu.memory_space<vmem_shared>> -> memref<640x16xf32, #tpu.memory_space<vmem_shared>>
        tpu.enqueue_dma source(%dma_start3A_17 : memref<640x16xf32, #tpu.memory_space<vmem_shared>>) target(%dma_start3A_15 : memref<640x16xf32, #tpu.memory_space<hbm>>) target_semaphore(%run_scoped3A : memref<!tpu.dma_semaphore, #tpu.memory_space<semaphore_mem>>)
        %dma_wait3A = arith.constant 0 : i32
        %dma_wait3A_18 = tpu.memref_slice %arg5[%mul3A_14, %dma_wait3A] : memref<10240x16xf32, #tpu.memory_space<hbm>> -> memref<640x16xf32, #tpu.memory_space<hbm>>
        %dma_wait3A_19 = arith.constant 0 : i32
        %dma_wait3A_20 = tpu.memref_slice %arg9[%mul3A_12, %dma_wait3A_19] : memref<10240x16xf32, #tpu.memory_space<vmem_shared>> -> memref<640x16xf32, #tpu.memory_space<vmem_shared>>
        tpu.wait_dma2 semaphore(%run_scoped3A : memref<!tpu.dma_semaphore, #tpu.memory_space<semaphore_mem>>) src(%dma_wait3A_20 : memref<640x16xf32, #tpu.memory_space<vmem_shared>>) dst(%dma_wait3A_18 : memref<640x16xf32, #tpu.memory_space<hbm>>)
        tpu.yield
      }) : () -> ()
    } else {
    }
    return
  }
}

#map = affine_map<(d0, d1) -> (0, 0)>
#map1 = affine_map<(d0, d1) -> (0)>
#map2 = affine_map<(d0, d1) -> (0, 0, 0)>
module attributes {stable_mosaic.version = 14 : i64} {
  func.func @_spmm_kernel(%arg0: i32, %arg1: i32, %arg2: memref<20000x128xf32, #tpu.memory_space<hbm>>, %arg3: memref<160000xi32, #tpu.memory_space<hbm>>, %arg4: memref<160000xi32, #tpu.memory_space<hbm>>, %arg5: memref<640x128xf32, #tpu.memory_space<hbm>>, %arg6: memref<2x10240x128xf32, #tpu.memory_space<hbm>>, %arg7: memref<10000xi32, #tpu.memory_space<vmem>>, %arg8: memref<10000xi32, #tpu.memory_space<vmem>>, %arg9: memref<80xi32, #tpu.memory_space<vmem>>, %arg10: memref<80xi32, #tpu.memory_space<vmem>>, %arg11: memref<80x128xf32, #tpu.memory_space<vmem>>, %arg12: memref<80x128xf32, #tpu.memory_space<vmem>>, %arg13: memref<!tpu.dma_semaphore, #tpu.memory_space<semaphore_mem>>, %arg14: memref<!tpu.dma_semaphore, #tpu.memory_space<semaphore_mem>>, %arg15: memref<10240x128xf32, #tpu.memory_space<vmem_shared>>) attributes {dimension_semantics = [#tpu.dimension_semantics<core_parallel>, #tpu.dimension_semantics<subcore_parallel>], iteration_bounds = array<i64: 2, 16>, scalar_prefetch = 0 : i64, scratch_operands = 9 : i64, tpu.core_type = #tpu.core_type<sc_vector_subcore>, window_params = [{transform_indices = #map}, {transform_indices = #map1}, {transform_indices = #map1}, {transform_indices = #map}, {transform_indices = #map2}]} {
    %mul3A = arith.constant 640 : i32
    %mul3A_0 = arith.muli %arg1, %mul3A : i32
    "tpu.region"() ({
      %run_scoped3A = tpu.sem_alloc : memref<!tpu.dma_semaphore, #tpu.memory_space<semaphore_mem>>
      %dma_start3A_35 = arith.constant 0 : i32
      %dma_start3A_36 = tpu.memref_slice %arg15[%mul3A_0, %dma_start3A_35] : memref<10240x128xf32, #tpu.memory_space<vmem_shared>> -> memref<640x128xf32, #tpu.memory_space<vmem_shared>>
      tpu.enqueue_dma source(%arg5 : memref<640x128xf32, #tpu.memory_space<hbm>>) target(%dma_start3A_36 : memref<640x128xf32, #tpu.memory_space<vmem_shared>>) target_semaphore(%run_scoped3A : memref<!tpu.dma_semaphore, #tpu.memory_space<semaphore_mem>>)
      %dma_wait3A_37 = arith.constant 0 : i32
      %dma_wait3A_38 = tpu.memref_slice %arg15[%mul3A_0, %dma_wait3A_37] : memref<10240x128xf32, #tpu.memory_space<vmem_shared>> -> memref<640x128xf32, #tpu.memory_space<vmem_shared>>
      tpu.wait_dma2 semaphore(%run_scoped3A : memref<!tpu.dma_semaphore, #tpu.memory_space<semaphore_mem>>) src(%arg5 : memref<640x128xf32, #tpu.memory_space<hbm>>) dst(%dma_wait3A_38 : memref<640x128xf32, #tpu.memory_space<vmem_shared>>)
      tpu.yield
    }) : () -> ()
    %mul3A_1 = arith.constant 10000 : i32
    %mul3A_2 = arith.muli %arg1, %mul3A_1 : i32
    "tpu.region"() ({
      %run_scoped3A = tpu.sem_alloc : memref<!tpu.dma_semaphore, #tpu.memory_space<semaphore_mem>>
      %dma_start3A_35 = tpu.memref_slice %arg3[%mul3A_2] : memref<160000xi32, #tpu.memory_space<hbm>> -> memref<10000xi32, #tpu.memory_space<hbm>>
      %dma_start3A_36 = tpu.memref_slice %arg3[%mul3A_2] : memref<160000xi32, #tpu.memory_space<hbm>> -> memref<10000xi32, #tpu.memory_space<hbm>>
      tpu.enqueue_dma source(%dma_start3A_36 : memref<10000xi32, #tpu.memory_space<hbm>>) target(%arg7 : memref<10000xi32, #tpu.memory_space<vmem>>) target_semaphore(%run_scoped3A : memref<!tpu.dma_semaphore, #tpu.memory_space<semaphore_mem>>)
      %dma_wait3A_37 = tpu.memref_slice %arg3[%mul3A_2] : memref<160000xi32, #tpu.memory_space<hbm>> -> memref<10000xi32, #tpu.memory_space<hbm>>
      %dma_wait3A_38 = tpu.memref_slice %arg3[%mul3A_2] : memref<160000xi32, #tpu.memory_space<hbm>> -> memref<10000xi32, #tpu.memory_space<hbm>>
      tpu.wait_dma2 semaphore(%run_scoped3A : memref<!tpu.dma_semaphore, #tpu.memory_space<semaphore_mem>>) src(%dma_wait3A_38 : memref<10000xi32, #tpu.memory_space<hbm>>) dst(%arg7 : memref<10000xi32, #tpu.memory_space<vmem>>)
      tpu.yield
    }) : () -> ()
    %mul3A_3 = arith.constant 10000 : i32
    %mul3A_4 = arith.muli %arg1, %mul3A_3 : i32
    "tpu.region"() ({
      %run_scoped3A = tpu.sem_alloc : memref<!tpu.dma_semaphore, #tpu.memory_space<semaphore_mem>>
      %dma_start3A_35 = tpu.memref_slice %arg4[%mul3A_4] : memref<160000xi32, #tpu.memory_space<hbm>> -> memref<10000xi32, #tpu.memory_space<hbm>>
      %dma_start3A_36 = tpu.memref_slice %arg4[%mul3A_4] : memref<160000xi32, #tpu.memory_space<hbm>> -> memref<10000xi32, #tpu.memory_space<hbm>>
      tpu.enqueue_dma source(%dma_start3A_36 : memref<10000xi32, #tpu.memory_space<hbm>>) target(%arg8 : memref<10000xi32, #tpu.memory_space<vmem>>) target_semaphore(%run_scoped3A : memref<!tpu.dma_semaphore, #tpu.memory_space<semaphore_mem>>)
      %dma_wait3A_37 = tpu.memref_slice %arg4[%mul3A_4] : memref<160000xi32, #tpu.memory_space<hbm>> -> memref<10000xi32, #tpu.memory_space<hbm>>
      %dma_wait3A_38 = tpu.memref_slice %arg4[%mul3A_4] : memref<160000xi32, #tpu.memory_space<hbm>> -> memref<10000xi32, #tpu.memory_space<hbm>>
      tpu.wait_dma2 semaphore(%run_scoped3A : memref<!tpu.dma_semaphore, #tpu.memory_space<semaphore_mem>>) src(%dma_wait3A_38 : memref<10000xi32, #tpu.memory_space<hbm>>) dst(%arg8 : memref<10000xi32, #tpu.memory_space<vmem>>)
      tpu.yield
    }) : () -> ()
    %scan3A = arith.constant 0 : i32
    %scan3A_5 = arith.constant 0 : i32
    %scan3A_6 = arith.constant 625 : i32
    %scan3A_7 = arith.addi %scan3A_5, %scan3A_6 : i32
    %scan3A_8 = arith.constant 1 : i32
    scf.for %scan3A_35 = %scan3A_5 to %scan3A_7 step %scan3A_8  : i32 {
      %mul3A_36 = arith.constant 16 : i32
      %mul3A_37 = arith.muli %scan3A_35, %mul3A_36 : i32
      %get3A = arith.index_cast %mul3A_37 : i32 to index
      %get3A_38 = tpu.vector_load %arg7[%get3A] {strides = array<i32>} : memref<10000xi32, #tpu.memory_space<vmem>>, vector<16xi32>,
      %get3A_39 = vector.shape_cast %get3A_38 : vector<16xi32> to vector<16xi32>
      %mul3A_40 = arith.constant 2 : i32
      %mul3A_41 = vector.broadcast %mul3A_40 : i32 to vector<16xi32>
      %mul3A_42 = arith.muli %get3A_39, %mul3A_41 : vector<16xi32>
      %add3A = vector.broadcast %arg0 : i32 to vector<16xi32>
      %add3A_43 = arith.addi %mul3A_42, %add3A : vector<16xi32>
      %mul3A_44 = arith.constant 16 : i32
      %mul3A_45 = arith.muli %scan3A_35, %mul3A_44 : i32
      %swap3A = arith.index_cast %mul3A_45 : i32 to index
      %swap3A_46 = tpu.vector_load %arg7[%swap3A] {strides = array<i32>} : memref<10000xi32, #tpu.memory_space<vmem>>, vector<16xi32>,
      %swap3A_47 = vector.shape_cast %swap3A_46 : vector<16xi32> to vector<16xi32>
      %swap3A_48 = vector.shape_cast %add3A_43 : vector<16xi32> to vector<16xi32>
      tpu.vector_store %arg7[%swap3A], %swap3A_48 {strides = array<i32>} : memref<10000xi32, #tpu.memory_space<vmem>>, vector<16xi32>,
    }
    %scan3A_9 = arith.constant 625 : i32
    %barrier3A = arith.constant 0 : index
    tpu.barrier barrier_id(%barrier3A)
    %dma_start3A = arith.constant 0 : i32
    %dma_start3A_10 = tpu.memref_slice %arg7[%dma_start3A] : memref<10000xi32, #tpu.memory_space<vmem>> -> memref<80xi32, #tpu.memory_space<vmem>>
    %dma_start3A_11 = arith.constant 0 : i32
    %dma_start3A_12 = arith.constant 0 : i32
    %dma_start3A_13 = tpu.memref_slice %arg2[%dma_start3A_11, %dma_start3A_12] : memref<20000x128xf32, #tpu.memory_space<hbm>> -> memref<20000x128xf32, #tpu.memory_space<hbm>>
    tpu.enqueue_indirect_dma source(%dma_start3A_13 : memref<20000x128xf32, #tpu.memory_space<hbm>>) target(%arg11 : memref<80x128xf32, #tpu.memory_space<vmem>>) offsets(%dma_start3A_10 : memref<80xi32, #tpu.memory_space<vmem>>) semaphore(%arg13 : memref<!tpu.dma_semaphore, #tpu.memory_space<semaphore_mem>>)
    %scan3A_14 = arith.constant 0 : i32
    %scan3A_15 = arith.constant 0 : i32
    %scan3A_16 = arith.constant 62 : i32
    %scan3A_17 = arith.addi %scan3A_15, %scan3A_16 : i32
    %scan3A_18 = arith.constant 1 : i32
    scf.for %scan3A_35 = %scan3A_15 to %scan3A_17 step %scan3A_18  : i32 {
      %mul3A_36 = arith.constant 2 : i32
      %mul3A_37 = arith.muli %mul3A_36, %scan3A_35 : i32
      %add3A = arith.constant 1 : i32
      %add3A_38 = arith.addi %mul3A_37, %add3A : i32
      %mul3A_39 = arith.constant 80 : i32
      %mul3A_40 = arith.muli %add3A_38, %mul3A_39 : i32
      %dma_start3A_41 = tpu.memref_slice %arg7[%mul3A_40] : memref<10000xi32, #tpu.memory_space<vmem>> -> memref<80xi32, #tpu.memory_space<vmem>>
      %dma_start3A_42 = arith.constant 0 : i32
      %dma_start3A_43 = arith.constant 0 : i32
      %dma_start3A_44 = tpu.memref_slice %arg2[%dma_start3A_42, %dma_start3A_43] : memref<20000x128xf32, #tpu.memory_space<hbm>> -> memref<20000x128xf32, #tpu.memory_space<hbm>>
      tpu.enqueue_indirect_dma source(%dma_start3A_44 : memref<20000x128xf32, #tpu.memory_space<hbm>>) target(%arg12 : memref<80x128xf32, #tpu.memory_space<vmem>>) offsets(%dma_start3A_41 : memref<80xi32, #tpu.memory_space<vmem>>) semaphore(%arg14 : memref<!tpu.dma_semaphore, #tpu.memory_space<semaphore_mem>>)
      %mul3A_45 = arith.constant 2 : i32
      %mul3A_46 = arith.muli %mul3A_45, %scan3A_35 : i32
      %mul3A_47 = arith.constant 80 : i32
      %mul3A_48 = arith.muli %mul3A_46, %mul3A_47 : i32
      %dma_wait3A_49 = tpu.memref_slice %arg7[%mul3A_48] : memref<10000xi32, #tpu.memory_space<vmem>> -> memref<80xi32, #tpu.memory_space<vmem>>
      %dma_wait3A_50 = arith.constant 0 : i32
      %dma_wait3A_51 = arith.constant 0 : i32
      %dma_wait3A_52 = tpu.memref_slice %arg2[%dma_wait3A_50, %dma_wait3A_51] : memref<20000x128xf32, #tpu.memory_space<hbm>> -> memref<20000x128xf32, #tpu.memory_space<hbm>>
      tpu.wait_indirect_dma semaphore(%arg13 : memref<!tpu.dma_semaphore, #tpu.memory_space<semaphore_mem>>) src(%dma_wait3A_52 : memref<20000x128xf32, #tpu.memory_space<hbm>>) dst(%arg11 : memref<80x128xf32, #tpu.memory_space<vmem>>)
      %scan3A_53 = arith.constant 0 : i32
      %scan3A_54 = arith.constant 0 : i32
      %scan3A_55 = arith.constant 5 : i32
      %scan3A_56 = arith.addi %scan3A_54, %scan3A_55 : i32
      %scan3A_57 = arith.constant 1 : i32
      scf.for %scan3A_85 = %scan3A_54 to %scan3A_56 step %scan3A_57  : i32 {
        %mul3A_86 = arith.constant 80 : i32
        %mul3A_87 = arith.muli %mul3A_46, %mul3A_86 : i32
        %mul3A_88 = arith.constant 16 : i32
        %mul3A_89 = arith.muli %scan3A_85, %mul3A_88 : i32
        %add3A_90 = arith.addi %mul3A_87, %mul3A_89 : i32
        %get3A = arith.index_cast %add3A_90 : i32 to index
        %get3A_91 = tpu.vector_load %arg8[%get3A] {strides = array<i32>} : memref<10000xi32, #tpu.memory_space<vmem>>, vector<16xi32>,
        %get3A_92 = vector.shape_cast %get3A_91 : vector<16xi32> to vector<16xi32>
        %mul3A_93 = arith.constant 16 : i32
        %mul3A_94 = arith.muli %scan3A_85, %mul3A_93 : i32
        %swap3A = arith.index_cast %mul3A_94 : i32 to index
        %swap3A_95 = tpu.vector_load %arg9[%swap3A] {strides = array<i32>} : memref<80xi32, #tpu.memory_space<vmem>>, vector<16xi32>,
        %swap3A_96 = vector.shape_cast %swap3A_95 : vector<16xi32> to vector<16xi32>
        %swap3A_97 = vector.shape_cast %get3A_92 : vector<16xi32> to vector<16xi32>
        tpu.vector_store %arg9[%swap3A], %swap3A_97 {strides = array<i32>} : memref<80xi32, #tpu.memory_space<vmem>>, vector<16xi32>,
      }
      %scan3A_58 = arith.constant 5 : i32
      "tpu.region"() ({
        %run_scoped3A = tpu.sem_alloc : memref<!tpu.dma_semaphore, #tpu.memory_space<semaphore_mem>>
        %dma_start3A_85 = arith.constant 0 : i32
        %dma_start3A_86 = arith.constant 0 : i32
        %dma_start3A_87 = tpu.memref_slice %arg15[%dma_start3A_85, %dma_start3A_86] : memref<10240x128xf32, #tpu.memory_space<vmem_shared>> -> memref<10240x128xf32, #tpu.memory_space<vmem_shared>>
        tpu.enqueue_indirect_dma source(%arg11 : memref<80x128xf32, #tpu.memory_space<vmem>>) target(%dma_start3A_87 : memref<10240x128xf32, #tpu.memory_space<vmem_shared>>) offsets(%arg9 : memref<80xi32, #tpu.memory_space<vmem>>) semaphore(%run_scoped3A : memref<!tpu.dma_semaphore, #tpu.memory_space<semaphore_mem>>) {add = true}
        %dma_wait3A_88 = arith.constant 0 : i32
        %dma_wait3A_89 = arith.constant 0 : i32
        %dma_wait3A_90 = tpu.memref_slice %arg15[%dma_wait3A_88, %dma_wait3A_89] : memref<10240x128xf32, #tpu.memory_space<vmem_shared>> -> memref<10240x128xf32, #tpu.memory_space<vmem_shared>>
        tpu.wait_indirect_dma semaphore(%run_scoped3A : memref<!tpu.dma_semaphore, #tpu.memory_space<semaphore_mem>>) src(%arg11 : memref<80x128xf32, #tpu.memory_space<vmem>>) dst(%dma_wait3A_90 : memref<10240x128xf32, #tpu.memory_space<vmem_shared>>)
        tpu.yield
      }) : () -> ()
      %mul3A_59 = arith.constant 2 : i32
      %mul3A_60 = arith.muli %mul3A_59, %scan3A_35 : i32
      %add3A_61 = arith.constant 2 : i32
      %add3A_62 = arith.addi %mul3A_60, %add3A_61 : i32
      %mul3A_63 = arith.constant 80 : i32
      %mul3A_64 = arith.muli %add3A_62, %mul3A_63 : i32
      %dma_start3A_65 = tpu.memref_slice %arg7[%mul3A_64] : memref<10000xi32, #tpu.memory_space<vmem>> -> memref<80xi32, #tpu.memory_space<vmem>>
      %dma_start3A_66 = arith.constant 0 : i32
      %dma_start3A_67 = arith.constant 0 : i32
      %dma_start3A_68 = tpu.memref_slice %arg2[%dma_start3A_66, %dma_start3A_67] : memref<20000x128xf32, #tpu.memory_space<hbm>> -> memref<20000x128xf32, #tpu.memory_space<hbm>>
      tpu.enqueue_indirect_dma source(%dma_start3A_68 : memref<20000x128xf32, #tpu.memory_space<hbm>>) target(%arg11 : memref<80x128xf32, #tpu.memory_space<vmem>>) offsets(%dma_start3A_65 : memref<80xi32, #tpu.memory_space<vmem>>) semaphore(%arg13 : memref<!tpu.dma_semaphore, #tpu.memory_space<semaphore_mem>>)
      %mul3A_69 = arith.constant 2 : i32
      %mul3A_70 = arith.muli %mul3A_69, %scan3A_35 : i32
      %add3A_71 = arith.constant 1 : i32
      %add3A_72 = arith.addi %mul3A_70, %add3A_71 : i32
      %mul3A_73 = arith.constant 80 : i32
      %mul3A_74 = arith.muli %add3A_72, %mul3A_73 : i32
      %dma_wait3A_75 = tpu.memref_slice %arg7[%mul3A_74] : memref<10000xi32, #tpu.memory_space<vmem>> -> memref<80xi32, #tpu.memory_space<vmem>>
      %dma_wait3A_76 = arith.constant 0 : i32
      %dma_wait3A_77 = arith.constant 0 : i32
      %dma_wait3A_78 = tpu.memref_slice %arg2[%dma_wait3A_76, %dma_wait3A_77] : memref<20000x128xf32, #tpu.memory_space<hbm>> -> memref<20000x128xf32, #tpu.memory_space<hbm>>
      tpu.wait_indirect_dma semaphore(%arg14 : memref<!tpu.dma_semaphore, #tpu.memory_space<semaphore_mem>>) src(%dma_wait3A_78 : memref<20000x128xf32, #tpu.memory_space<hbm>>) dst(%arg12 : memref<80x128xf32, #tpu.memory_space<vmem>>)
      %scan3A_79 = arith.constant 0 : i32
      %scan3A_80 = arith.constant 0 : i32
      %scan3A_81 = arith.constant 5 : i32
      %scan3A_82 = arith.addi %scan3A_80, %scan3A_81 : i32
      %scan3A_83 = arith.constant 1 : i32
      scf.for %scan3A_85 = %scan3A_80 to %scan3A_82 step %scan3A_83  : i32 {
        %mul3A_86 = arith.constant 80 : i32
        %mul3A_87 = arith.muli %add3A_72, %mul3A_86 : i32
        %mul3A_88 = arith.constant 16 : i32
        %mul3A_89 = arith.muli %scan3A_85, %mul3A_88 : i32
        %add3A_90 = arith.addi %mul3A_87, %mul3A_89 : i32
        %get3A = arith.index_cast %add3A_90 : i32 to index
        %get3A_91 = tpu.vector_load %arg8[%get3A] {strides = array<i32>} : memref<10000xi32, #tpu.memory_space<vmem>>, vector<16xi32>,
        %get3A_92 = vector.shape_cast %get3A_91 : vector<16xi32> to vector<16xi32>
        %mul3A_93 = arith.constant 16 : i32
        %mul3A_94 = arith.muli %scan3A_85, %mul3A_93 : i32
        %swap3A = arith.index_cast %mul3A_94 : i32 to index
        %swap3A_95 = tpu.vector_load %arg10[%swap3A] {strides = array<i32>} : memref<80xi32, #tpu.memory_space<vmem>>, vector<16xi32>,
        %swap3A_96 = vector.shape_cast %swap3A_95 : vector<16xi32> to vector<16xi32>
        %swap3A_97 = vector.shape_cast %get3A_92 : vector<16xi32> to vector<16xi32>
        tpu.vector_store %arg10[%swap3A], %swap3A_97 {strides = array<i32>} : memref<80xi32, #tpu.memory_space<vmem>>, vector<16xi32>,
      }
      %scan3A_84 = arith.constant 5 : i32
      "tpu.region"() ({
        %run_scoped3A = tpu.sem_alloc : memref<!tpu.dma_semaphore, #tpu.memory_space<semaphore_mem>>
        %dma_start3A_85 = arith.constant 0 : i32
        %dma_start3A_86 = arith.constant 0 : i32
        %dma_start3A_87 = tpu.memref_slice %arg15[%dma_start3A_85, %dma_start3A_86] : memref<10240x128xf32, #tpu.memory_space<vmem_shared>> -> memref<10240x128xf32, #tpu.memory_space<vmem_shared>>
        tpu.enqueue_indirect_dma source(%arg12 : memref<80x128xf32, #tpu.memory_space<vmem>>) target(%dma_start3A_87 : memref<10240x128xf32, #tpu.memory_space<vmem_shared>>) offsets(%arg10 : memref<80xi32, #tpu.memory_space<vmem>>) semaphore(%run_scoped3A : memref<!tpu.dma_semaphore, #tpu.memory_space<semaphore_mem>>) {add = true}
        %dma_wait3A_88 = arith.constant 0 : i32
        %dma_wait3A_89 = arith.constant 0 : i32
        %dma_wait3A_90 = tpu.memref_slice %arg15[%dma_wait3A_88, %dma_wait3A_89] : memref<10240x128xf32, #tpu.memory_space<vmem_shared>> -> memref<10240x128xf32, #tpu.memory_space<vmem_shared>>
        tpu.wait_indirect_dma semaphore(%run_scoped3A : memref<!tpu.dma_semaphore, #tpu.memory_space<semaphore_mem>>) src(%arg12 : memref<80x128xf32, #tpu.memory_space<vmem>>) dst(%dma_wait3A_90 : memref<10240x128xf32, #tpu.memory_space<vmem_shared>>)
        tpu.yield
      }) : () -> ()
    }
    %scan3A_19 = arith.constant 62 : i32
    %dma_wait3A = arith.constant 9920 : i32
    %dma_wait3A_20 = tpu.memref_slice %arg7[%dma_wait3A] : memref<10000xi32, #tpu.memory_space<vmem>> -> memref<80xi32, #tpu.memory_space<vmem>>
    %dma_wait3A_21 = arith.constant 0 : i32
    %dma_wait3A_22 = arith.constant 0 : i32
    %dma_wait3A_23 = tpu.memref_slice %arg2[%dma_wait3A_21, %dma_wait3A_22] : memref<20000x128xf32, #tpu.memory_space<hbm>> -> memref<20000x128xf32, #tpu.memory_space<hbm>>
    tpu.wait_indirect_dma semaphore(%arg13 : memref<!tpu.dma_semaphore, #tpu.memory_space<semaphore_mem>>) src(%dma_wait3A_23 : memref<20000x128xf32, #tpu.memory_space<hbm>>) dst(%arg11 : memref<80x128xf32, #tpu.memory_space<vmem>>)
    %scan3A_24 = arith.constant 0 : i32
    %scan3A_25 = arith.constant 0 : i32
    %scan3A_26 = arith.constant 5 : i32
    %scan3A_27 = arith.addi %scan3A_25, %scan3A_26 : i32
    %scan3A_28 = arith.constant 1 : i32
    scf.for %scan3A_35 = %scan3A_25 to %scan3A_27 step %scan3A_28  : i32 {
      %mul3A_36 = arith.constant 16 : i32
      %mul3A_37 = arith.muli %scan3A_35, %mul3A_36 : i32
      %add3A = arith.constant 9920 : i32
      %add3A_38 = arith.addi %add3A, %mul3A_37 : i32
      %get3A = arith.index_cast %add3A_38 : i32 to index
      %get3A_39 = tpu.vector_load %arg8[%get3A] {strides = array<i32>} : memref<10000xi32, #tpu.memory_space<vmem>>, vector<16xi32>,
      %get3A_40 = vector.shape_cast %get3A_39 : vector<16xi32> to vector<16xi32>
      %mul3A_41 = arith.constant 16 : i32
      %mul3A_42 = arith.muli %scan3A_35, %mul3A_41 : i32
      %swap3A = arith.index_cast %mul3A_42 : i32 to index
      %swap3A_43 = tpu.vector_load %arg9[%swap3A] {strides = array<i32>} : memref<80xi32, #tpu.memory_space<vmem>>, vector<16xi32>,
      %swap3A_44 = vector.shape_cast %swap3A_43 : vector<16xi32> to vector<16xi32>
      %swap3A_45 = vector.shape_cast %get3A_40 : vector<16xi32> to vector<16xi32>
      tpu.vector_store %arg9[%swap3A], %swap3A_45 {strides = array<i32>} : memref<80xi32, #tpu.memory_space<vmem>>, vector<16xi32>,
    }
    %scan3A_29 = arith.constant 5 : i32
    "tpu.region"() ({
      %run_scoped3A = tpu.sem_alloc : memref<!tpu.dma_semaphore, #tpu.memory_space<semaphore_mem>>
      %dma_start3A_35 = arith.constant 0 : i32
      %dma_start3A_36 = arith.constant 0 : i32
      %dma_start3A_37 = tpu.memref_slice %arg15[%dma_start3A_35, %dma_start3A_36] : memref<10240x128xf32, #tpu.memory_space<vmem_shared>> -> memref<10240x128xf32, #tpu.memory_space<vmem_shared>>
      tpu.enqueue_indirect_dma source(%arg11 : memref<80x128xf32, #tpu.memory_space<vmem>>) target(%dma_start3A_37 : memref<10240x128xf32, #tpu.memory_space<vmem_shared>>) offsets(%arg9 : memref<80xi32, #tpu.memory_space<vmem>>) semaphore(%run_scoped3A : memref<!tpu.dma_semaphore, #tpu.memory_space<semaphore_mem>>) {add = true}
      %dma_wait3A_38 = arith.constant 0 : i32
      %dma_wait3A_39 = arith.constant 0 : i32
      %dma_wait3A_40 = tpu.memref_slice %arg15[%dma_wait3A_38, %dma_wait3A_39] : memref<10240x128xf32, #tpu.memory_space<vmem_shared>> -> memref<10240x128xf32, #tpu.memory_space<vmem_shared>>
      tpu.wait_indirect_dma semaphore(%run_scoped3A : memref<!tpu.dma_semaphore, #tpu.memory_space<semaphore_mem>>) src(%arg11 : memref<80x128xf32, #tpu.memory_space<vmem>>) dst(%dma_wait3A_40 : memref<10240x128xf32, #tpu.memory_space<vmem_shared>>)
      tpu.yield
    }) : () -> ()
    %barrier3A_30 = arith.constant 0 : index
    tpu.barrier barrier_id(%barrier3A_30)
    %mul3A_31 = arith.constant 640 : i32
    %mul3A_32 = arith.muli %arg1, %mul3A_31 : i32
    %mul3A_33 = arith.constant 640 : i32
    %mul3A_34 = arith.muli %arg1, %mul3A_33 : i32
    "tpu.region"() ({
      %run_scoped3A = tpu.sem_alloc : memref<!tpu.dma_semaphore, #tpu.memory_space<semaphore_mem>>
      %dma_start3A_35 = arith.constant 0 : i32
      %dma_start3A_36 = tpu.memref_slice %arg6[%arg0, %mul3A_34, %dma_start3A_35] : memref<2x10240x128xf32, #tpu.memory_space<hbm>> -> memref<1x640x128xf32, #tpu.memory_space<hbm>>
      %dma_start3A_37 = tpu.memref_squeeze %dma_start3A_36 : memref<1x640x128xf32, #tpu.memory_space<hbm>> -> memref<640x128xf32, #tpu.memory_space<hbm>>
      %dma_start3A_38 = arith.constant 0 : i32
      %dma_start3A_39 = tpu.memref_slice %arg15[%mul3A_32, %dma_start3A_38] : memref<10240x128xf32, #tpu.memory_space<vmem_shared>> -> memref<640x128xf32, #tpu.memory_space<vmem_shared>>
      tpu.enqueue_dma source(%dma_start3A_39 : memref<640x128xf32, #tpu.memory_space<vmem_shared>>) target(%dma_start3A_37 : memref<640x128xf32, #tpu.memory_space<hbm>>) target_semaphore(%run_scoped3A : memref<!tpu.dma_semaphore, #tpu.memory_space<semaphore_mem>>)
      %dma_wait3A_40 = arith.constant 0 : i32
      %dma_wait3A_41 = tpu.memref_slice %arg6[%arg0, %mul3A_34, %dma_wait3A_40] : memref<2x10240x128xf32, #tpu.memory_space<hbm>> -> memref<1x640x128xf32, #tpu.memory_space<hbm>>
      %dma_wait3A_42 = tpu.memref_squeeze %dma_wait3A_41 : memref<1x640x128xf32, #tpu.memory_space<hbm>> -> memref<640x128xf32, #tpu.memory_space<hbm>>
      %dma_wait3A_43 = arith.constant 0 : i32
      %dma_wait3A_44 = tpu.memref_slice %arg15[%mul3A_32, %dma_wait3A_43] : memref<10240x128xf32, #tpu.memory_space<vmem_shared>> -> memref<640x128xf32, #tpu.memory_space<vmem_shared>>
      tpu.wait_dma2 semaphore(%run_scoped3A : memref<!tpu.dma_semaphore, #tpu.memory_space<semaphore_mem>>) src(%dma_wait3A_44 : memref<640x128xf32, #tpu.memory_space<vmem_shared>>) dst(%dma_wait3A_42 : memref<640x128xf32, #tpu.memory_space<hbm>>)
      tpu.yield
    }) : () -> ()
    return
  }
}

#map = affine_map<(d0, d1) -> (0, 0)>
#map1 = affine_map<(d0, d1) -> (0)>
#map2 = affine_map<(d0, d1) -> (0, 0, 0)>
module attributes {stable_mosaic.version = 14 : i64} {
  func.func @_spmm_kernel(%arg0: i32, %arg1: i32, %arg2: memref<20000x128xf32, #tpu.memory_space<hbm>>, %arg3: memref<160000xi32, #tpu.memory_space<hbm>>, %arg4: memref<160000xi32, #tpu.memory_space<hbm>>, %arg5: memref<640x128xf32, #tpu.memory_space<hbm>>, %arg6: memref<2x10240x128xf32, #tpu.memory_space<hbm>>, %arg7: memref<10000xi32, #tpu.memory_space<vmem>>, %arg8: memref<10000xi32, #tpu.memory_space<vmem>>, %arg9: memref<80xi32, #tpu.memory_space<vmem>>, %arg10: memref<80xi32, #tpu.memory_space<vmem>>, %arg11: memref<80x128xf32, #tpu.memory_space<vmem>>, %arg12: memref<80x128xf32, #tpu.memory_space<vmem>>, %arg13: memref<!tpu.dma_semaphore, #tpu.memory_space<semaphore_mem>>, %arg14: memref<!tpu.dma_semaphore, #tpu.memory_space<semaphore_mem>>, %arg15: memref<10240x128xf32, #tpu.memory_space<vmem_shared>>) attributes {dimension_semantics = [#tpu.dimension_semantics<core_parallel>, #tpu.dimension_semantics<subcore_parallel>], iteration_bounds = array<i64: 2, 16>, scalar_prefetch = 0 : i64, scratch_operands = 9 : i64, tpu.core_type = #tpu.core_type<sc_vector_subcore>, window_params = [{transform_indices = #map}, {transform_indices = #map1}, {transform_indices = #map1}, {transform_indices = #map}, {transform_indices = #map2}]} {
    %mul3A = arith.constant 640 : i32
    %mul3A_0 = arith.muli %arg1, %mul3A : i32
    "tpu.region"() ({
      %run_scoped3A = tpu.sem_alloc : memref<!tpu.dma_semaphore, #tpu.memory_space<semaphore_mem>>
      %dma_start3A_35 = arith.constant 0 : i32
      %dma_start3A_36 = tpu.memref_slice %arg15[%mul3A_0, %dma_start3A_35] : memref<10240x128xf32, #tpu.memory_space<vmem_shared>> -> memref<640x128xf32, #tpu.memory_space<vmem_shared>>
      tpu.enqueue_dma source(%arg5 : memref<640x128xf32, #tpu.memory_space<hbm>>) target(%dma_start3A_36 : memref<640x128xf32, #tpu.memory_space<vmem_shared>>) target_semaphore(%run_scoped3A : memref<!tpu.dma_semaphore, #tpu.memory_space<semaphore_mem>>)
      %dma_wait3A_37 = arith.constant 0 : i32
      %dma_wait3A_38 = tpu.memref_slice %arg15[%mul3A_0, %dma_wait3A_37] : memref<10240x128xf32, #tpu.memory_space<vmem_shared>> -> memref<640x128xf32, #tpu.memory_space<vmem_shared>>
      tpu.wait_dma2 semaphore(%run_scoped3A : memref<!tpu.dma_semaphore, #tpu.memory_space<semaphore_mem>>) src(%arg5 : memref<640x128xf32, #tpu.memory_space<hbm>>) dst(%dma_wait3A_38 : memref<640x128xf32, #tpu.memory_space<vmem_shared>>)
      tpu.yield
    }) : () -> ()
    %mul3A_1 = arith.constant 10000 : i32
    %mul3A_2 = arith.muli %arg1, %mul3A_1 : i32
    "tpu.region"() ({
      %run_scoped3A = tpu.sem_alloc : memref<!tpu.dma_semaphore, #tpu.memory_space<semaphore_mem>>
      %dma_start3A_35 = tpu.memref_slice %arg3[%mul3A_2] : memref<160000xi32, #tpu.memory_space<hbm>> -> memref<10000xi32, #tpu.memory_space<hbm>>
      %dma_start3A_36 = tpu.memref_slice %arg3[%mul3A_2] : memref<160000xi32, #tpu.memory_space<hbm>> -> memref<10000xi32, #tpu.memory_space<hbm>>
      tpu.enqueue_dma source(%dma_start3A_36 : memref<10000xi32, #tpu.memory_space<hbm>>) target(%arg7 : memref<10000xi32, #tpu.memory_space<vmem>>) target_semaphore(%run_scoped3A : memref<!tpu.dma_semaphore, #tpu.memory_space<semaphore_mem>>)
      %dma_wait3A_37 = tpu.memref_slice %arg3[%mul3A_2] : memref<160000xi32, #tpu.memory_space<hbm>> -> memref<10000xi32, #tpu.memory_space<hbm>>
      %dma_wait3A_38 = tpu.memref_slice %arg3[%mul3A_2] : memref<160000xi32, #tpu.memory_space<hbm>> -> memref<10000xi32, #tpu.memory_space<hbm>>
      tpu.wait_dma2 semaphore(%run_scoped3A : memref<!tpu.dma_semaphore, #tpu.memory_space<semaphore_mem>>) src(%dma_wait3A_38 : memref<10000xi32, #tpu.memory_space<hbm>>) dst(%arg7 : memref<10000xi32, #tpu.memory_space<vmem>>)
      tpu.yield
    }) : () -> ()
    %mul3A_3 = arith.constant 10000 : i32
    %mul3A_4 = arith.muli %arg1, %mul3A_3 : i32
    "tpu.region"() ({
      %run_scoped3A = tpu.sem_alloc : memref<!tpu.dma_semaphore, #tpu.memory_space<semaphore_mem>>
      %dma_start3A_35 = tpu.memref_slice %arg4[%mul3A_4] : memref<160000xi32, #tpu.memory_space<hbm>> -> memref<10000xi32, #tpu.memory_space<hbm>>
      %dma_start3A_36 = tpu.memref_slice %arg4[%mul3A_4] : memref<160000xi32, #tpu.memory_space<hbm>> -> memref<10000xi32, #tpu.memory_space<hbm>>
      tpu.enqueue_dma source(%dma_start3A_36 : memref<10000xi32, #tpu.memory_space<hbm>>) target(%arg8 : memref<10000xi32, #tpu.memory_space<vmem>>) target_semaphore(%run_scoped3A : memref<!tpu.dma_semaphore, #tpu.memory_space<semaphore_mem>>)
      %dma_wait3A_37 = tpu.memref_slice %arg4[%mul3A_4] : memref<160000xi32, #tpu.memory_space<hbm>> -> memref<10000xi32, #tpu.memory_space<hbm>>
      %dma_wait3A_38 = tpu.memref_slice %arg4[%mul3A_4] : memref<160000xi32, #tpu.memory_space<hbm>> -> memref<10000xi32, #tpu.memory_space<hbm>>
      tpu.wait_dma2 semaphore(%run_scoped3A : memref<!tpu.dma_semaphore, #tpu.memory_space<semaphore_mem>>) src(%dma_wait3A_38 : memref<10000xi32, #tpu.memory_space<hbm>>) dst(%arg8 : memref<10000xi32, #tpu.memory_space<vmem>>)
      tpu.yield
    }) : () -> ()
    %scan3A = arith.constant 0 : i32
    %scan3A_5 = arith.constant 0 : i32
    %scan3A_6 = arith.constant 625 : i32
    %scan3A_7 = arith.addi %scan3A_5, %scan3A_6 : i32
    %scan3A_8 = arith.constant 1 : i32
    scf.for %scan3A_35 = %scan3A_5 to %scan3A_7 step %scan3A_8  : i32 {
      %mul3A_36 = arith.constant 16 : i32
      %mul3A_37 = arith.muli %scan3A_35, %mul3A_36 : i32
      %get3A = arith.index_cast %mul3A_37 : i32 to index
      %get3A_38 = tpu.vector_load %arg7[%get3A] {strides = array<i32>} : memref<10000xi32, #tpu.memory_space<vmem>>, vector<16xi32>,
      %get3A_39 = vector.shape_cast %get3A_38 : vector<16xi32> to vector<16xi32>
      %mul3A_40 = arith.constant 2 : i32
      %mul3A_41 = vector.broadcast %mul3A_40 : i32 to vector<16xi32>
      %mul3A_42 = arith.muli %get3A_39, %mul3A_41 : vector<16xi32>
      %add3A = vector.broadcast %arg0 : i32 to vector<16xi32>
      %add3A_43 = arith.addi %mul3A_42, %add3A : vector<16xi32>
      %mul3A_44 = arith.constant 16 : i32
      %mul3A_45 = arith.muli %scan3A_35, %mul3A_44 : i32
      %swap3A = arith.index_cast %mul3A_45 : i32 to index
      %swap3A_46 = tpu.vector_load %arg7[%swap3A] {strides = array<i32>} : memref<10000xi32, #tpu.memory_space<vmem>>, vector<16xi32>,
      %swap3A_47 = vector.shape_cast %swap3A_46 : vector<16xi32> to vector<16xi32>
      %swap3A_48 = vector.shape_cast %add3A_43 : vector<16xi32> to vector<16xi32>
      tpu.vector_store %arg7[%swap3A], %swap3A_48 {strides = array<i32>} : memref<10000xi32, #tpu.memory_space<vmem>>, vector<16xi32>,
    }
    %scan3A_9 = arith.constant 625 : i32
    %barrier3A = arith.constant 0 : index
    tpu.barrier barrier_id(%barrier3A)
    %dma_start3A = arith.constant 0 : i32
    %dma_start3A_10 = tpu.memref_slice %arg7[%dma_start3A] : memref<10000xi32, #tpu.memory_space<vmem>> -> memref<80xi32, #tpu.memory_space<vmem>>
    %dma_start3A_11 = arith.constant 0 : i32
    %dma_start3A_12 = arith.constant 0 : i32
    %dma_start3A_13 = tpu.memref_slice %arg2[%dma_start3A_11, %dma_start3A_12] : memref<20000x128xf32, #tpu.memory_space<hbm>> -> memref<20000x128xf32, #tpu.memory_space<hbm>>
    tpu.enqueue_indirect_dma source(%dma_start3A_13 : memref<20000x128xf32, #tpu.memory_space<hbm>>) target(%arg11 : memref<80x128xf32, #tpu.memory_space<vmem>>) offsets(%dma_start3A_10 : memref<80xi32, #tpu.memory_space<vmem>>) semaphore(%arg13 : memref<!tpu.dma_semaphore, #tpu.memory_space<semaphore_mem>>)
    %scan3A_14 = arith.constant 0 : i32
    %scan3A_15 = arith.constant 0 : i32
    %scan3A_16 = arith.constant 62 : i32
    %scan3A_17 = arith.addi %scan3A_15, %scan3A_16 : i32
    %scan3A_18 = arith.constant 1 : i32
    scf.for %scan3A_35 = %scan3A_15 to %scan3A_17 step %scan3A_18  : i32 {
      %mul3A_36 = arith.constant 2 : i32
      %mul3A_37 = arith.muli %mul3A_36, %scan3A_35 : i32
      %add3A = arith.constant 1 : i32
      %add3A_38 = arith.addi %mul3A_37, %add3A : i32
      %mul3A_39 = arith.constant 80 : i32
      %mul3A_40 = arith.muli %add3A_38, %mul3A_39 : i32
      %dma_start3A_41 = tpu.memref_slice %arg7[%mul3A_40] : memref<10000xi32, #tpu.memory_space<vmem>> -> memref<80xi32, #tpu.memory_space<vmem>>
      %dma_start3A_42 = arith.constant 0 : i32
      %dma_start3A_43 = arith.constant 0 : i32
      %dma_start3A_44 = tpu.memref_slice %arg2[%dma_start3A_42, %dma_start3A_43] : memref<20000x128xf32, #tpu.memory_space<hbm>> -> memref<20000x128xf32, #tpu.memory_space<hbm>>
      tpu.enqueue_indirect_dma source(%dma_start3A_44 : memref<20000x128xf32, #tpu.memory_space<hbm>>) target(%arg12 : memref<80x128xf32, #tpu.memory_space<vmem>>) offsets(%dma_start3A_41 : memref<80xi32, #tpu.memory_space<vmem>>) semaphore(%arg14 : memref<!tpu.dma_semaphore, #tpu.memory_space<semaphore_mem>>)
      %mul3A_45 = arith.constant 2 : i32
      %mul3A_46 = arith.muli %mul3A_45, %scan3A_35 : i32
      %mul3A_47 = arith.constant 80 : i32
      %mul3A_48 = arith.muli %mul3A_46, %mul3A_47 : i32
      %dma_wait3A_49 = tpu.memref_slice %arg7[%mul3A_48] : memref<10000xi32, #tpu.memory_space<vmem>> -> memref<80xi32, #tpu.memory_space<vmem>>
      %dma_wait3A_50 = arith.constant 0 : i32
      %dma_wait3A_51 = arith.constant 0 : i32
      %dma_wait3A_52 = tpu.memref_slice %arg2[%dma_wait3A_50, %dma_wait3A_51] : memref<20000x128xf32, #tpu.memory_space<hbm>> -> memref<20000x128xf32, #tpu.memory_space<hbm>>
      tpu.wait_indirect_dma semaphore(%arg13 : memref<!tpu.dma_semaphore, #tpu.memory_space<semaphore_mem>>) src(%dma_wait3A_52 : memref<20000x128xf32, #tpu.memory_space<hbm>>) dst(%arg11 : memref<80x128xf32, #tpu.memory_space<vmem>>)
      %scan3A_53 = arith.constant 0 : i32
      %scan3A_54 = arith.constant 0 : i32
      %scan3A_55 = arith.constant 5 : i32
      %scan3A_56 = arith.addi %scan3A_54, %scan3A_55 : i32
      %scan3A_57 = arith.constant 1 : i32
      scf.for %scan3A_85 = %scan3A_54 to %scan3A_56 step %scan3A_57  : i32 {
        %mul3A_86 = arith.constant 80 : i32
        %mul3A_87 = arith.muli %mul3A_46, %mul3A_86 : i32
        %mul3A_88 = arith.constant 16 : i32
        %mul3A_89 = arith.muli %scan3A_85, %mul3A_88 : i32
        %add3A_90 = arith.addi %mul3A_87, %mul3A_89 : i32
        %get3A = arith.index_cast %add3A_90 : i32 to index
        %get3A_91 = tpu.vector_load %arg8[%get3A] {strides = array<i32>} : memref<10000xi32, #tpu.memory_space<vmem>>, vector<16xi32>,
        %get3A_92 = vector.shape_cast %get3A_91 : vector<16xi32> to vector<16xi32>
        %mul3A_93 = arith.constant 16 : i32
        %mul3A_94 = arith.muli %scan3A_85, %mul3A_93 : i32
        %swap3A = arith.index_cast %mul3A_94 : i32 to index
        %swap3A_95 = tpu.vector_load %arg9[%swap3A] {strides = array<i32>} : memref<80xi32, #tpu.memory_space<vmem>>, vector<16xi32>,
        %swap3A_96 = vector.shape_cast %swap3A_95 : vector<16xi32> to vector<16xi32>
        %swap3A_97 = vector.shape_cast %get3A_92 : vector<16xi32> to vector<16xi32>
        tpu.vector_store %arg9[%swap3A], %swap3A_97 {strides = array<i32>} : memref<80xi32, #tpu.memory_space<vmem>>, vector<16xi32>,
      }
      %scan3A_58 = arith.constant 5 : i32
      "tpu.region"() ({
        %run_scoped3A = tpu.sem_alloc : memref<!tpu.dma_semaphore, #tpu.memory_space<semaphore_mem>>
        %dma_start3A_85 = arith.constant 0 : i32
        %dma_start3A_86 = arith.constant 0 : i32
        %dma_start3A_87 = tpu.memref_slice %arg15[%dma_start3A_85, %dma_start3A_86] : memref<10240x128xf32, #tpu.memory_space<vmem_shared>> -> memref<10240x128xf32, #tpu.memory_space<vmem_shared>>
        tpu.enqueue_indirect_dma source(%arg11 : memref<80x128xf32, #tpu.memory_space<vmem>>) target(%dma_start3A_87 : memref<10240x128xf32, #tpu.memory_space<vmem_shared>>) offsets(%arg9 : memref<80xi32, #tpu.memory_space<vmem>>) semaphore(%run_scoped3A : memref<!tpu.dma_semaphore, #tpu.memory_space<semaphore_mem>>) {add = true}
        %dma_wait3A_88 = arith.constant 0 : i32
        %dma_wait3A_89 = arith.constant 0 : i32
        %dma_wait3A_90 = tpu.memref_slice %arg15[%dma_wait3A_88, %dma_wait3A_89] : memref<10240x128xf32, #tpu.memory_space<vmem_shared>> -> memref<10240x128xf32, #tpu.memory_space<vmem_shared>>
        tpu.wait_indirect_dma semaphore(%run_scoped3A : memref<!tpu.dma_semaphore, #tpu.memory_space<semaphore_mem>>) src(%arg11 : memref<80x128xf32, #tpu.memory_space<vmem>>) dst(%dma_wait3A_90 : memref<10240x128xf32, #tpu.memory_space<vmem_shared>>)
        tpu.yield
      }) : () -> ()
      %mul3A_59 = arith.constant 2 : i32
      %mul3A_60 = arith.muli %mul3A_59, %scan3A_35 : i32
      %add3A_61 = arith.constant 2 : i32
      %add3A_62 = arith.addi %mul3A_60, %add3A_61 : i32
      %mul3A_63 = arith.constant 80 : i32
      %mul3A_64 = arith.muli %add3A_62, %mul3A_63 : i32
      %dma_start3A_65 = tpu.memref_slice %arg7[%mul3A_64] : memref<10000xi32, #tpu.memory_space<vmem>> -> memref<80xi32, #tpu.memory_space<vmem>>
      %dma_start3A_66 = arith.constant 0 : i32
      %dma_start3A_67 = arith.constant 0 : i32
      %dma_start3A_68 = tpu.memref_slice %arg2[%dma_start3A_66, %dma_start3A_67] : memref<20000x128xf32, #tpu.memory_space<hbm>> -> memref<20000x128xf32, #tpu.memory_space<hbm>>
      tpu.enqueue_indirect_dma source(%dma_start3A_68 : memref<20000x128xf32, #tpu.memory_space<hbm>>) target(%arg11 : memref<80x128xf32, #tpu.memory_space<vmem>>) offsets(%dma_start3A_65 : memref<80xi32, #tpu.memory_space<vmem>>) semaphore(%arg13 : memref<!tpu.dma_semaphore, #tpu.memory_space<semaphore_mem>>)
      %mul3A_69 = arith.constant 2 : i32
      %mul3A_70 = arith.muli %mul3A_69, %scan3A_35 : i32
      %add3A_71 = arith.constant 1 : i32
      %add3A_72 = arith.addi %mul3A_70, %add3A_71 : i32
      %mul3A_73 = arith.constant 80 : i32
      %mul3A_74 = arith.muli %add3A_72, %mul3A_73 : i32
      %dma_wait3A_75 = tpu.memref_slice %arg7[%mul3A_74] : memref<10000xi32, #tpu.memory_space<vmem>> -> memref<80xi32, #tpu.memory_space<vmem>>
      %dma_wait3A_76 = arith.constant 0 : i32
      %dma_wait3A_77 = arith.constant 0 : i32
      %dma_wait3A_78 = tpu.memref_slice %arg2[%dma_wait3A_76, %dma_wait3A_77] : memref<20000x128xf32, #tpu.memory_space<hbm>> -> memref<20000x128xf32, #tpu.memory_space<hbm>>
      tpu.wait_indirect_dma semaphore(%arg14 : memref<!tpu.dma_semaphore, #tpu.memory_space<semaphore_mem>>) src(%dma_wait3A_78 : memref<20000x128xf32, #tpu.memory_space<hbm>>) dst(%arg12 : memref<80x128xf32, #tpu.memory_space<vmem>>)
      %scan3A_79 = arith.constant 0 : i32
      %scan3A_80 = arith.constant 0 : i32
      %scan3A_81 = arith.constant 5 : i32
      %scan3A_82 = arith.addi %scan3A_80, %scan3A_81 : i32
      %scan3A_83 = arith.constant 1 : i32
      scf.for %scan3A_85 = %scan3A_80 to %scan3A_82 step %scan3A_83  : i32 {
        %mul3A_86 = arith.constant 80 : i32
        %mul3A_87 = arith.muli %add3A_72, %mul3A_86 : i32
        %mul3A_88 = arith.constant 16 : i32
        %mul3A_89 = arith.muli %scan3A_85, %mul3A_88 : i32
        %add3A_90 = arith.addi %mul3A_87, %mul3A_89 : i32
        %get3A = arith.index_cast %add3A_90 : i32 to index
        %get3A_91 = tpu.vector_load %arg8[%get3A] {strides = array<i32>} : memref<10000xi32, #tpu.memory_space<vmem>>, vector<16xi32>,
        %get3A_92 = vector.shape_cast %get3A_91 : vector<16xi32> to vector<16xi32>
        %mul3A_93 = arith.constant 16 : i32
        %mul3A_94 = arith.muli %scan3A_85, %mul3A_93 : i32
        %swap3A = arith.index_cast %mul3A_94 : i32 to index
        %swap3A_95 = tpu.vector_load %arg10[%swap3A] {strides = array<i32>} : memref<80xi32, #tpu.memory_space<vmem>>, vector<16xi32>,
        %swap3A_96 = vector.shape_cast %swap3A_95 : vector<16xi32> to vector<16xi32>
        %swap3A_97 = vector.shape_cast %get3A_92 : vector<16xi32> to vector<16xi32>
        tpu.vector_store %arg10[%swap3A], %swap3A_97 {strides = array<i32>} : memref<80xi32, #tpu.memory_space<vmem>>, vector<16xi32>,
      }
      %scan3A_84 = arith.constant 5 : i32
      "tpu.region"() ({
        %run_scoped3A = tpu.sem_alloc : memref<!tpu.dma_semaphore, #tpu.memory_space<semaphore_mem>>
        %dma_start3A_85 = arith.constant 0 : i32
        %dma_start3A_86 = arith.constant 0 : i32
        %dma_start3A_87 = tpu.memref_slice %arg15[%dma_start3A_85, %dma_start3A_86] : memref<10240x128xf32, #tpu.memory_space<vmem_shared>> -> memref<10240x128xf32, #tpu.memory_space<vmem_shared>>
        tpu.enqueue_indirect_dma source(%arg12 : memref<80x128xf32, #tpu.memory_space<vmem>>) target(%dma_start3A_87 : memref<10240x128xf32, #tpu.memory_space<vmem_shared>>) offsets(%arg10 : memref<80xi32, #tpu.memory_space<vmem>>) semaphore(%run_scoped3A : memref<!tpu.dma_semaphore, #tpu.memory_space<semaphore_mem>>) {add = true}
        %dma_wait3A_88 = arith.constant 0 : i32
        %dma_wait3A_89 = arith.constant 0 : i32
        %dma_wait3A_90 = tpu.memref_slice %arg15[%dma_wait3A_88, %dma_wait3A_89] : memref<10240x128xf32, #tpu.memory_space<vmem_shared>> -> memref<10240x128xf32, #tpu.memory_space<vmem_shared>>
        tpu.wait_indirect_dma semaphore(%run_scoped3A : memref<!tpu.dma_semaphore, #tpu.memory_space<semaphore_mem>>) src(%arg12 : memref<80x128xf32, #tpu.memory_space<vmem>>) dst(%dma_wait3A_90 : memref<10240x128xf32, #tpu.memory_space<vmem_shared>>)
        tpu.yield
      }) : () -> ()
    }
    %scan3A_19 = arith.constant 62 : i32
    %dma_wait3A = arith.constant 9920 : i32
    %dma_wait3A_20 = tpu.memref_slice %arg7[%dma_wait3A] : memref<10000xi32, #tpu.memory_space<vmem>> -> memref<80xi32, #tpu.memory_space<vmem>>
    %dma_wait3A_21 = arith.constant 0 : i32
    %dma_wait3A_22 = arith.constant 0 : i32
    %dma_wait3A_23 = tpu.memref_slice %arg2[%dma_wait3A_21, %dma_wait3A_22] : memref<20000x128xf32, #tpu.memory_space<hbm>> -> memref<20000x128xf32, #tpu.memory_space<hbm>>
    tpu.wait_indirect_dma semaphore(%arg13 : memref<!tpu.dma_semaphore, #tpu.memory_space<semaphore_mem>>) src(%dma_wait3A_23 : memref<20000x128xf32, #tpu.memory_space<hbm>>) dst(%arg11 : memref<80x128xf32, #tpu.memory_space<vmem>>)
    %scan3A_24 = arith.constant 0 : i32
    %scan3A_25 = arith.constant 0 : i32
    %scan3A_26 = arith.constant 5 : i32
    %scan3A_27 = arith.addi %scan3A_25, %scan3A_26 : i32
    %scan3A_28 = arith.constant 1 : i32
    scf.for %scan3A_35 = %scan3A_25 to %scan3A_27 step %scan3A_28  : i32 {
      %mul3A_36 = arith.constant 16 : i32
      %mul3A_37 = arith.muli %scan3A_35, %mul3A_36 : i32
      %add3A = arith.constant 9920 : i32
      %add3A_38 = arith.addi %add3A, %mul3A_37 : i32
      %get3A = arith.index_cast %add3A_38 : i32 to index
      %get3A_39 = tpu.vector_load %arg8[%get3A] {strides = array<i32>} : memref<10000xi32, #tpu.memory_space<vmem>>, vector<16xi32>,
      %get3A_40 = vector.shape_cast %get3A_39 : vector<16xi32> to vector<16xi32>
      %mul3A_41 = arith.constant 16 : i32
      %mul3A_42 = arith.muli %scan3A_35, %mul3A_41 : i32
      %swap3A = arith.index_cast %mul3A_42 : i32 to index
      %swap3A_43 = tpu.vector_load %arg9[%swap3A] {strides = array<i32>} : memref<80xi32, #tpu.memory_space<vmem>>, vector<16xi32>,
      %swap3A_44 = vector.shape_cast %swap3A_43 : vector<16xi32> to vector<16xi32>
      %swap3A_45 = vector.shape_cast %get3A_40 : vector<16xi32> to vector<16xi32>
      tpu.vector_store %arg9[%swap3A], %swap3A_45 {strides = array<i32>} : memref<80xi32, #tpu.memory_space<vmem>>, vector<16xi32>,
    }
    %scan3A_29 = arith.constant 5 : i32
    "tpu.region"() ({
      %run_scoped3A = tpu.sem_alloc : memref<!tpu.dma_semaphore, #tpu.memory_space<semaphore_mem>>
      %dma_start3A_35 = arith.constant 0 : i32
      %dma_start3A_36 = arith.constant 0 : i32
      %dma_start3A_37 = tpu.memref_slice %arg15[%dma_start3A_35, %dma_start3A_36] : memref<10240x128xf32, #tpu.memory_space<vmem_shared>> -> memref<10240x128xf32, #tpu.memory_space<vmem_shared>>
      tpu.enqueue_indirect_dma source(%arg11 : memref<80x128xf32, #tpu.memory_space<vmem>>) target(%dma_start3A_37 : memref<10240x128xf32, #tpu.memory_space<vmem_shared>>) offsets(%arg9 : memref<80xi32, #tpu.memory_space<vmem>>) semaphore(%run_scoped3A : memref<!tpu.dma_semaphore, #tpu.memory_space<semaphore_mem>>) {add = true}
      %dma_wait3A_38 = arith.constant 0 : i32
      %dma_wait3A_39 = arith.constant 0 : i32
      %dma_wait3A_40 = tpu.memref_slice %arg15[%dma_wait3A_38, %dma_wait3A_39] : memref<10240x128xf32, #tpu.memory_space<vmem_shared>> -> memref<10240x128xf32, #tpu.memory_space<vmem_shared>>
      tpu.wait_indirect_dma semaphore(%run_scoped3A : memref<!tpu.dma_semaphore, #tpu.memory_space<semaphore_mem>>) src(%arg11 : memref<80x128xf32, #tpu.memory_space<vmem>>) dst(%dma_wait3A_40 : memref<10240x128xf32, #tpu.memory_space<vmem_shared>>)
      tpu.yield
    }) : () -> ()
    %barrier3A_30 = arith.constant 0 : index
    tpu.barrier barrier_id(%barrier3A_30)
    %mul3A_31 = arith.constant 640 : i32
    %mul3A_32 = arith.muli %arg1, %mul3A_31 : i32
    %mul3A_33 = arith.constant 640 : i32
    %mul3A_34 = arith.muli %arg1, %mul3A_33 : i32
    "tpu.region"() ({
      %run_scoped3A = tpu.sem_alloc : memref<!tpu.dma_semaphore, #tpu.memory_space<semaphore_mem>>
      %dma_start3A_35 = arith.constant 0 : i32
      %dma_start3A_36 = tpu.memref_slice %arg6[%arg0, %mul3A_34, %dma_start3A_35] : memref<2x10240x128xf32, #tpu.memory_space<hbm>> -> memref<1x640x128xf32, #tpu.memory_space<hbm>>
      %dma_start3A_37 = tpu.memref_squeeze %dma_start3A_36 : memref<1x640x128xf32, #tpu.memory_space<hbm>> -> memref<640x128xf32, #tpu.memory_space<hbm>>
      %dma_start3A_38 = arith.constant 0 : i32
      %dma_start3A_39 = tpu.memref_slice %arg15[%mul3A_32, %dma_start3A_38] : memref<10240x128xf32, #tpu.memory_space<vmem_shared>> -> memref<640x128xf32, #tpu.memory_space<vmem_shared>>
      tpu.enqueue_dma source(%dma_start3A_39 : memref<640x128xf32, #tpu.memory_space<vmem_shared>>) target(%dma_start3A_37 : memref<640x128xf32, #tpu.memory_space<hbm>>) target_semaphore(%run_scoped3A : memref<!tpu.dma_semaphore, #tpu.memory_space<semaphore_mem>>)
      %dma_wait3A_40 = arith.constant 0 : i32
      %dma_wait3A_41 = tpu.memref_slice %arg6[%arg0, %mul3A_34, %dma_wait3A_40] : memref<2x10240x128xf32, #tpu.memory_space<hbm>> -> memref<1x640x128xf32, #tpu.memory_space<hbm>>
      %dma_wait3A_42 = tpu.memref_squeeze %dma_wait3A_41 : memref<1x640x128xf32, #tpu.memory_space<hbm>> -> memref<640x128xf32, #tpu.memory_space<hbm>>
      %dma_wait3A_43 = arith.constant 0 : i32
      %dma_wait3A_44 = tpu.memref_slice %arg15[%mul3A_32, %dma_wait3A_43] : memref<10240x128xf32, #tpu.memory_space<vmem_shared>> -> memref<640x128xf32, #tpu.memory_space<vmem_shared>>
      tpu.wait_dma2 semaphore(%run_scoped3A : memref<!tpu.dma_semaphore, #tpu.memory_space<semaphore_mem>>) src(%dma_wait3A_44 : memref<640x128xf32, #tpu.memory_space<vmem_shared>>) dst(%dma_wait3A_42 : memref<640x128xf32, #tpu.memory_space<hbm>>)
      tpu.yield
    }) : () -> ()
    return
  }
}

#map = affine_map<(d0, d1) -> (0, 0)>
#map1 = affine_map<(d0, d1) -> (0)>
#map2 = affine_map<(d0, d1) -> (0, 0, 0)>
module attributes {stable_mosaic.version = 14 : i64} {
  func.func @_pair_kernel(%arg0: i32, %arg1: i32, %arg2: memref<10000x256xf32, #tpu.memory_space<hbm>>, %arg3: memref<10000x256xf32, #tpu.memory_space<hbm>>, %arg4: memref<10000x256xf32, #tpu.memory_space<hbm>>, %arg5: memref<10000x256xf32, #tpu.memory_space<hbm>>, %arg6: memref<4096xi32, #tpu.memory_space<hbm>>, %arg7: memref<4096xi32, #tpu.memory_space<hbm>>, %arg8: memref<4x4096x256xf32, #tpu.memory_space<hbm>>, %arg9: memref<4x4096x256xf32, #tpu.memory_space<hbm>>, %arg10: memref<128xi32, #tpu.memory_space<vmem>>, %arg11: memref<128xi32, #tpu.memory_space<vmem>>, %arg12: memref<128x256xf32, #tpu.memory_space<vmem>>, %arg13: memref<128x256xf32, #tpu.memory_space<vmem>>, %arg14: memref<!tpu.dma_semaphore, #tpu.memory_space<semaphore_mem>>, %arg15: memref<!tpu.dma_semaphore, #tpu.memory_space<semaphore_mem>>) attributes {dimension_semantics = [#tpu.dimension_semantics<core_parallel>, #tpu.dimension_semantics<subcore_parallel>], iteration_bounds = array<i64: 2, 16>, scalar_prefetch = 0 : i64, scratch_operands = 6 : i64, tpu.core_type = #tpu.core_type<sc_vector_subcore>, window_params = [{transform_indices = #map}, {transform_indices = #map}, {transform_indices = #map}, {transform_indices = #map}, {transform_indices = #map1}, {transform_indices = #map1}, {transform_indices = #map2}, {transform_indices = #map2}]} {
    %mul3A = arith.constant 2 : i32
    %mul3A_0 = arith.muli %arg1, %mul3A : i32
    %add3A = arith.addi %mul3A_0, %arg0 : i32
    %mul3A_1 = arith.constant 128 : i32
    %mul3A_2 = arith.muli %add3A, %mul3A_1 : i32
    "tpu.region"() ({
      %run_scoped3A_61 = tpu.sem_alloc : memref<!tpu.dma_semaphore, #tpu.memory_space<semaphore_mem>>
      %dma_start3A_62 = tpu.memref_slice %arg6[%mul3A_2] : memref<4096xi32, #tpu.memory_space<hbm>> -> memref<128xi32, #tpu.memory_space<hbm>>
      %dma_start3A_63 = tpu.memref_slice %arg6[%mul3A_2] : memref<4096xi32, #tpu.memory_space<hbm>> -> memref<128xi32, #tpu.memory_space<hbm>>
      tpu.enqueue_dma source(%dma_start3A_63 : memref<128xi32, #tpu.memory_space<hbm>>) target(%arg10 : memref<128xi32, #tpu.memory_space<vmem>>) target_semaphore(%run_scoped3A_61 : memref<!tpu.dma_semaphore, #tpu.memory_space<semaphore_mem>>)
      %dma_wait3A_64 = tpu.memref_slice %arg6[%mul3A_2] : memref<4096xi32, #tpu.memory_space<hbm>> -> memref<128xi32, #tpu.memory_space<hbm>>
      %dma_wait3A_65 = tpu.memref_slice %arg6[%mul3A_2] : memref<4096xi32, #tpu.memory_space<hbm>> -> memref<128xi32, #tpu.memory_space<hbm>>
      tpu.wait_dma2 semaphore(%run_scoped3A_61 : memref<!tpu.dma_semaphore, #tpu.memory_space<semaphore_mem>>) src(%dma_wait3A_65 : memref<128xi32, #tpu.memory_space<hbm>>) dst(%arg10 : memref<128xi32, #tpu.memory_space<vmem>>)
      tpu.yield
    }) : () -> ()
    "tpu.region"() ({
      %run_scoped3A_61 = tpu.sem_alloc : memref<!tpu.dma_semaphore, #tpu.memory_space<semaphore_mem>>
      %dma_start3A_62 = tpu.memref_slice %arg7[%mul3A_2] : memref<4096xi32, #tpu.memory_space<hbm>> -> memref<128xi32, #tpu.memory_space<hbm>>
      %dma_start3A_63 = tpu.memref_slice %arg7[%mul3A_2] : memref<4096xi32, #tpu.memory_space<hbm>> -> memref<128xi32, #tpu.memory_space<hbm>>
      tpu.enqueue_dma source(%dma_start3A_63 : memref<128xi32, #tpu.memory_space<hbm>>) target(%arg11 : memref<128xi32, #tpu.memory_space<vmem>>) target_semaphore(%run_scoped3A_61 : memref<!tpu.dma_semaphore, #tpu.memory_space<semaphore_mem>>)
      %dma_wait3A_64 = tpu.memref_slice %arg7[%mul3A_2] : memref<4096xi32, #tpu.memory_space<hbm>> -> memref<128xi32, #tpu.memory_space<hbm>>
      %dma_wait3A_65 = tpu.memref_slice %arg7[%mul3A_2] : memref<4096xi32, #tpu.memory_space<hbm>> -> memref<128xi32, #tpu.memory_space<hbm>>
      tpu.wait_dma2 semaphore(%run_scoped3A_61 : memref<!tpu.dma_semaphore, #tpu.memory_space<semaphore_mem>>) src(%dma_wait3A_65 : memref<128xi32, #tpu.memory_space<hbm>>) dst(%arg11 : memref<128xi32, #tpu.memory_space<vmem>>)
      tpu.yield
    }) : () -> ()
    %scan3A = arith.constant 0 : i32
    %scan3A_3 = arith.constant 0 : i32
    %scan3A_4 = arith.constant 8 : i32
    %scan3A_5 = arith.addi %scan3A_3, %scan3A_4 : i32
    %scan3A_6 = arith.constant 1 : i32
    scf.for %scan3A_61 = %scan3A_3 to %scan3A_5 step %scan3A_6  : i32 {
      %mul3A_62 = arith.constant 16 : i32
      %mul3A_63 = arith.muli %scan3A_61, %mul3A_62 : i32
      %get3A = arith.index_cast %mul3A_63 : i32 to index
      %get3A_64 = tpu.vector_load %arg11[%get3A] {strides = array<i32>} : memref<128xi32, #tpu.memory_space<vmem>>, vector<16xi32>,
      %get3A_65 = vector.shape_cast %get3A_64 : vector<16xi32> to vector<16xi32>
      %add3A_66 = arith.constant 2000 : i32
      %add3A_67 = vector.broadcast %add3A_66 : i32 to vector<16xi32>
      %add3A_68 = arith.addi %get3A_65, %add3A_67 : vector<16xi32>
      %mul3A_69 = arith.constant 16 : i32
      %mul3A_70 = arith.muli %scan3A_61, %mul3A_69 : i32
      %swap3A = arith.index_cast %mul3A_70 : i32 to index
      %swap3A_71 = tpu.vector_load %arg11[%swap3A] {strides = array<i32>} : memref<128xi32, #tpu.memory_space<vmem>>, vector<16xi32>,
      %swap3A_72 = vector.shape_cast %swap3A_71 : vector<16xi32> to vector<16xi32>
      %swap3A_73 = vector.shape_cast %add3A_68 : vector<16xi32> to vector<16xi32>
      tpu.vector_store %arg11[%swap3A], %swap3A_73 {strides = array<i32>} : memref<128xi32, #tpu.memory_space<vmem>>, vector<16xi32>,
    }
    %scan3A_7 = arith.constant 8 : i32
    %dma_start3A = arith.constant 0 : i32
    %dma_start3A_8 = arith.constant 0 : i32
    %dma_start3A_9 = tpu.memref_slice %arg2[%dma_start3A, %dma_start3A_8] : memref<10000x256xf32, #tpu.memory_space<hbm>> -> memref<10000x256xf32, #tpu.memory_space<hbm>>
    tpu.enqueue_indirect_dma source(%dma_start3A_9 : memref<10000x256xf32, #tpu.memory_space<hbm>>) target(%arg12 : memref<128x256xf32, #tpu.memory_space<vmem>>) offsets(%arg10 : memref<128xi32, #tpu.memory_space<vmem>>) semaphore(%arg14 : memref<!tpu.dma_semaphore, #tpu.memory_space<semaphore_mem>>)
    %dma_start3A_10 = arith.constant 0 : i32
    %dma_start3A_11 = arith.constant 0 : i32
    %dma_start3A_12 = tpu.memref_slice %arg2[%dma_start3A_10, %dma_start3A_11] : memref<10000x256xf32, #tpu.memory_space<hbm>> -> memref<10000x256xf32, #tpu.memory_space<hbm>>
    tpu.enqueue_indirect_dma source(%dma_start3A_12 : memref<10000x256xf32, #tpu.memory_space<hbm>>) target(%arg13 : memref<128x256xf32, #tpu.memory_space<vmem>>) offsets(%arg11 : memref<128xi32, #tpu.memory_space<vmem>>) semaphore(%arg15 : memref<!tpu.dma_semaphore, #tpu.memory_space<semaphore_mem>>)
    %dma_wait3A = arith.constant 0 : i32
    %dma_wait3A_13 = arith.constant 0 : i32
    %dma_wait3A_14 = tpu.memref_slice %arg2[%dma_wait3A, %dma_wait3A_13] : memref<10000x256xf32, #tpu.memory_space<hbm>> -> memref<10000x256xf32, #tpu.memory_space<hbm>>
    tpu.wait_indirect_dma semaphore(%arg14 : memref<!tpu.dma_semaphore, #tpu.memory_space<semaphore_mem>>) src(%dma_wait3A_14 : memref<10000x256xf32, #tpu.memory_space<hbm>>) dst(%arg12 : memref<128x256xf32, #tpu.memory_space<vmem>>)
    %run_scoped3A = arith.constant 0 : i32
    "tpu.region"() ({
      %run_scoped3A_61 = tpu.sem_alloc : memref<!tpu.dma_semaphore, #tpu.memory_space<semaphore_mem>>
      %dma_start3A_62 = arith.constant 0 : i32
      %dma_start3A_63 = tpu.memref_slice %arg8[%run_scoped3A, %mul3A_2, %dma_start3A_62] : memref<4x4096x256xf32, #tpu.memory_space<hbm>> -> memref<1x128x256xf32, #tpu.memory_space<hbm>>
      %dma_start3A_64 = tpu.memref_squeeze %dma_start3A_63 : memref<1x128x256xf32, #tpu.memory_space<hbm>> -> memref<128x256xf32, #tpu.memory_space<hbm>>
      %dma_start3A_65 = arith.constant 0 : i32
      %dma_start3A_66 = tpu.memref_slice %arg8[%run_scoped3A, %mul3A_2, %dma_start3A_65] : memref<4x4096x256xf32, #tpu.memory_space<hbm>> -> memref<1x128x256xf32, #tpu.memory_space<hbm>>
      %dma_start3A_67 = tpu.memref_squeeze %dma_start3A_66 : memref<1x128x256xf32, #tpu.memory_space<hbm>> -> memref<128x256xf32, #tpu.memory_space<hbm>>
      tpu.enqueue_dma source(%arg12 : memref<128x256xf32, #tpu.memory_space<vmem>>) target(%dma_start3A_67 : memref<128x256xf32, #tpu.memory_space<hbm>>) target_semaphore(%run_scoped3A_61 : memref<!tpu.dma_semaphore, #tpu.memory_space<semaphore_mem>>)
      %dma_wait3A_68 = arith.constant 0 : i32
      %dma_wait3A_69 = tpu.memref_slice %arg8[%run_scoped3A, %mul3A_2, %dma_wait3A_68] : memref<4x4096x256xf32, #tpu.memory_space<hbm>> -> memref<1x128x256xf32, #tpu.memory_space<hbm>>
      %dma_wait3A_70 = tpu.memref_squeeze %dma_wait3A_69 : memref<1x128x256xf32, #tpu.memory_space<hbm>> -> memref<128x256xf32, #tpu.memory_space<hbm>>
      %dma_wait3A_71 = arith.constant 0 : i32
      %dma_wait3A_72 = tpu.memref_slice %arg8[%run_scoped3A, %mul3A_2, %dma_wait3A_71] : memref<4x4096x256xf32, #tpu.memory_space<hbm>> -> memref<1x128x256xf32, #tpu.memory_space<hbm>>
      %dma_wait3A_73 = tpu.memref_squeeze %dma_wait3A_72 : memref<1x128x256xf32, #tpu.memory_space<hbm>> -> memref<128x256xf32, #tpu.memory_space<hbm>>
      tpu.wait_dma2 semaphore(%run_scoped3A_61 : memref<!tpu.dma_semaphore, #tpu.memory_space<semaphore_mem>>) src(%arg12 : memref<128x256xf32, #tpu.memory_space<vmem>>) dst(%dma_wait3A_73 : memref<128x256xf32, #tpu.memory_space<hbm>>)
      tpu.yield
    }) : () -> ()
    %dma_wait3A_15 = arith.constant 0 : i32
    %dma_wait3A_16 = arith.constant 0 : i32
    %dma_wait3A_17 = tpu.memref_slice %arg2[%dma_wait3A_15, %dma_wait3A_16] : memref<10000x256xf32, #tpu.memory_space<hbm>> -> memref<10000x256xf32, #tpu.memory_space<hbm>>
    tpu.wait_indirect_dma semaphore(%arg15 : memref<!tpu.dma_semaphore, #tpu.memory_space<semaphore_mem>>) src(%dma_wait3A_17 : memref<10000x256xf32, #tpu.memory_space<hbm>>) dst(%arg13 : memref<128x256xf32, #tpu.memory_space<vmem>>)
    %run_scoped3A_18 = arith.constant 0 : i32
    "tpu.region"() ({
      %run_scoped3A_61 = tpu.sem_alloc : memref<!tpu.dma_semaphore, #tpu.memory_space<semaphore_mem>>
      %dma_start3A_62 = arith.constant 0 : i32
      %dma_start3A_63 = tpu.memref_slice %arg9[%run_scoped3A_18, %mul3A_2, %dma_start3A_62] : memref<4x4096x256xf32, #tpu.memory_space<hbm>> -> memref<1x128x256xf32, #tpu.memory_space<hbm>>
      %dma_start3A_64 = tpu.memref_squeeze %dma_start3A_63 : memref<1x128x256xf32, #tpu.memory_space<hbm>> -> memref<128x256xf32, #tpu.memory_space<hbm>>
      %dma_start3A_65 = arith.constant 0 : i32
      %dma_start3A_66 = tpu.memref_slice %arg9[%run_scoped3A_18, %mul3A_2, %dma_start3A_65] : memref<4x4096x256xf32, #tpu.memory_space<hbm>> -> memref<1x128x256xf32, #tpu.memory_space<hbm>>
      %dma_start3A_67 = tpu.memref_squeeze %dma_start3A_66 : memref<1x128x256xf32, #tpu.memory_space<hbm>> -> memref<128x256xf32, #tpu.memory_space<hbm>>
      tpu.enqueue_dma source(%arg13 : memref<128x256xf32, #tpu.memory_space<vmem>>) target(%dma_start3A_67 : memref<128x256xf32, #tpu.memory_space<hbm>>) target_semaphore(%run_scoped3A_61 : memref<!tpu.dma_semaphore, #tpu.memory_space<semaphore_mem>>)
      %dma_wait3A_68 = arith.constant 0 : i32
      %dma_wait3A_69 = tpu.memref_slice %arg9[%run_scoped3A_18, %mul3A_2, %dma_wait3A_68] : memref<4x4096x256xf32, #tpu.memory_space<hbm>> -> memref<1x128x256xf32, #tpu.memory_space<hbm>>
      %dma_wait3A_70 = tpu.memref_squeeze %dma_wait3A_69 : memref<1x128x256xf32, #tpu.memory_space<hbm>> -> memref<128x256xf32, #tpu.memory_space<hbm>>
      %dma_wait3A_71 = arith.constant 0 : i32
      %dma_wait3A_72 = tpu.memref_slice %arg9[%run_scoped3A_18, %mul3A_2, %dma_wait3A_71] : memref<4x4096x256xf32, #tpu.memory_space<hbm>> -> memref<1x128x256xf32, #tpu.memory_space<hbm>>
      %dma_wait3A_73 = tpu.memref_squeeze %dma_wait3A_72 : memref<1x128x256xf32, #tpu.memory_space<hbm>> -> memref<128x256xf32, #tpu.memory_space<hbm>>
      tpu.wait_dma2 semaphore(%run_scoped3A_61 : memref<!tpu.dma_semaphore, #tpu.memory_space<semaphore_mem>>) src(%arg13 : memref<128x256xf32, #tpu.memory_space<vmem>>) dst(%dma_wait3A_73 : memref<128x256xf32, #tpu.memory_space<hbm>>)
      tpu.yield
    }) : () -> ()
    %dma_start3A_19 = arith.constant 0 : i32
    %dma_start3A_20 = arith.constant 0 : i32
    %dma_start3A_21 = tpu.memref_slice %arg3[%dma_start3A_19, %dma_start3A_20] : memref<10000x256xf32, #tpu.memory_space<hbm>> -> memref<10000x256xf32, #tpu.memory_space<hbm>>
    tpu.enqueue_indirect_dma source(%dma_start3A_21 : memref<10000x256xf32, #tpu.memory_space<hbm>>) target(%arg12 : memref<128x256xf32, #tpu.memory_space<vmem>>) offsets(%arg10 : memref<128xi32, #tpu.memory_space<vmem>>) semaphore(%arg14 : memref<!tpu.dma_semaphore, #tpu.memory_space<semaphore_mem>>)
    %dma_start3A_22 = arith.constant 0 : i32
    %dma_start3A_23 = arith.constant 0 : i32
    %dma_start3A_24 = tpu.memref_slice %arg3[%dma_start3A_22, %dma_start3A_23] : memref<10000x256xf32, #tpu.memory_space<hbm>> -> memref<10000x256xf32, #tpu.memory_space<hbm>>
    tpu.enqueue_indirect_dma source(%dma_start3A_24 : memref<10000x256xf32, #tpu.memory_space<hbm>>) target(%arg13 : memref<128x256xf32, #tpu.memory_space<vmem>>) offsets(%arg11 : memref<128xi32, #tpu.memory_space<vmem>>) semaphore(%arg15 : memref<!tpu.dma_semaphore, #tpu.memory_space<semaphore_mem>>)
    %dma_wait3A_25 = arith.constant 0 : i32
    %dma_wait3A_26 = arith.constant 0 : i32
    %dma_wait3A_27 = tpu.memref_slice %arg3[%dma_wait3A_25, %dma_wait3A_26] : memref<10000x256xf32, #tpu.memory_space<hbm>> -> memref<10000x256xf32, #tpu.memory_space<hbm>>
    tpu.wait_indirect_dma semaphore(%arg14 : memref<!tpu.dma_semaphore, #tpu.memory_space<semaphore_mem>>) src(%dma_wait3A_27 : memref<10000x256xf32, #tpu.memory_space<hbm>>) dst(%arg12 : memref<128x256xf32, #tpu.memory_space<vmem>>)
    %run_scoped3A_28 = arith.constant 1 : i32
    "tpu.region"() ({
      %run_scoped3A_61 = tpu.sem_alloc : memref<!tpu.dma_semaphore, #tpu.memory_space<semaphore_mem>>
      %dma_start3A_62 = arith.constant 0 : i32
      %dma_start3A_63 = tpu.memref_slice %arg8[%run_scoped3A_28, %mul3A_2, %dma_start3A_62] : memref<4x4096x256xf32, #tpu.memory_space<hbm>> -> memref<1x128x256xf32, #tpu.memory_space<hbm>>
      %dma_start3A_64 = tpu.memref_squeeze %dma_start3A_63 : memref<1x128x256xf32, #tpu.memory_space<hbm>> -> memref<128x256xf32, #tpu.memory_space<hbm>>
      %dma_start3A_65 = arith.constant 0 : i32
      %dma_start3A_66 = tpu.memref_slice %arg8[%run_scoped3A_28, %mul3A_2, %dma_start3A_65] : memref<4x4096x256xf32, #tpu.memory_space<hbm>> -> memref<1x128x256xf32, #tpu.memory_space<hbm>>
      %dma_start3A_67 = tpu.memref_squeeze %dma_start3A_66 : memref<1x128x256xf32, #tpu.memory_space<hbm>> -> memref<128x256xf32, #tpu.memory_space<hbm>>
      tpu.enqueue_dma source(%arg12 : memref<128x256xf32, #tpu.memory_space<vmem>>) target(%dma_start3A_67 : memref<128x256xf32, #tpu.memory_space<hbm>>) target_semaphore(%run_scoped3A_61 : memref<!tpu.dma_semaphore, #tpu.memory_space<semaphore_mem>>)
      %dma_wait3A_68 = arith.constant 0 : i32
      %dma_wait3A_69 = tpu.memref_slice %arg8[%run_scoped3A_28, %mul3A_2, %dma_wait3A_68] : memref<4x4096x256xf32, #tpu.memory_space<hbm>> -> memref<1x128x256xf32, #tpu.memory_space<hbm>>
      %dma_wait3A_70 = tpu.memref_squeeze %dma_wait3A_69 : memref<1x128x256xf32, #tpu.memory_space<hbm>> -> memref<128x256xf32, #tpu.memory_space<hbm>>
      %dma_wait3A_71 = arith.constant 0 : i32
      %dma_wait3A_72 = tpu.memref_slice %arg8[%run_scoped3A_28, %mul3A_2, %dma_wait3A_71] : memref<4x4096x256xf32, #tpu.memory_space<hbm>> -> memref<1x128x256xf32, #tpu.memory_space<hbm>>
      %dma_wait3A_73 = tpu.memref_squeeze %dma_wait3A_72 : memref<1x128x256xf32, #tpu.memory_space<hbm>> -> memref<128x256xf32, #tpu.memory_space<hbm>>
      tpu.wait_dma2 semaphore(%run_scoped3A_61 : memref<!tpu.dma_semaphore, #tpu.memory_space<semaphore_mem>>) src(%arg12 : memref<128x256xf32, #tpu.memory_space<vmem>>) dst(%dma_wait3A_73 : memref<128x256xf32, #tpu.memory_space<hbm>>)
      tpu.yield
    }) : () -> ()
    %dma_wait3A_29 = arith.constant 0 : i32
    %dma_wait3A_30 = arith.constant 0 : i32
    %dma_wait3A_31 = tpu.memref_slice %arg3[%dma_wait3A_29, %dma_wait3A_30] : memref<10000x256xf32, #tpu.memory_space<hbm>> -> memref<10000x256xf32, #tpu.memory_space<hbm>>
    tpu.wait_indirect_dma semaphore(%arg15 : memref<!tpu.dma_semaphore, #tpu.memory_space<semaphore_mem>>) src(%dma_wait3A_31 : memref<10000x256xf32, #tpu.memory_space<hbm>>) dst(%arg13 : memref<128x256xf32, #tpu.memory_space<vmem>>)
    %run_scoped3A_32 = arith.constant 1 : i32
    "tpu.region"() ({
      %run_scoped3A_61 = tpu.sem_alloc : memref<!tpu.dma_semaphore, #tpu.memory_space<semaphore_mem>>
      %dma_start3A_62 = arith.constant 0 : i32
      %dma_start3A_63 = tpu.memref_slice %arg9[%run_scoped3A_32, %mul3A_2, %dma_start3A_62] : memref<4x4096x256xf32, #tpu.memory_space<hbm>> -> memref<1x128x256xf32, #tpu.memory_space<hbm>>
      %dma_start3A_64 = tpu.memref_squeeze %dma_start3A_63 : memref<1x128x256xf32, #tpu.memory_space<hbm>> -> memref<128x256xf32, #tpu.memory_space<hbm>>
      %dma_start3A_65 = arith.constant 0 : i32
      %dma_start3A_66 = tpu.memref_slice %arg9[%run_scoped3A_32, %mul3A_2, %dma_start3A_65] : memref<4x4096x256xf32, #tpu.memory_space<hbm>> -> memref<1x128x256xf32, #tpu.memory_space<hbm>>
      %dma_start3A_67 = tpu.memref_squeeze %dma_start3A_66 : memref<1x128x256xf32, #tpu.memory_space<hbm>> -> memref<128x256xf32, #tpu.memory_space<hbm>>
      tpu.enqueue_dma source(%arg13 : memref<128x256xf32, #tpu.memory_space<vmem>>) target(%dma_start3A_67 : memref<128x256xf32, #tpu.memory_space<hbm>>) target_semaphore(%run_scoped3A_61 : memref<!tpu.dma_semaphore, #tpu.memory_space<semaphore_mem>>)
      %dma_wait3A_68 = arith.constant 0 : i32
      %dma_wait3A_69 = tpu.memref_slice %arg9[%run_scoped3A_32, %mul3A_2, %dma_wait3A_68] : memref<4x4096x256xf32, #tpu.memory_space<hbm>> -> memref<1x128x256xf32, #tpu.memory_space<hbm>>
      %dma_wait3A_70 = tpu.memref_squeeze %dma_wait3A_69 : memref<1x128x256xf32, #tpu.memory_space<hbm>> -> memref<128x256xf32, #tpu.memory_space<hbm>>
      %dma_wait3A_71 = arith.constant 0 : i32
      %dma_wait3A_72 = tpu.memref_slice %arg9[%run_scoped3A_32, %mul3A_2, %dma_wait3A_71] : memref<4x4096x256xf32, #tpu.memory_space<hbm>> -> memref<1x128x256xf32, #tpu.memory_space<hbm>>
      %dma_wait3A_73 = tpu.memref_squeeze %dma_wait3A_72 : memref<1x128x256xf32, #tpu.memory_space<hbm>> -> memref<128x256xf32, #tpu.memory_space<hbm>>
      tpu.wait_dma2 semaphore(%run_scoped3A_61 : memref<!tpu.dma_semaphore, #tpu.memory_space<semaphore_mem>>) src(%arg13 : memref<128x256xf32, #tpu.memory_space<vmem>>) dst(%dma_wait3A_73 : memref<128x256xf32, #tpu.memory_space<hbm>>)
      tpu.yield
    }) : () -> ()
    %dma_start3A_33 = arith.constant 0 : i32
    %dma_start3A_34 = arith.constant 0 : i32
    %dma_start3A_35 = tpu.memref_slice %arg4[%dma_start3A_33, %dma_start3A_34] : memref<10000x256xf32, #tpu.memory_space<hbm>> -> memref<10000x256xf32, #tpu.memory_space<hbm>>
    tpu.enqueue_indirect_dma source(%dma_start3A_35 : memref<10000x256xf32, #tpu.memory_space<hbm>>) target(%arg12 : memref<128x256xf32, #tpu.memory_space<vmem>>) offsets(%arg10 : memref<128xi32, #tpu.memory_space<vmem>>) semaphore(%arg14 : memref<!tpu.dma_semaphore, #tpu.memory_space<semaphore_mem>>)
    %dma_start3A_36 = arith.constant 0 : i32
    %dma_start3A_37 = arith.constant 0 : i32
    %dma_start3A_38 = tpu.memref_slice %arg4[%dma_start3A_36, %dma_start3A_37] : memref<10000x256xf32, #tpu.memory_space<hbm>> -> memref<10000x256xf32, #tpu.memory_space<hbm>>
    tpu.enqueue_indirect_dma source(%dma_start3A_38 : memref<10000x256xf32, #tpu.memory_space<hbm>>) target(%arg13 : memref<128x256xf32, #tpu.memory_space<vmem>>) offsets(%arg11 : memref<128xi32, #tpu.memory_space<vmem>>) semaphore(%arg15 : memref<!tpu.dma_semaphore, #tpu.memory_space<semaphore_mem>>)
    %dma_wait3A_39 = arith.constant 0 : i32
    %dma_wait3A_40 = arith.constant 0 : i32
    %dma_wait3A_41 = tpu.memref_slice %arg4[%dma_wait3A_39, %dma_wait3A_40] : memref<10000x256xf32, #tpu.memory_space<hbm>> -> memref<10000x256xf32, #tpu.memory_space<hbm>>
    tpu.wait_indirect_dma semaphore(%arg14 : memref<!tpu.dma_semaphore, #tpu.memory_space<semaphore_mem>>) src(%dma_wait3A_41 : memref<10000x256xf32, #tpu.memory_space<hbm>>) dst(%arg12 : memref<128x256xf32, #tpu.memory_space<vmem>>)
    %run_scoped3A_42 = arith.constant 2 : i32
    "tpu.region"() ({
      %run_scoped3A_61 = tpu.sem_alloc : memref<!tpu.dma_semaphore, #tpu.memory_space<semaphore_mem>>
      %dma_start3A_62 = arith.constant 0 : i32
      %dma_start3A_63 = tpu.memref_slice %arg8[%run_scoped3A_42, %mul3A_2, %dma_start3A_62] : memref<4x4096x256xf32, #tpu.memory_space<hbm>> -> memref<1x128x256xf32, #tpu.memory_space<hbm>>
      %dma_start3A_64 = tpu.memref_squeeze %dma_start3A_63 : memref<1x128x256xf32, #tpu.memory_space<hbm>> -> memref<128x256xf32, #tpu.memory_space<hbm>>
      %dma_start3A_65 = arith.constant 0 : i32
      %dma_start3A_66 = tpu.memref_slice %arg8[%run_scoped3A_42, %mul3A_2, %dma_start3A_65] : memref<4x4096x256xf32, #tpu.memory_space<hbm>> -> memref<1x128x256xf32, #tpu.memory_space<hbm>>
      %dma_start3A_67 = tpu.memref_squeeze %dma_start3A_66 : memref<1x128x256xf32, #tpu.memory_space<hbm>> -> memref<128x256xf32, #tpu.memory_space<hbm>>
      tpu.enqueue_dma source(%arg12 : memref<128x256xf32, #tpu.memory_space<vmem>>) target(%dma_start3A_67 : memref<128x256xf32, #tpu.memory_space<hbm>>) target_semaphore(%run_scoped3A_61 : memref<!tpu.dma_semaphore, #tpu.memory_space<semaphore_mem>>)
      %dma_wait3A_68 = arith.constant 0 : i32
      %dma_wait3A_69 = tpu.memref_slice %arg8[%run_scoped3A_42, %mul3A_2, %dma_wait3A_68] : memref<4x4096x256xf32, #tpu.memory_space<hbm>> -> memref<1x128x256xf32, #tpu.memory_space<hbm>>
      %dma_wait3A_70 = tpu.memref_squeeze %dma_wait3A_69 : memref<1x128x256xf32, #tpu.memory_space<hbm>> -> memref<128x256xf32, #tpu.memory_space<hbm>>
      %dma_wait3A_71 = arith.constant 0 : i32
      %dma_wait3A_72 = tpu.memref_slice %arg8[%run_scoped3A_42, %mul3A_2, %dma_wait3A_71] : memref<4x4096x256xf32, #tpu.memory_space<hbm>> -> memref<1x128x256xf32, #tpu.memory_space<hbm>>
      %dma_wait3A_73 = tpu.memref_squeeze %dma_wait3A_72 : memref<1x128x256xf32, #tpu.memory_space<hbm>> -> memref<128x256xf32, #tpu.memory_space<hbm>>
      tpu.wait_dma2 semaphore(%run_scoped3A_61 : memref<!tpu.dma_semaphore, #tpu.memory_space<semaphore_mem>>) src(%arg12 : memref<128x256xf32, #tpu.memory_space<vmem>>) dst(%dma_wait3A_73 : memref<128x256xf32, #tpu.memory_space<hbm>>)
      tpu.yield
    }) : () -> ()
    %dma_wait3A_43 = arith.constant 0 : i32
    %dma_wait3A_44 = arith.constant 0 : i32
    %dma_wait3A_45 = tpu.memref_slice %arg4[%dma_wait3A_43, %dma_wait3A_44] : memref<10000x256xf32, #tpu.memory_space<hbm>> -> memref<10000x256xf32, #tpu.memory_space<hbm>>
    tpu.wait_indirect_dma semaphore(%arg15 : memref<!tpu.dma_semaphore, #tpu.memory_space<semaphore_mem>>) src(%dma_wait3A_45 : memref<10000x256xf32, #tpu.memory_space<hbm>>) dst(%arg13 : memref<128x256xf32, #tpu.memory_space<vmem>>)
    %run_scoped3A_46 = arith.constant 2 : i32
    "tpu.region"() ({
      %run_scoped3A_61 = tpu.sem_alloc : memref<!tpu.dma_semaphore, #tpu.memory_space<semaphore_mem>>
      %dma_start3A_62 = arith.constant 0 : i32
      %dma_start3A_63 = tpu.memref_slice %arg9[%run_scoped3A_46, %mul3A_2, %dma_start3A_62] : memref<4x4096x256xf32, #tpu.memory_space<hbm>> -> memref<1x128x256xf32, #tpu.memory_space<hbm>>
      %dma_start3A_64 = tpu.memref_squeeze %dma_start3A_63 : memref<1x128x256xf32, #tpu.memory_space<hbm>> -> memref<128x256xf32, #tpu.memory_space<hbm>>
      %dma_start3A_65 = arith.constant 0 : i32
      %dma_start3A_66 = tpu.memref_slice %arg9[%run_scoped3A_46, %mul3A_2, %dma_start3A_65] : memref<4x4096x256xf32, #tpu.memory_space<hbm>> -> memref<1x128x256xf32, #tpu.memory_space<hbm>>
      %dma_start3A_67 = tpu.memref_squeeze %dma_start3A_66 : memref<1x128x256xf32, #tpu.memory_space<hbm>> -> memref<128x256xf32, #tpu.memory_space<hbm>>
      tpu.enqueue_dma source(%arg13 : memref<128x256xf32, #tpu.memory_space<vmem>>) target(%dma_start3A_67 : memref<128x256xf32, #tpu.memory_space<hbm>>) target_semaphore(%run_scoped3A_61 : memref<!tpu.dma_semaphore, #tpu.memory_space<semaphore_mem>>)
      %dma_wait3A_68 = arith.constant 0 : i32
      %dma_wait3A_69 = tpu.memref_slice %arg9[%run_scoped3A_46, %mul3A_2, %dma_wait3A_68] : memref<4x4096x256xf32, #tpu.memory_space<hbm>> -> memref<1x128x256xf32, #tpu.memory_space<hbm>>
      %dma_wait3A_70 = tpu.memref_squeeze %dma_wait3A_69 : memref<1x128x256xf32, #tpu.memory_space<hbm>> -> memref<128x256xf32, #tpu.memory_space<hbm>>
      %dma_wait3A_71 = arith.constant 0 : i32
      %dma_wait3A_72 = tpu.memref_slice %arg9[%run_scoped3A_46, %mul3A_2, %dma_wait3A_71] : memref<4x4096x256xf32, #tpu.memory_space<hbm>> -> memref<1x128x256xf32, #tpu.memory_space<hbm>>
      %dma_wait3A_73 = tpu.memref_squeeze %dma_wait3A_72 : memref<1x128x256xf32, #tpu.memory_space<hbm>> -> memref<128x256xf32, #tpu.memory_space<hbm>>
      tpu.wait_dma2 semaphore(%run_scoped3A_61 : memref<!tpu.dma_semaphore, #tpu.memory_space<semaphore_mem>>) src(%arg13 : memref<128x256xf32, #tpu.memory_space<vmem>>) dst(%dma_wait3A_73 : memref<128x256xf32, #tpu.memory_space<hbm>>)
      tpu.yield
    }) : () -> ()
    %dma_start3A_47 = arith.constant 0 : i32
    %dma_start3A_48 = arith.constant 0 : i32
    %dma_start3A_49 = tpu.memref_slice %arg5[%dma_start3A_47, %dma_start3A_48] : memref<10000x256xf32, #tpu.memory_space<hbm>> -> memref<10000x256xf32, #tpu.memory_space<hbm>>
    tpu.enqueue_indirect_dma source(%dma_start3A_49 : memref<10000x256xf32, #tpu.memory_space<hbm>>) target(%arg12 : memref<128x256xf32, #tpu.memory_space<vmem>>) offsets(%arg10 : memref<128xi32, #tpu.memory_space<vmem>>) semaphore(%arg14 : memref<!tpu.dma_semaphore, #tpu.memory_space<semaphore_mem>>)
    %dma_start3A_50 = arith.constant 0 : i32
    %dma_start3A_51 = arith.constant 0 : i32
    %dma_start3A_52 = tpu.memref_slice %arg5[%dma_start3A_50, %dma_start3A_51] : memref<10000x256xf32, #tpu.memory_space<hbm>> -> memref<10000x256xf32, #tpu.memory_space<hbm>>
    tpu.enqueue_indirect_dma source(%dma_start3A_52 : memref<10000x256xf32, #tpu.memory_space<hbm>>) target(%arg13 : memref<128x256xf32, #tpu.memory_space<vmem>>) offsets(%arg11 : memref<128xi32, #tpu.memory_space<vmem>>) semaphore(%arg15 : memref<!tpu.dma_semaphore, #tpu.memory_space<semaphore_mem>>)
    %dma_wait3A_53 = arith.constant 0 : i32
    %dma_wait3A_54 = arith.constant 0 : i32
    %dma_wait3A_55 = tpu.memref_slice %arg5[%dma_wait3A_53, %dma_wait3A_54] : memref<10000x256xf32, #tpu.memory_space<hbm>> -> memref<10000x256xf32, #tpu.memory_space<hbm>>
    tpu.wait_indirect_dma semaphore(%arg14 : memref<!tpu.dma_semaphore, #tpu.memory_space<semaphore_mem>>) src(%dma_wait3A_55 : memref<10000x256xf32, #tpu.memory_space<hbm>>) dst(%arg12 : memref<128x256xf32, #tpu.memory_space<vmem>>)
    %run_scoped3A_56 = arith.constant 3 : i32
    "tpu.region"() ({
      %run_scoped3A_61 = tpu.sem_alloc : memref<!tpu.dma_semaphore, #tpu.memory_space<semaphore_mem>>
      %dma_start3A_62 = arith.constant 0 : i32
      %dma_start3A_63 = tpu.memref_slice %arg8[%run_scoped3A_56, %mul3A_2, %dma_start3A_62] : memref<4x4096x256xf32, #tpu.memory_space<hbm>> -> memref<1x128x256xf32, #tpu.memory_space<hbm>>
      %dma_start3A_64 = tpu.memref_squeeze %dma_start3A_63 : memref<1x128x256xf32, #tpu.memory_space<hbm>> -> memref<128x256xf32, #tpu.memory_space<hbm>>
      %dma_start3A_65 = arith.constant 0 : i32
      %dma_start3A_66 = tpu.memref_slice %arg8[%run_scoped3A_56, %mul3A_2, %dma_start3A_65] : memref<4x4096x256xf32, #tpu.memory_space<hbm>> -> memref<1x128x256xf32, #tpu.memory_space<hbm>>
      %dma_start3A_67 = tpu.memref_squeeze %dma_start3A_66 : memref<1x128x256xf32, #tpu.memory_space<hbm>> -> memref<128x256xf32, #tpu.memory_space<hbm>>
      tpu.enqueue_dma source(%arg12 : memref<128x256xf32, #tpu.memory_space<vmem>>) target(%dma_start3A_67 : memref<128x256xf32, #tpu.memory_space<hbm>>) target_semaphore(%run_scoped3A_61 : memref<!tpu.dma_semaphore, #tpu.memory_space<semaphore_mem>>)
      %dma_wait3A_68 = arith.constant 0 : i32
      %dma_wait3A_69 = tpu.memref_slice %arg8[%run_scoped3A_56, %mul3A_2, %dma_wait3A_68] : memref<4x4096x256xf32, #tpu.memory_space<hbm>> -> memref<1x128x256xf32, #tpu.memory_space<hbm>>
      %dma_wait3A_70 = tpu.memref_squeeze %dma_wait3A_69 : memref<1x128x256xf32, #tpu.memory_space<hbm>> -> memref<128x256xf32, #tpu.memory_space<hbm>>
      %dma_wait3A_71 = arith.constant 0 : i32
      %dma_wait3A_72 = tpu.memref_slice %arg8[%run_scoped3A_56, %mul3A_2, %dma_wait3A_71] : memref<4x4096x256xf32, #tpu.memory_space<hbm>> -> memref<1x128x256xf32, #tpu.memory_space<hbm>>
      %dma_wait3A_73 = tpu.memref_squeeze %dma_wait3A_72 : memref<1x128x256xf32, #tpu.memory_space<hbm>> -> memref<128x256xf32, #tpu.memory_space<hbm>>
      tpu.wait_dma2 semaphore(%run_scoped3A_61 : memref<!tpu.dma_semaphore, #tpu.memory_space<semaphore_mem>>) src(%arg12 : memref<128x256xf32, #tpu.memory_space<vmem>>) dst(%dma_wait3A_73 : memref<128x256xf32, #tpu.memory_space<hbm>>)
      tpu.yield
    }) : () -> ()
    %dma_wait3A_57 = arith.constant 0 : i32
    %dma_wait3A_58 = arith.constant 0 : i32
    %dma_wait3A_59 = tpu.memref_slice %arg5[%dma_wait3A_57, %dma_wait3A_58] : memref<10000x256xf32, #tpu.memory_space<hbm>> -> memref<10000x256xf32, #tpu.memory_space<hbm>>
    tpu.wait_indirect_dma semaphore(%arg15 : memref<!tpu.dma_semaphore, #tpu.memory_space<semaphore_mem>>) src(%dma_wait3A_59 : memref<10000x256xf32, #tpu.memory_space<hbm>>) dst(%arg13 : memref<128x256xf32, #tpu.memory_space<vmem>>)
    %run_scoped3A_60 = arith.constant 3 : i32
    "tpu.region"() ({
      %run_scoped3A_61 = tpu.sem_alloc : memref<!tpu.dma_semaphore, #tpu.memory_space<semaphore_mem>>
      %dma_start3A_62 = arith.constant 0 : i32
      %dma_start3A_63 = tpu.memref_slice %arg9[%run_scoped3A_60, %mul3A_2, %dma_start3A_62] : memref<4x4096x256xf32, #tpu.memory_space<hbm>> -> memref<1x128x256xf32, #tpu.memory_space<hbm>>
      %dma_start3A_64 = tpu.memref_squeeze %dma_start3A_63 : memref<1x128x256xf32, #tpu.memory_space<hbm>> -> memref<128x256xf32, #tpu.memory_space<hbm>>
      %dma_start3A_65 = arith.constant 0 : i32
      %dma_start3A_66 = tpu.memref_slice %arg9[%run_scoped3A_60, %mul3A_2, %dma_start3A_65] : memref<4x4096x256xf32, #tpu.memory_space<hbm>> -> memref<1x128x256xf32, #tpu.memory_space<hbm>>
      %dma_start3A_67 = tpu.memref_squeeze %dma_start3A_66 : memref<1x128x256xf32, #tpu.memory_space<hbm>> -> memref<128x256xf32, #tpu.memory_space<hbm>>
      tpu.enqueue_dma source(%arg13 : memref<128x256xf32, #tpu.memory_space<vmem>>) target(%dma_start3A_67 : memref<128x256xf32, #tpu.memory_space<hbm>>) target_semaphore(%run_scoped3A_61 : memref<!tpu.dma_semaphore, #tpu.memory_space<semaphore_mem>>)
      %dma_wait3A_68 = arith.constant 0 : i32
      %dma_wait3A_69 = tpu.memref_slice %arg9[%run_scoped3A_60, %mul3A_2, %dma_wait3A_68] : memref<4x4096x256xf32, #tpu.memory_space<hbm>> -> memref<1x128x256xf32, #tpu.memory_space<hbm>>
      %dma_wait3A_70 = tpu.memref_squeeze %dma_wait3A_69 : memref<1x128x256xf32, #tpu.memory_space<hbm>> -> memref<128x256xf32, #tpu.memory_space<hbm>>
      %dma_wait3A_71 = arith.constant 0 : i32
      %dma_wait3A_72 = tpu.memref_slice %arg9[%run_scoped3A_60, %mul3A_2, %dma_wait3A_71] : memref<4x4096x256xf32, #tpu.memory_space<hbm>> -> memref<1x128x256xf32, #tpu.memory_space<hbm>>
      %dma_wait3A_73 = tpu.memref_squeeze %dma_wait3A_72 : memref<1x128x256xf32, #tpu.memory_space<hbm>> -> memref<128x256xf32, #tpu.memory_space<hbm>>
      tpu.wait_dma2 semaphore(%run_scoped3A_61 : memref<!tpu.dma_semaphore, #tpu.memory_space<semaphore_mem>>) src(%arg13 : memref<128x256xf32, #tpu.memory_space<vmem>>) dst(%dma_wait3A_73 : memref<128x256xf32, #tpu.memory_space<hbm>>)
      tpu.yield
    }) : () -> ()
    return
  }
}

module attributes {stable_mosaic.version = 14 : i64} {
  func.func @_prep_body(%arg0: i32, %arg1: memref<400x16xf32, #tpu.memory_space<vmem>>, %arg2: memref<400x256xf32, #tpu.memory_space<vmem>>, %arg3: memref<400x256xf32, #tpu.memory_space<vmem>>) attributes {dimension_semantics = [#tpu.dimension_semantics<arbitrary>], iteration_bounds = array<i64: 25>, scalar_prefetch = 0 : i64, scratch_operands = 0 : i64, tpu.core_type = #tpu.core_type<tc>, window_params = [{transform_indices = @transform_0, window_bounds = array<i64: 400, 16>}, {transform_indices = @transform_1, window_bounds = array<i64: 400, 256>}, {transform_indices = @transform_2, window_bounds = array<i64: 400, 256>}]} {
    %get3A = arith.constant 0 : index
    %get3A_0 = arith.constant 0 : index
    %get3A_1 = vector.load %arg2[%get3A, %get3A_0] : memref<400x256xf32, #tpu.memory_space<vmem>>, vector<400x256xf32>
    %get3A_2 = arith.constant 0 : index
    %get3A_3 = arith.constant 0 : index
    %get3A_4 = vector.load %arg1[%get3A_2, %get3A_3] : memref<400x16xf32, #tpu.memory_space<vmem>>, vector<400x1xf32>
    %gt3A = arith.constant 0.000000e+00 : f32
    %gt3A_5 = vector.broadcast %gt3A : f32 to vector<400x1xf32>
    %gt3A_6 = arith.cmpf ogt, %get3A_4, %gt3A_5 : vector<400x1xf32>
    %rsqrt3A = math.rsqrt %get3A_4 : vector<400x1xf32>
    %jit3A = arith.constant 0.000000e+00 : f32
    %broadcast_in_dim3A = vector.broadcast %jit3A : f32 to vector<400x1xf32>
    %select_n3A = arith.select %gt3A_6, %rsqrt3A, %broadcast_in_dim3A : vector<400x1xi1>, vector<400x1xf32>
    %mul3A = vector.broadcast %select_n3A : vector<400x1xf32> to vector<400x256xf32>
    %mul3A_7 = arith.mulf %get3A_1, %mul3A : vector<400x256xf32>
    %swap3A = arith.constant 0 : index
    %swap3A_8 = arith.constant 0 : index
    %swap3A_9 = vector.load %arg3[%swap3A, %swap3A_8] : memref<400x256xf32, #tpu.memory_space<vmem>>, vector<400x256xf32>
    tpu.vector_store %arg3[%swap3A, %swap3A_8], %mul3A_7 {strides = array<i32>} : memref<400x256xf32, #tpu.memory_space<vmem>>, vector<400x256xf32>,
    return
  }
  func.func @transform_0(%arg0: i32) -> (i32, i32) {
    %c0_i32 = arith.constant 0 : i32
    %c0_i32_0 = arith.constant 0 : i32
    return %arg0, %c0_i32 : i32, i32
  }
  func.func @transform_1(%arg0: i32) -> (i32, i32) {
    %c0_i32 = arith.constant 0 : i32
    %c0_i32_0 = arith.constant 0 : i32
    return %arg0, %c0_i32 : i32, i32
  }
  func.func @transform_2(%arg0: i32) -> (i32, i32) {
    %c0_i32 = arith.constant 0 : i32
    %c0_i32_0 = arith.constant 0 : i32
    return %arg0, %c0_i32 : i32, i32
  }
}

module attributes {stable_mosaic.version = 14 : i64} {
  func.func @_layer_body(%arg0: i32, %arg1: memref<400x16xf32, #tpu.memory_space<vmem>>, %arg2: memref<400x256xf32, #tpu.memory_space<vmem>>, %arg3: memref<2x400x128xf32, #tpu.memory_space<vmem>>, %arg4: memref<256x256xf32, #tpu.memory_space<vmem>>, %arg5: memref<1x256xf32, #tpu.memory_space<vmem>>, %arg6: memref<256x256xf32, #tpu.memory_space<vmem>>, %arg7: memref<1x256xf32, #tpu.memory_space<vmem>>, %arg8: memref<400x256xf32, #tpu.memory_space<vmem>>, %arg9: memref<400x256xf32, #tpu.memory_space<vmem>>) attributes {dimension_semantics = [#tpu.dimension_semantics<arbitrary>], iteration_bounds = array<i64: 25>, scalar_prefetch = 0 : i64, scratch_operands = 0 : i64, tpu.core_type = #tpu.core_type<tc>, window_params = [{transform_indices = @transform_0, window_bounds = array<i64: 400, 16>}, {transform_indices = @transform_1, window_bounds = array<i64: 400, 256>}, {transform_indices = @transform_2, window_bounds = array<i64: 2, 400, 128>}, {pipeline_mode = #tpu.pipeline_mode<synchronous>, transform_indices = @transform_3, window_bounds = array<i64: 256, 256>}, {pipeline_mode = #tpu.pipeline_mode<synchronous>, transform_indices = @transform_4, window_bounds = array<i64: 1, 256>}, {pipeline_mode = #tpu.pipeline_mode<synchronous>, transform_indices = @transform_5, window_bounds = array<i64: 256, 256>}, {pipeline_mode = #tpu.pipeline_mode<synchronous>, transform_indices = @transform_6, window_bounds = array<i64: 1, 256>}, {transform_indices = @transform_7, window_bounds = array<i64: 400, 256>}, {transform_indices = @transform_8, window_bounds = array<i64: 400, 256>}]} {
    %get3A = arith.constant 0 : index
    %get3A_0 = arith.constant 0 : index
    %get3A_1 = vector.load %arg1[%get3A, %get3A_0] : memref<400x16xf32, #tpu.memory_space<vmem>>, vector<400x1xf32>
    %gt3A = arith.constant 0.000000e+00 : f32
    %gt3A_2 = vector.broadcast %gt3A : f32 to vector<400x1xf32>
    %gt3A_3 = arith.cmpf ogt, %get3A_1, %gt3A_2 : vector<400x1xf32>
    %rsqrt3A = math.rsqrt %get3A_1 : vector<400x1xf32>
    %jit3A = arith.constant 0.000000e+00 : f32
    %broadcast_in_dim3A = vector.broadcast %jit3A : f32 to vector<400x1xf32>
    %select_n3A = arith.select %gt3A_3, %rsqrt3A, %broadcast_in_dim3A : vector<400x1xi1>, vector<400x1xf32>
    %get3A_4 = arith.constant 0 : index
    %get3A_5 = arith.constant 0 : index
    %get3A_6 = vector.load %arg2[%get3A_4, %get3A_5] : memref<400x256xf32, #tpu.memory_space<vmem>>, vector<400x256xf32>
    %get3A_7 = arith.constant 0 : index
    %get3A_8 = arith.constant 0 : index
    %get3A_9 = arith.constant 0 : index
    %get3A_10 = vector.load %arg3[%get3A_7, %get3A_8, %get3A_9] : memref<2x400x128xf32, #tpu.memory_space<vmem>>, vector<2x400x128xf32>
    %slice3A = vector.extract_strided_slice %get3A_10 {offsets = [0, 0, 0], sizes = [1, 400, 128], strides = [1, 1, 1]} : vector<2x400x128xf32> to vector<1x400x128xf32>
    %squeeze3A = vector.shape_cast %slice3A : vector<1x400x128xf32> to vector<400x128xf32>
    %slice3A_11 = vector.extract_strided_slice %get3A_10 {offsets = [1, 0, 0], sizes = [1, 400, 128], strides = [1, 1, 1]} : vector<2x400x128xf32> to vector<1x400x128xf32>
    %squeeze3A_12 = vector.shape_cast %slice3A_11 : vector<1x400x128xf32> to vector<400x128xf32>
    %concatenate3A = tpu.concatenate %squeeze3A, %squeeze3A_12 in 1 : vector<400x128xf32>, vector<400x128xf32> -> vector<400x256xf32>
    %mul3A = vector.broadcast %select_n3A : vector<400x1xf32> to vector<400x256xf32>
    %mul3A_13 = arith.mulf %concatenate3A, %mul3A : vector<400x256xf32>
    %get3A_14 = arith.constant 0 : index
    %get3A_15 = arith.constant 0 : index
    %get3A_16 = vector.load %arg4[%get3A_14, %get3A_15] : memref<256x256xf32, #tpu.memory_space<vmem>>, vector<256x256xf32>
    %dot_general3A = arith.constant dense<0.000000e+00> : vector<400x256xf32>
    %dot_general3A_17 = tpu.matmul %get3A_6, %get3A_16, %dot_general3A {dimension_numbers = #tpu.dot_dimension_numbers<[1], [0], [0], [1], [0, 0, 1, 1], [], []>, transpose_lhs_hint = false} : vector<400x256xf32>, vector<256x256xf32>, vector<400x256xf32> -> vector<400x256xf32>
    %get3A_18 = arith.constant 0 : index
    %get3A_19 = arith.constant 0 : index
    %get3A_20 = vector.load %arg5[%get3A_18, %get3A_19] : memref<1x256xf32, #tpu.memory_space<vmem>>, vector<1x256xf32>
    %add3A = vector.broadcast %get3A_20 : vector<1x256xf32> to vector<400x256xf32>
    %add3A_21 = arith.addf %dot_general3A_17, %add3A : vector<400x256xf32>
    %add3A_22 = arith.constant 1.000000e+00 : f32
    %add3A_23 = vector.broadcast %add3A_22 : f32 to vector<400x256xf32>
    %add3A_24 = arith.addf %add3A_23, %get3A_6 : vector<400x256xf32>
    %mul3A_25 = arith.mulf %mul3A_13, %add3A_24 : vector<400x256xf32>
    %get3A_26 = arith.constant 0 : index
    %get3A_27 = arith.constant 0 : index
    %get3A_28 = vector.load %arg6[%get3A_26, %get3A_27] : memref<256x256xf32, #tpu.memory_space<vmem>>, vector<256x256xf32>
    %dot_general3A_29 = arith.constant dense<0.000000e+00> : vector<400x256xf32>
    %dot_general3A_30 = tpu.matmul %mul3A_25, %get3A_28, %dot_general3A_29 {dimension_numbers = #tpu.dot_dimension_numbers<[1], [0], [0], [1], [0, 0, 1, 1], [], []>, transpose_lhs_hint = false} : vector<400x256xf32>, vector<256x256xf32>, vector<400x256xf32> -> vector<400x256xf32>
    %get3A_31 = arith.constant 0 : index
    %get3A_32 = arith.constant 0 : index
    %get3A_33 = vector.load %arg7[%get3A_31, %get3A_32] : memref<1x256xf32, #tpu.memory_space<vmem>>, vector<1x256xf32>
    %add3A_34 = vector.broadcast %get3A_33 : vector<1x256xf32> to vector<400x256xf32>
    %add3A_35 = arith.addf %dot_general3A_30, %add3A_34 : vector<400x256xf32>
    %add3A_36 = arith.addf %add3A_21, %add3A_35 : vector<400x256xf32>
    %ge3A = arith.constant 0.000000e+00 : f32
    %ge3A_37 = vector.broadcast %ge3A : f32 to vector<400x256xf32>
    %ge3A_38 = arith.cmpf oge, %add3A_36, %ge3A_37 : vector<400x256xf32>
    %mul3A_39 = arith.constant 2.000000e-01 : f32
    %mul3A_40 = vector.broadcast %mul3A_39 : f32 to vector<400x256xf32>
    %mul3A_41 = arith.mulf %mul3A_40, %add3A_36 : vector<400x256xf32>
    %select_n3A_42 = arith.select %ge3A_38, %add3A_36, %mul3A_41 : vector<400x256xi1>, vector<400x256xf32>
    %mul3A_43 = arith.mulf %select_n3A_42, %select_n3A_42 : vector<400x256xf32>
    %reduce_sum3A = arith.constant dense<0.000000e+00> : vector<400xf32>
    %reduce_sum3A_44 = vector.multi_reduction <add>, %mul3A_43, %reduce_sum3A [1] : vector<400x256xf32> to vector<400xf32>
    %broadcast_in_dim3A_45 = vector.shape_cast %reduce_sum3A_44 : vector<400xf32> to vector<400x1xf32>
    %sqrt3A = math.sqrt %broadcast_in_dim3A_45 : vector<400x1xf32>
    %max3A = arith.constant 9.99999996E-13 : f32
    %max3A_46 = vector.broadcast %max3A : f32 to vector<400x1xf32>
    %max3A_47 = arith.maximumf %sqrt3A, %max3A_46 : vector<400x1xf32>
    %div3A = vector.broadcast %max3A_47 : vector<400x1xf32> to vector<400x256xf32>
    %div3A_48 = arith.divf %select_n3A_42, %div3A : vector<400x256xf32>
    %swap3A = arith.constant 0 : index
    %swap3A_49 = arith.constant 0 : index
    %swap3A_50 = vector.load %arg8[%swap3A, %swap3A_49] : memref<400x256xf32, #tpu.memory_space<vmem>>, vector<400x256xf32>
    tpu.vector_store %arg8[%swap3A, %swap3A_49], %div3A_48 {strides = array<i32>} : memref<400x256xf32, #tpu.memory_space<vmem>>, vector<400x256xf32>,
    %mul3A_51 = vector.broadcast %select_n3A : vector<400x1xf32> to vector<400x256xf32>
    %mul3A_52 = arith.mulf %div3A_48, %mul3A_51 : vector<400x256xf32>
    %swap3A_53 = arith.constant 0 : index
    %swap3A_54 = arith.constant 0 : index
    %swap3A_55 = vector.load %arg9[%swap3A_53, %swap3A_54] : memref<400x256xf32, #tpu.memory_space<vmem>>, vector<400x256xf32>
    tpu.vector_store %arg9[%swap3A_53, %swap3A_54], %mul3A_52 {strides = array<i32>} : memref<400x256xf32, #tpu.memory_space<vmem>>, vector<400x256xf32>,
    return
  }
  func.func @transform_0(%arg0: i32) -> (i32, i32) {
    %c0_i32 = arith.constant 0 : i32
    %c0_i32_0 = arith.constant 0 : i32
    return %arg0, %c0_i32 : i32, i32
  }
  func.func @transform_1(%arg0: i32) -> (i32, i32) {
    %c0_i32 = arith.constant 0 : i32
    %c0_i32_0 = arith.constant 0 : i32
    return %arg0, %c0_i32 : i32, i32
  }
  func.func @transform_2(%arg0: i32) -> (i32, i32, i32) {
    %c0_i32 = arith.constant 0 : i32
    %c0_i32_0 = arith.constant 0 : i32
    %c0_i32_1 = arith.constant 0 : i32
    return %c0_i32, %arg0, %c0_i32_0 : i32, i32, i32
  }
  func.func @transform_3(%arg0: i32) -> (i32, i32) {
    %c0_i32 = arith.constant 0 : i32
    %c0_i32_0 = arith.constant 0 : i32
    %c0_i32_1 = arith.constant 0 : i32
    return %c0_i32, %c0_i32_0 : i32, i32
  }
  func.func @transform_4(%arg0: i32) -> (i32, i32) {
    %c0_i32 = arith.constant 0 : i32
    %c0_i32_0 = arith.constant 0 : i32
    %c0_i32_1 = arith.constant 0 : i32
    return %c0_i32, %c0_i32_0 : i32, i32
  }
  func.func @transform_5(%arg0: i32) -> (i32, i32) {
    %c0_i32 = arith.constant 0 : i32
    %c0_i32_0 = arith.constant 0 : i32
    %c0_i32_1 = arith.constant 0 : i32
    return %c0_i32, %c0_i32_0 : i32, i32
  }
  func.func @transform_6(%arg0: i32) -> (i32, i32) {
    %c0_i32 = arith.constant 0 : i32
    %c0_i32_0 = arith.constant 0 : i32
    %c0_i32_1 = arith.constant 0 : i32
    return %c0_i32, %c0_i32_0 : i32, i32
  }
  func.func @transform_7(%arg0: i32) -> (i32, i32) {
    %c0_i32 = arith.constant 0 : i32
    %c0_i32_0 = arith.constant 0 : i32
    return %arg0, %c0_i32 : i32, i32
  }
  func.func @transform_8(%arg0: i32) -> (i32, i32) {
    %c0_i32 = arith.constant 0 : i32
    %c0_i32_0 = arith.constant 0 : i32
    return %arg0, %c0_i32 : i32, i32
  }
}

module attributes {stable_mosaic.version = 14 : i64} {
  func.func @_dot_body(%arg0: i32, %arg1: memref<4x512x256xf32, #tpu.memory_space<vmem>>, %arg2: memref<4x512x256xf32, #tpu.memory_space<vmem>>, %arg3: memref<512x1xf32, #tpu.memory_space<vmem>>) attributes {dimension_semantics = [#tpu.dimension_semantics<arbitrary>], iteration_bounds = array<i64: 8>, scalar_prefetch = 0 : i64, scratch_operands = 0 : i64, tpu.core_type = #tpu.core_type<tc>, window_params = [{transform_indices = @transform_0, window_bounds = array<i64: 4, 512, 256>}, {transform_indices = @transform_1, window_bounds = array<i64: 4, 512, 256>}, {transform_indices = @transform_2, window_bounds = array<i64: 512, 1>}]} {
    %get3A = arith.constant 0 : index
    %get3A_0 = arith.constant 0 : index
    %get3A_1 = arith.constant 0 : index
    %get3A_2 = vector.load %arg1[%get3A, %get3A_0, %get3A_1] : memref<4x512x256xf32, #tpu.memory_space<vmem>>, vector<4x512x256xf32>
    %get3A_3 = arith.constant 0 : index
    %get3A_4 = arith.constant 0 : index
    %get3A_5 = arith.constant 0 : index
    %get3A_6 = vector.load %arg2[%get3A_3, %get3A_4, %get3A_5] : memref<4x512x256xf32, #tpu.memory_space<vmem>>, vector<4x512x256xf32>
    %mul3A = arith.mulf %get3A_2, %get3A_6 : vector<4x512x256xf32>
    %reduce_sum3A = arith.constant dense<0.000000e+00> : vector<4x512xf32>
    %reduce_sum3A_7 = vector.multi_reduction <add>, %mul3A, %reduce_sum3A [2] : vector<4x512x256xf32> to vector<4x512xf32>
    %reduce_sum3A_8 = arith.constant dense<0.000000e+00> : vector<512xf32>
    %reduce_sum3A_9 = vector.multi_reduction <add>, %reduce_sum3A_7, %reduce_sum3A_8 [0] : vector<4x512xf32> to vector<512xf32>
    %broadcast_in_dim3A = vector.shape_cast %reduce_sum3A_9 : vector<512xf32> to vector<512x1xf32>
    %swap3A = arith.constant 0 : index
    %swap3A_10 = arith.constant 0 : index
    %swap3A_11 = vector.load %arg3[%swap3A, %swap3A_10] : memref<512x1xf32, #tpu.memory_space<vmem>>, vector<512x1xf32>
    tpu.vector_store %arg3[%swap3A, %swap3A_10], %broadcast_in_dim3A {strides = array<i32>} : memref<512x1xf32, #tpu.memory_space<vmem>>, vector<512x1xf32>,
    return
  }
  func.func @transform_0(%arg0: i32) -> (i32, i32, i32) {
    %c0_i32 = arith.constant 0 : i32
    %c0_i32_0 = arith.constant 0 : i32
    %c0_i32_1 = arith.constant 0 : i32
    return %c0_i32, %arg0, %c0_i32_0 : i32, i32, i32
  }
  func.func @transform_1(%arg0: i32) -> (i32, i32, i32) {
    %c0_i32 = arith.constant 0 : i32
    %c0_i32_0 = arith.constant 0 : i32
    %c0_i32_1 = arith.constant 0 : i32
    return %c0_i32, %arg0, %c0_i32_0 : i32, i32, i32
  }
  func.func @transform_2(%arg0: i32) -> (i32, i32) {
    %c0_i32 = arith.constant 0 : i32
    %c0_i32_0 = arith.constant 0 : i32
    return %arg0, %c0_i32 : i32, i32
  }
}

</mosaic_0001>

<sc_bundles>
// kernel: kernel.12.cloned.1.call-start
scs
__scs_entry_jumppad:
0x0: {  	(pc) =	sbr.rel $0x88, $3  }
0x1: {  	(tag) =	ssettag $0x0;
	lr =	simm.s32 $0x1  }
0x2: {  	[smem:$0x3F98] =	sst lr;
	_ =	strace $0xD0000000  }
0x3: {  	_ = 	snop  }
0x4: {  	_ = 	snop  }
0x5: {  	_ = 	snop  }
0x6: {  	_ = 	snop  }
0x7: {  	_ = 	snop  }
__scs_overlays_trampoline_lowered:
0x8: {  	[smem:$0x3FA7] =	sst s0  }
0x9: {  	[smem:$0x3FA8] =	sst s1  }
0xa: {  	[smem:$0x3FA9] =	sst s2  }
0xb: {  	[smem:$0x3FAA] =	sst s3  }
0xc: {  	[smem:$0x3FAB] =	sst s4  }
0xd: {  	[smem:$0x3FAC] =	sst s5  }
0xe: {  	[smem:$0x3FAD] =	sst s6  }
0xf: {  	[smem:$0x3FAE] =	sst s7  }
0x10: {  	[smem:$0x3FAF] =	sst s8  }
0x11: {  	[smem:$0x3FB0] =	sst s9;
	s0 =	simm.s32 @!p0 $0x0  }
0x12: {  	s1 =	sld [smem:$0x3F96];
	s0 =	simm.s32 @p0 $0x1  }
0x13: {  	[smem:$0x3FB1] =	sst s0;
	s0 =	simm.s32 @!p1 $0x0  }
0x14: {  	s2 =	sld [smem:$0x3F95];
	s0 =	simm.s32 @p1 $0x1  }
0x15: {  	[smem:$0x3FB2] =	sst s0;
	s0 =	simm.s32 @!p2 $0x0  }
0x16: {  	s3 =	sld [smem:$0x3FDB];
	s0 =	simm.s32 @p2 $0x1  }
0x17: {  	s4 =	simm.s32 $0x1BF5;
	[smem:$0x3FB4] =	sst s0  }
0x18: {  	s0 =	sld [smem:$0x3F97];
	_ =	swait.ge [sflag:s4], $0x0  }
0x19: {  	s7 =	sld [smem:$0x3F98]  }
0x1a: {  	s8 =	sadd.s32 $0xFFFFE003, lr  }
0x1b: {  	s9 =	sadd.s32 $0xFFFFFEF7, lr;
	s5 =	simm.s32 $0xFFFFFFFF;
	p2 =	slt.u32 s8, $0xFFFFF086  }
0x1c: {  	p1 =	slt.u32 s9, $0xF7A;
	s5 =	simm.s32 @!p2 $0x0  }
0x1d: {  	s5 =	simm.s32 @p1 $0x1;
	p0 =	seq.s32 s7, s2  }
0x1e: {  	s7 =	smul.u32 @!p0 $0xF7A, s2;
	p2 =	seq.s32 @!p0 s5, $0x0  }
0x1f: {  	s9 =	smul.u32 $0xF7A, s1;
	s8 =	simm.s32 @!p0 $0x1BF5;
	p2 =	por !p2, p0  }
0x20: {  	[sflag:s8] =	ssyncset.s32 @!p0 $0xFFFFF086;
	s6 =	sadd.s32 @!p0 s3, s7;
	s7 =	simm.s32 @!p0 $0x108  }
0x21: {  	s3 =	sadd.s32 s3, s9;
	s6 =	sadd.s32 @!p0 $0x88, s6;
	s7 =	simm.s32 @p2 $0x1082  }
0x22: {  	[simem:s7], [sflag:s8] =	dma.local @!p0 [hbm:s6], $0xF7A  }
0x23: {  	s9 =	sor.u32 $0xD0000000, s2;
	s6 =	simm.s32 $0x108;
	_ =	swait.ge @!p0 [sflag:s8], $0x0  }
0x24: {  	s3 =	sadd.s32 $0x88, s3;
	s6 =	simm.s32 @!p1 $0x1082;
	[sflag:s4] =	ssyncset.s32 $0xFFFFF086  }
0x25: {  	[simem:s6], [sflag:s4] =	dma.local [hbm:s3], $0xF7A  }
0x26: {  	[smem:$0x3F98] =	sst s1;
	(tag) =	ssettag s2;
	_ =	strace s9  }
0x27: {  	s1 =	sld [smem:$0x3FA8]  }
0x28: {  	s2 =	sld [smem:$0x3FA9]  }
0x29: {  	s4 =	sld [smem:$0x3FAB]  }
0x2a: {  	p0 =	seq.s32 s5, $0x0;
	s5 =	sld [smem:$0x3FAC]  }
0x2b: {  	s6 =	sld [smem:$0x3FAD]  }
0x2c: {  	s7 =	sld [smem:$0x3FAE]  }
0x2d: {  	s3 =	simm.s32 $0x108;
	s8 =	sld [smem:$0x3FAF]  }
0x2e: {  	s3 =	simm.s32 @!p0 $0x1082;
	s9 =	sld [smem:$0x3FB0]  }
0x2f: {  	lr =	sadd.s32 s0, s3;
	s0 =	sld [smem:$0x3FA7]  }
0x30: {  	s3 =	sld [smem:$0x3FAA]  }
0x31: {  	[smem:$0x3FB3] =	sst s10  }
0x32: {  	s10 =	sld [smem:$0x3FB1];
	_ =	sdelay $0x3  }
0x33: {  	p0 =	seq.s32 s10, $0x1;
	s10 =	sld [smem:$0x3FB3];
	_ =	sdelay $0x3  }
0x34: {  	[smem:$0x3FB3] =	sst s10  }
0x35: {  	s10 =	sld [smem:$0x3FB2];
	_ =	sdelay $0x3  }
0x36: {  	p1 =	seq.s32 s10, $0x1;
	s10 =	sld [smem:$0x3FB3];
	_ =	sdelay $0x3  }
0x37: {  	[smem:$0x3FB3] =	sst s10  }
0x38: {  	s10 =	sld [smem:$0x3FB4]  }
0x39: {  	_ = 	snop;
	(pc) =	sbr.ind lr, $3  }
0x3a: {  	_ = 	snop  }
0x3b: {  	_ = 	snop  }
0x3c: {  	p2 =	seq.s32 s10, $0x1;
	s10 =	sld [smem:$0x3FB3]  }
0x3d: {  	_ =	shalt  }
0x3e: {  	_ =	shalt  }
0x3f: {  	_ =	shalt  }
0x40: {  	_ =	shalt  }
0x41: {  	_ =	shalt  }
0x42: {  	_ =	shalt  }
0x43: {  	_ =	shalt  }
0x44: {  	_ =	shalt  }
0x45: {  	_ =	shalt  }
0x46: {  	_ =	shalt  }
0x47: {  	_ =	shalt  }
0x48: {  	_ =	shalt  }
0x49: {  	_ =	shalt  }
0x4a: {  	_ =	shalt  }
0x4b: {  	_ =	shalt  }
0x4c: {  	_ =	shalt  }
0x4d: {  	_ =	shalt  }
0x4e: {  	_ =	shalt  }
0x4f: {  	_ =	shalt  }
0x50: {  	_ =	shalt  }
0x51: {  	_ =	shalt  }
0x52: {  	_ =	shalt  }
0x53: {  	_ =	shalt  }
0x54: {  	_ =	shalt  }
0x55: {  	_ =	shalt  }
0x56: {  	_ =	shalt  }
0x57: {  	_ =	shalt  }
0x58: {  	_ =	shalt  }
0x59: {  	_ =	shalt  }
0x5a: {  	_ =	shalt  }
0x5b: {  	_ =	shalt  }
0x5c: {  	_ =	shalt  }
0x5d: {  	_ =	shalt  }
0x5e: {  	_ =	shalt  }
0x5f: {  	_ =	shalt  }
0x60: {  	_ =	shalt  }
0x61: {  	_ =	shalt  }
0x62: {  	_ =	shalt  }
0x63: {  	_ =	shalt  }
0x64: {  	_ =	shalt  }
0x65: {  	_ =	shalt  }
0x66: {  	_ =	shalt  }
0x67: {  	_ =	shalt  }
0x68: {  	_ =	shalt  }
0x69: {  	_ =	shalt  }
0x6a: {  	_ =	shalt  }
0x6b: {  	_ =	shalt  }
0x6c: {  	_ =	shalt  }
0x6d: {  	_ =	shalt  }
0x6e: {  	_ =	shalt  }
0x6f: {  	_ =	shalt  }
0x70: {  	_ =	shalt  }
0x71: {  	_ =	shalt  }
0x72: {  	_ =	shalt  }
0x73: {  	_ =	shalt  }
0x74: {  	_ =	shalt  }
0x75: {  	_ =	shalt  }
0x76: {  	_ =	shalt  }
0x77: {  	_ =	shalt  }
0x78: {  	_ =	shalt  }
0x79: {  	_ =	shalt  }
0x7a: {  	_ =	shalt  }
0x7b: {  	_ =	shalt  }
0x7c: {  	_ =	shalt  }
0x7d: {  	_ =	shalt  }
0x7e: {  	_ =	shalt  }
0x7f: {  	_ =	shalt  }
0x80: {  	_ =	shalt  }
0x81: {  	_ =	shalt  }
0x82: {  	_ =	shalt  }
0x83: {  	_ =	shalt  }
0x84: {  	_ =	shalt  }
0x85: {  	_ =	shalt  }
0x86: {  	_ =	shalt  }
0x87: {  	_ =	shalt  }
.Lfunc_end0:
.L_simem_size_0:
called_computation_lowered:
.L_overlay_start_0:
0x88: {  	s2 =	sld [smem:$0x3FD9]  }
0x89: {  	s3 =	sld [smem:$0x3FFE];
	_ =	sdelay $0x1  }
0x8a: {  	s1 =	srdreg.scid  }
0x8b: {  	s0 =	sand.u32 $0x1, s1  }
0x8c: {  	s17 =	sshll.u32 s0, $0xA;
	s2 =	sadd.s32 s3, s2  }
0x8d: {  	s2 =	sadd.s32 s2, s17  }
0x8e: {  	[smem:$0x3FBF] =	sst s2  }
0x8f: {  	_ = 	snop  }
0x90: {  	s2 =	sld [smem:$0x3FD0];
	(tm) =	ssettm $0x1  }
0x91: {  	s18 =	sld [smem:$0x3FFB];
	_ =	sdelay $0x3  }
0x92: {  	_ =	strace s18  }
0x93: {  	s3 =	sld [smem:$0x3FFC];
	_ =	sdelay $0x3  }
0x94: {  	_ =	strace s3  }
0x95: {  	s3 =	sld [smem:$0x3FFD];
	_ =	sdelay $0x3  }
0x96: {  	_ =	strace s3  }
0x97: {  	_ =	strace $0x8FFFFFFF  }
0x98: {  	s19 =	sld [smem:$0x3FDB];
	_ =	sdelay $0x1  }
0x99: {  	s4 =	simm.s32 $_scs_section_size  }
0x9a: {  	s5 =	simm.s32 $_size__tile_overlayer_lowered;
	s6 =	simm.s32 $_tile_overlayer_lowered  }
0x9b: {  	s22 =	simm.s32 $0x1BFF;
	s21 =	sshll.u32 s6, $0x1;
	s3 =	sadd.s32 s4, s19  }
0x9c: {  	s7 =	simm.s32 $0x0;
	s20 =	sshll.u32 s5, $0x1;
	s5 =	sadd.s32 s21, s3  }
0x9d: {  	[timem:s7], [sflag:s22] =	dma.local [hbm:s5], s20  }
0x9e: {  	_ =	swait.ge [sflag:s22], s20  }
0x9f: {  	s4 =	ssub.s32 $0x0, s20;
	[sflag:s22] =	ssyncset.done $0x0  }
0xa0: {  	[sflag:s22] =	ssyncadd.s32 s4;
	_ =	sdelay $0x1  }
0xa1: {  	s23 =	simm.s32 $0x1B8B  }
0xa2: {  	_ =	swait.ge [sflag:s23], $0x1  }
0xa3: {  	[sflag:s23] =	ssyncset.done $0x0  }
0xa4: {  	s25 =	simm.s32 $0x1B8E;
	s24 =	sld [smem:$0x3FFE];
	[sflag:s23] =	ssyncadd.s32 $0xFFFFFFFF  }
0xa5: {  	s26 =	simm.s32 $execute0_lowered;
	[smem:$0x3FD2] =	sst s25  }
0xa6: {  	s5 =	sshll.u32 s26, $0x1;
	_ =	strace $0x80000046;
	[dreg:$0x1] =	wrdreg $0xFFFFFFFF  }
0xa7: {  	s28 =	simm.s32 $_size_execute0_lowered;
	s3 =	sadd.s32 s3, s5;
	[dreg:$0x0] =	wrdreg $0x0  }
0xa8: {  	s5 =	sshll.u32 s28, $0x1;
	[dreg:$0x2] =	wrdreg s3  }
0xa9: {  	[dreg:$0x3] =	wrdreg s5  }
0xaa: {  	[dreg:$0x4] =	wrdreg $0xC0  }
0xab: {  	_ =	task [dreg:s7], $0x5FFFF  }
0xac: {  	[dreg:$0x1] =	wrdreg $0xFFFFFFFF  }
0xad: {  	[dreg:$0x0] =	wrdreg $0x60  }
0xae: {  	[dreg:$0x2] =	wrdreg s24  }
0xaf: {  	[dreg:$0x3] =	wrdreg s2  }
0xb0: {  	[dreg:$0x4] =	wrdreg $0x2C600  }
0xb1: {  	[dreg:$0x5] =	wrdreg $0x9  }
0xb2: {  	_ =	task.clear_ibuf [dreg:s7], $0x6FFFF;
	_ =	strace $0x90000046  }
0xb3: {  	s29 =	simm.s32 $0x9;
	_ =	strace $0x80000048  }
0xb4: {  	_ =	swait.ge [sflag:s29], $0x1  }
0xb5: {  	[sflag:s29] =	ssyncadd.s32 $0xFFFFFFFF  }
0xb6: {  	_ =	strace $0x90000048  }
0xb7: {  	_ =	sfence  }
0xb8: {  	s30 =	sld [smem:$0x0];
	_ =	sdelay $0x2  }
0xb9: {  	s31 =	sshll.u32 s1, $0xD;
	s1 =	sshrl.u32 s1, $0x2  }
0xba: {  	s3 =	sand.u32 $0x4000, s31;
	s1 =	sadd.s32 s1, s30  }
0xbb: {  	s0 =	sor.u32 s3, s0;
	s1 =	sshll.u32 s1, $0x11  }
0xbc: {  	s0 =	sor.u32 s1, s0  }
0xbd: {  	s0 =	sadd.s32 $0x8F2B, s0  }
0xbe: {  	[sflag:s0] =	ssyncadd.remote.s32 $0x1  }
0xbf: {  	_ =	sfence.sel $0xFFFF  }
0xc0: {  	[dreg:$0x0] =	wrdreg $0xFFFFFFFF;
	(pc) =	sbr.abs _section_cstart, $3  }
0xc1: {  	[dreg:$0x1] =	wrdreg $0xFFFFFFFF  }
0xc2: {  	_ =	task.clear_ibuf [dreg:s7], $0x2FFFF;
	_ =	strace $0x9FFFFFFF  }
0xc3: {  	(tm) =	ssettm $0x7FFFFFFF  }
tec
execute0_lowered:
.L_overlay_start_1:
0x0: {  	(tag) =	ssettag $0x1  }
0x1: {  	s6 =	rddreg [dreg:$0x0]  }
0x2: {  	s2 =	rddreg [dreg:$0x1]  }
0x3: {  	s3 =	rddreg [dreg:$0x2]  }
0x4: {  	s0 =	rddreg [dreg:$0x3];
	s4 =	simm.s32 $0x0;
	s1 =	stileid.u32  }
0x5: {  	s8 =	srdreg.scid;
	s11 =	simm.s32 $0x1;
	s12 =	simm.s32 $0x2760  }
0x6: {  	s13 =	simm.s32 $0x50;
	s16 =	simm.s32 $0x0;
	s5 =	smul.u32 $0x4E2, s1  }
0x7: {  	[smem:$0x7FF] =	sst s4;
	s7 =	smul.u32 $0x2800, s1;
	s14 =	sand.u32 $0x1, s8  }
0x8: {  	s31 =	sshll.u32 s1, $0x6;
	_ =	strace $0x80000047;
	s10 =	ssub.s32 $0x2, s14  }
0x9: {  	p0 =	sne.s32 s14, $0x0;
	s14 =	simm.s32 $0x2710;
	s29 =	sadd.s32 s5, s6  }
0xa: {  	s9 =	sshrl.u32 s7, $0x3;
	s5 =	sadd.s32 $0xD000, s6;
	s30 =	sshrl.u32 s10, $0x1  }
0xb: {  	s15 =	sadd.s32 s7, s3;
	s9 =	sadd.s32 s9, s6;
	s10 =	ssub.s32 s10, s30  }
0xc: {  	s6 =	sor.u32 $0x1C01, s31;
	s7 =	sadd.s32 $0x8000, s29;
	s8 =	sadd.s32 $0xD600, s9  }
0xd: {  	s9 =	smax.u32 s10, $0x1;
	s10 =	sshrl.u32 s15, $0x3;
	s15 =	sshrl.u32 @!p0 s15, $0x3  }
.LBB2_1:
0xe: {  	[spmem:s10], [sflag:s6] =	dma.local [hbm:s5], $0x500  }
0xf: {  	_ =	swait.ge [sflag:s11], $0x500  }
0x10: {  	[sflag:s11] =	ssyncset.done $0x0  }
0x11: {  	[sflag:s11] =	ssyncadd.s32 $0xFFFFFB00  }
0x12: {  	[tilespmem:s4], [sflag:$0x1] =	stream.linear.gather [hbm4b:s7+s4], $0x2710, $0x38;
	[tilespmem:$0x5460] =	vst v63  }
0x13: {  	_ =	swait.ge [sflag:s11], $0x2710  }
0x14: {  	[sflag:s11] =	ssyncset.done $0x0  }
0x15: {  	[sflag:s11] =	ssyncadd.s32 $0xFFFFD8F0  }
0x16: {  	[tilespmem:s12], [sflag:$0x1] =	stream.linear.gather [hbm4b:s2+s4], $0x500, $0x38;
	[tilespmem:$0x5460] =	vst v63  }
0x17: {  	_ =	swait.ge [sflag:s11], $0x500  }
0x18: {  	[sflag:s11] =	ssyncset.done $0x0  }
0x19: {  	[sflag:s11] =	ssyncadd.s32 $0xFFFFFB00  }
0x1a: {  	s17 =	simm.s32 $0x0;
	[bflag:$0x0] =	sbarrier.arrive $0xFFFF  }
0x1b: {  	v0 =	vld [tilespmem:s17+$0x0];
	_ =	sdelay $0x4  }
0x1c: {  	[tilespmem:$0x2710] =	vst v0  }
0x1d: {  	v0 =	vld [tilespmem:s17+$0x10];
	_ =	sdelay $0x4  }
0x1e: {  	[tilespmem:$0x2720] =	vst v0  }
0x1f: {  	v0 =	vld [tilespmem:s17+$0x20];
	_ =	sdelay $0x4  }
0x20: {  	[tilespmem:$0x2730] =	vst v0  }
0x21: {  	v0 =	vld [tilespmem:s17+$0x30];
	_ =	sdelay $0x4  }
0x22: {  	[tilespmem:$0x2740] =	vst v0  }
0x23: {  	v0 =	vld [tilespmem:s17+$0x40];
	_ =	sdelay $0x4  }
0x24: {  	[tilespmem:$0x2750] =	vst v0  }
0x25: {  	[spmem:s3] =	stream.indirect.scatter.add.f32 [tilespmem:s12], [sflag:$0x1], $0x10, s14, s13, $0xb8;
	[tilespmem:$0x5460] =	vst v63  }
0x26: {  	_ =	swait.ge [sflag:s11], $0x500  }
0x27: {  	s18 =	simm.s32 $0x280;
	s17 =	simm.s32 $0x140;
	[sflag:s11] =	ssyncset.done $0x0  }
.LBB2_2:
0x28: {  	s19 =	sshra.s32 s17, $0x2  }
0x29: {  	[sflag:s11] =	ssyncadd.s32 $0xFFFFFB00;
	s17 =	smov.u32 s18;
	s20 =	sadd.s32 $0x140, s18  }
0x2a: {  	p1 =	sne.s32 s18, $0x9B00;
	v0 =	vld [tilespmem:s19+$0x0];
	_ =	sdelay $0x4  }
0x2b: {  	[tilespmem:$0x2710] =	vst v0  }
0x2c: {  	v0 =	vld [tilespmem:s19+$0x10];
	_ =	sdelay $0x4  }
0x2d: {  	[tilespmem:$0x2720] =	vst v0  }
0x2e: {  	v0 =	vld [tilespmem:s19+$0x20];
	_ =	sdelay $0x4  }
0x2f: {  	[tilespmem:$0x2730] =	vst v0  }
0x30: {  	v0 =	vld [tilespmem:s19+$0x30];
	_ =	sdelay $0x4  }
0x31: {  	[tilespmem:$0x2740] =	vst v0  }
0x32: {  	v0 =	vld [tilespmem:s19+$0x40];
	_ =	sdelay $0x3  }
.Ltmp0:
0x33: {  	(pc) =	sbr.rel @p1 .LBB2_2-.Ltmp0, $4  }
0x34: {  	[tilespmem:$0x2750] =	vst v0  }
0x35: {  	[spmem:s3] =	stream.indirect.scatter.add.f32 [tilespmem:s12], [sflag:$0x1], $0x10, s14, s13, $0xb8;
	[tilespmem:$0x5460] =	vst v63  }
0x36: {  	_ =	swait.ge [sflag:s11], $0x500  }
0x37: {  	s18 =	smov.u32 s20;
	[sflag:s11] =	ssyncset.done $0x0  }
0x38: {  	s17 =	sshra.s32 s17, $0x2;
	[sflag:s11] =	ssyncadd.s32 $0xFFFFFB00  }
0x39: {  	v0 =	vld [tilespmem:s17+$0x0];
	_ =	sdelay $0x4  }
0x3a: {  	[tilespmem:$0x2710] =	vst v0  }
0x3b: {  	v0 =	vld [tilespmem:s17+$0x10];
	_ =	sdelay $0x4  }
0x3c: {  	[tilespmem:$0x2720] =	vst v0  }
0x3d: {  	v0 =	vld [tilespmem:s17+$0x20];
	_ =	sdelay $0x4  }
0x3e: {  	[tilespmem:$0x2730] =	vst v0  }
0x3f: {  	v0 =	vld [tilespmem:s17+$0x30];
	_ =	sdelay $0x4  }
0x40: {  	[tilespmem:$0x2740] =	vst v0  }
0x41: {  	v0 =	vld [tilespmem:s17+$0x40];
	_ =	sdelay $0x4  }
0x42: {  	[tilespmem:$0x2750] =	vst v0  }
0x43: {  	[spmem:s3] =	stream.indirect.scatter.add.f32 [tilespmem:s12], [sflag:$0x1], $0x10, s14, s13, $0xb8;
	[tilespmem:$0x5460] =	vst v63  }
0x44: {  	_ =	swait.ge [sflag:s11], $0x500  }
0x45: {  	s16 =	sadd.s32 $0x1, s16;
	[sflag:s11] =	ssyncset.done $0x0  }
0x46: {  	p1 =	sne.s32 s16, s9;
	[sflag:s11] =	ssyncadd.s32 $0xFFFFFB00  }
.Ltmp1:
0x47: {  	s17 =	simm.s32 @!p0 $0x1;
	[bflag:$0x0] =	sbarrier.arrive $0xFFFF;
	(pc) =	sbr.rel @p1 .LBB2_1-.Ltmp1, $4  }
0x48: {  	[hbm:s8], [sflag:s6] =	dma.local @!p0 [spmem:s15], $0x500  }
0x49: {  	_ =	swait.ge @!p0 [sflag:s17], $0x500  }
0x4a: {  	[sflag:s17] =	ssyncset.done @!p0 $0x0  }
0x4b: {  	[sflag:s17] =	ssyncadd.s32 @!p0 $0xFFFFFB00  }
0x4c: {  	_ =	sfence.sel $0x180000  }
0x4d: {  	[bflag:$0x0] =	sbarrier.arrive $0xFFFF  }
0x4e: {  	p0 =	sne.s32 s1, $0x0;
	_ =	strace $0x90000047  }
0x4f: {  	s0 =	sadd.s32 @!p0 $0x100000, s0;
	[bflag:$0x2] =	sbarrier.arrive $0xFFFF  }
0x50: {  	[sflag:s0] =	ssyncadd.tile.s32 @!p0 $0x1;
	_ =	shalt  }
.Lfunc_end2:
_tile_overlayer_lowered:
.L_overlay_start_2:
0x51: {  	(tag) =	ssettag $0x2  }
0x52: {  	s0 =	rddreg [dreg:$0x0];
	s2 =	stileid.u32  }
0x53: {  	s1 =	rddreg [dreg:$0x1];
	p0 =	sne.s32 s2, $0x0  }
0x54: {  	s3 =	rddreg [dreg:$0x2];
	[bflag:$0x3] =	sbarrier.arrive $0xFFFF;
	s2 =	simm.s32 @!p0 $0x1C01  }
0x55: {  	[timem:s3], [sflag:s2] =	dma.local @!p0 [hbm:s0], s1  }
0x56: {  	s0 =	simm.s32 @!p0 $0x1  }
0x57: {  	_ =	swait.ge @!p0 [sflag:s0], s1  }
0x58: {  	s1 =	ssub.s32 @!p0 $0x0, s1;
	[sflag:s0] =	ssyncset.done @!p0 $0x0  }
0x59: {  	[sflag:s0] =	ssyncadd.s32 @!p0 s1  }
0x5a: {  	[bflag:$0x3] =	sbarrier.arrive $0xFFFF  }
0x5b: {  	_ =	shalt  }

// kernel: kernel.15.cloned.1.call-start
scs
__scs_entry_jumppad:
0x0: {  	(pc) =	sbr.rel $0x88, $3  }
0x1: {  	(tag) =	ssettag $0x0;
	lr =	simm.s32 $0x1  }
0x2: {  	[smem:$0x3F98] =	sst lr;
	_ =	strace $0xD0000000  }
0x3: {  	_ = 	snop  }
0x4: {  	_ = 	snop  }
0x5: {  	_ = 	snop  }
0x6: {  	_ = 	snop  }
0x7: {  	_ = 	snop  }
__scs_overlays_trampoline_lowered:
0x8: {  	[smem:$0x3FA7] =	sst s0  }
0x9: {  	[smem:$0x3FA8] =	sst s1  }
0xa: {  	[smem:$0x3FA9] =	sst s2  }
0xb: {  	[smem:$0x3FAA] =	sst s3  }
0xc: {  	[smem:$0x3FAB] =	sst s4  }
0xd: {  	[smem:$0x3FAC] =	sst s5  }
0xe: {  	[smem:$0x3FAD] =	sst s6  }
0xf: {  	[smem:$0x3FAE] =	sst s7  }
0x10: {  	[smem:$0x3FAF] =	sst s8  }
0x11: {  	[smem:$0x3FB0] =	sst s9;
	s0 =	simm.s32 @!p0 $0x0  }
0x12: {  	s1 =	sld [smem:$0x3F96];
	s0 =	simm.s32 @p0 $0x1  }
0x13: {  	[smem:$0x3FB1] =	sst s0;
	s0 =	simm.s32 @!p1 $0x0  }
0x14: {  	s2 =	sld [smem:$0x3F95];
	s0 =	simm.s32 @p1 $0x1  }
0x15: {  	[smem:$0x3FB2] =	sst s0;
	s0 =	simm.s32 @!p2 $0x0  }
0x16: {  	s3 =	sld [smem:$0x3FDB];
	s0 =	simm.s32 @p2 $0x1  }
0x17: {  	s4 =	simm.s32 $0x1BF5;
	[smem:$0x3FB4] =	sst s0  }
0x18: {  	s0 =	sld [smem:$0x3F97];
	_ =	swait.ge [sflag:s4], $0x0  }
0x19: {  	s7 =	sld [smem:$0x3F98]  }
0x1a: {  	s8 =	sadd.s32 $0xFFFFE003, lr  }
0x1b: {  	s9 =	sadd.s32 $0xFFFFFEF7, lr;
	s5 =	simm.s32 $0xFFFFFFFF;
	p2 =	slt.u32 s8, $0xFFFFF086  }
0x1c: {  	p1 =	slt.u32 s9, $0xF7A;
	s5 =	simm.s32 @!p2 $0x0  }
0x1d: {  	s5 =	simm.s32 @p1 $0x1;
	p0 =	seq.s32 s7, s2  }
0x1e: {  	s7 =	smul.u32 @!p0 $0xF7A, s2;
	p2 =	seq.s32 @!p0 s5, $0x0  }
0x1f: {  	s9 =	smul.u32 $0xF7A, s1;
	s8 =	simm.s32 @!p0 $0x1BF5;
	p2 =	por !p2, p0  }
0x20: {  	[sflag:s8] =	ssyncset.s32 @!p0 $0xFFFFF086;
	s6 =	sadd.s32 @!p0 s3, s7;
	s7 =	simm.s32 @!p0 $0x108  }
0x21: {  	s3 =	sadd.s32 s3, s9;
	s6 =	sadd.s32 @!p0 $0x88, s6;
	s7 =	simm.s32 @p2 $0x1082  }
0x22: {  	[simem:s7], [sflag:s8] =	dma.local @!p0 [hbm:s6], $0xF7A  }
0x23: {  	s9 =	sor.u32 $0xD0000000, s2;
	s6 =	simm.s32 $0x108;
	_ =	swait.ge @!p0 [sflag:s8], $0x0  }
0x24: {  	s3 =	sadd.s32 $0x88, s3;
	s6 =	simm.s32 @!p1 $0x1082;
	[sflag:s4] =	ssyncset.s32 $0xFFFFF086  }
0x25: {  	[simem:s6], [sflag:s4] =	dma.local [hbm:s3], $0xF7A  }
0x26: {  	[smem:$0x3F98] =	sst s1;
	(tag) =	ssettag s2;
	_ =	strace s9  }
0x27: {  	s1 =	sld [smem:$0x3FA8]  }
0x28: {  	s2 =	sld [smem:$0x3FA9]  }
0x29: {  	s4 =	sld [smem:$0x3FAB]  }
0x2a: {  	p0 =	seq.s32 s5, $0x0;
	s5 =	sld [smem:$0x3FAC]  }
0x2b: {  	s6 =	sld [smem:$0x3FAD]  }
0x2c: {  	s7 =	sld [smem:$0x3FAE]  }
0x2d: {  	s3 =	simm.s32 $0x108;
	s8 =	sld [smem:$0x3FAF]  }
0x2e: {  	s3 =	simm.s32 @!p0 $0x1082;
	s9 =	sld [smem:$0x3FB0]  }
0x2f: {  	lr =	sadd.s32 s0, s3;
	s0 =	sld [smem:$0x3FA7]  }
0x30: {  	s3 =	sld [smem:$0x3FAA]  }
0x31: {  	[smem:$0x3FB3] =	sst s10  }
0x32: {  	s10 =	sld [smem:$0x3FB1];
	_ =	sdelay $0x3  }
0x33: {  	p0 =	seq.s32 s10, $0x1;
	s10 =	sld [smem:$0x3FB3];
	_ =	sdelay $0x3  }
0x34: {  	[smem:$0x3FB3] =	sst s10  }
0x35: {  	s10 =	sld [smem:$0x3FB2];
	_ =	sdelay $0x3  }
0x36: {  	p1 =	seq.s32 s10, $0x1;
	s10 =	sld [smem:$0x3FB3];
	_ =	sdelay $0x3  }
0x37: {  	[smem:$0x3FB3] =	sst s10  }
0x38: {  	s10 =	sld [smem:$0x3FB4]  }
0x39: {  	_ = 	snop;
	(pc) =	sbr.ind lr, $3  }
0x3a: {  	_ = 	snop  }
0x3b: {  	_ = 	snop  }
0x3c: {  	p2 =	seq.s32 s10, $0x1;
	s10 =	sld [smem:$0x3FB3]  }
0x3d: {  	_ =	shalt  }
0x3e: {  	_ =	shalt  }
0x3f: {  	_ =	shalt  }
0x40: {  	_ =	shalt  }
0x41: {  	_ =	shalt  }
0x42: {  	_ =	shalt  }
0x43: {  	_ =	shalt  }
0x44: {  	_ =	shalt  }
0x45: {  	_ =	shalt  }
0x46: {  	_ =	shalt  }
0x47: {  	_ =	shalt  }
0x48: {  	_ =	shalt  }
0x49: {  	_ =	shalt  }
0x4a: {  	_ =	shalt  }
0x4b: {  	_ =	shalt  }
0x4c: {  	_ =	shalt  }
0x4d: {  	_ =	shalt  }
0x4e: {  	_ =	shalt  }
0x4f: {  	_ =	shalt  }
0x50: {  	_ =	shalt  }
0x51: {  	_ =	shalt  }
0x52: {  	_ =	shalt  }
0x53: {  	_ =	shalt  }
0x54: {  	_ =	shalt  }
0x55: {  	_ =	shalt  }
0x56: {  	_ =	shalt  }
0x57: {  	_ =	shalt  }
0x58: {  	_ =	shalt  }
0x59: {  	_ =	shalt  }
0x5a: {  	_ =	shalt  }
0x5b: {  	_ =	shalt  }
0x5c: {  	_ =	shalt  }
0x5d: {  	_ =	shalt  }
0x5e: {  	_ =	shalt  }
0x5f: {  	_ =	shalt  }
0x60: {  	_ =	shalt  }
0x61: {  	_ =	shalt  }
0x62: {  	_ =	shalt  }
0x63: {  	_ =	shalt  }
0x64: {  	_ =	shalt  }
0x65: {  	_ =	shalt  }
0x66: {  	_ =	shalt  }
0x67: {  	_ =	shalt  }
0x68: {  	_ =	shalt  }
0x69: {  	_ =	shalt  }
0x6a: {  	_ =	shalt  }
0x6b: {  	_ =	shalt  }
0x6c: {  	_ =	shalt  }
0x6d: {  	_ =	shalt  }
0x6e: {  	_ =	shalt  }
0x6f: {  	_ =	shalt  }
0x70: {  	_ =	shalt  }
0x71: {  	_ =	shalt  }
0x72: {  	_ =	shalt  }
0x73: {  	_ =	shalt  }
0x74: {  	_ =	shalt  }
0x75: {  	_ =	shalt  }
0x76: {  	_ =	shalt  }
0x77: {  	_ =	shalt  }
0x78: {  	_ =	shalt  }
0x79: {  	_ =	shalt  }
0x7a: {  	_ =	shalt  }
0x7b: {  	_ =	shalt  }
0x7c: {  	_ =	shalt  }
0x7d: {  	_ =	shalt  }
0x7e: {  	_ =	shalt  }
0x7f: {  	_ =	shalt  }
0x80: {  	_ =	shalt  }
0x81: {  	_ =	shalt  }
0x82: {  	_ =	shalt  }
0x83: {  	_ =	shalt  }
0x84: {  	_ =	shalt  }
0x85: {  	_ =	shalt  }
0x86: {  	_ =	shalt  }
0x87: {  	_ =	shalt  }
.Lfunc_end0:
.L_simem_size_0:
called_computation.1_lowered:
.L_overlay_start_0:
0x88: {  	s2 =	sld [smem:$0x3FD9]  }
0x89: {  	s3 =	sld [smem:$0x3FFE];
	_ =	sdelay $0x1  }
0x8a: {  	s1 =	srdreg.scid  }
0x8b: {  	s0 =	sand.u32 $0x1, s1  }
0x8c: {  	s16 =	sshll.u32 s0, $0xA;
	s2 =	sadd.s32 s3, s2  }
0x8d: {  	s2 =	sadd.s32 s2, s16  }
0x8e: {  	[smem:$0x3FBF] =	sst s2  }
0x8f: {  	_ = 	snop  }
0x90: {  	(tm) =	ssettm $0x1  }
0x91: {  	s17 =	sld [smem:$0x3FFB];
	_ =	sdelay $0x3  }
0x92: {  	_ =	strace s17  }
0x93: {  	s2 =	sld [smem:$0x3FFC];
	_ =	sdelay $0x3  }
0x94: {  	_ =	strace s2  }
0x95: {  	s2 =	sld [smem:$0x3FFD];
	_ =	sdelay $0x3  }
0x96: {  	_ =	strace s2  }
0x97: {  	_ =	strace $0x8FFFFFFF  }
0x98: {  	s18 =	sld [smem:$0x3FDB];
	_ =	sdelay $0x1  }
0x99: {  	s19 =	simm.s32 $_scs_section_size  }
0x9a: {  	s4 =	simm.s32 $_size__tile_overlayer_lowered;
	s5 =	simm.s32 $_tile_overlayer_lowered  }
0x9b: {  	s22 =	simm.s32 $0x1BFF;
	s21 =	sshll.u32 s5, $0x1;
	s2 =	sadd.s32 s19, s18  }
0x9c: {  	s6 =	simm.s32 $0x0;
	s20 =	sshll.u32 s4, $0x1;
	s4 =	sadd.s32 s21, s2  }
0x9d: {  	[timem:s6], [sflag:s22] =	dma.local [hbm:s4], s20  }
0x9e: {  	_ =	swait.ge [sflag:s22], s20  }
0x9f: {  	s3 =	ssub.s32 $0x0, s20;
	[sflag:s22] =	ssyncset.done $0x0  }
0xa0: {  	[sflag:s22] =	ssyncadd.s32 s3;
	_ =	sdelay $0x1  }
0xa1: {  	s23 =	simm.s32 $0x1B8B  }
0xa2: {  	_ =	swait.ge [sflag:s23], $0x1  }
0xa3: {  	[sflag:s23] =	ssyncset.done $0x0  }
0xa4: {  	s25 =	simm.s32 $0x1B8E;
	s24 =	sld [smem:$0x3FFE];
	[sflag:s23] =	ssyncadd.s32 $0xFFFFFFFF  }
0xa5: {  	s26 =	simm.s32 $execute0_lowered;
	[smem:$0x3FD2] =	sst s25  }
0xa6: {  	s4 =	sshll.u32 s26, $0x1;
	_ =	strace $0x80000049;
	[dreg:$0x1] =	wrdreg $0xFFFFFFFF  }
0xa7: {  	s28 =	simm.s32 $_size_execute0_lowered;
	s2 =	sadd.s32 s2, s4;
	[dreg:$0x0] =	wrdreg $0x0  }
0xa8: {  	s4 =	sshll.u32 s28, $0x1;
	[dreg:$0x2] =	wrdreg s2  }
0xa9: {  	[dreg:$0x3] =	wrdreg s4  }
0xaa: {  	[dreg:$0x4] =	wrdreg $0xC0  }
0xab: {  	_ =	task [dreg:s6], $0x5FFFF  }
0xac: {  	[dreg:$0x1] =	wrdreg $0xFFFFFFFF  }
0xad: {  	[dreg:$0x0] =	wrdreg $0x60  }
0xae: {  	[dreg:$0x2] =	wrdreg s24  }
0xaf: {  	[dreg:$0x3] =	wrdreg $0x9EC00  }
0xb0: {  	[dreg:$0x4] =	wrdreg $0x9  }
0xb1: {  	_ =	task.clear_ibuf [dreg:s6], $0x5FFFF;
	_ =	strace $0x90000049  }
0xb2: {  	s29 =	simm.s32 $0x9;
	_ =	strace $0x8000004B  }
0xb3: {  	_ =	swait.ge [sflag:s29], $0x1  }
0xb4: {  	[sflag:s29] =	ssyncadd.s32 $0xFFFFFFFF  }
0xb5: {  	_ =	strace $0x9000004B  }
0xb6: {  	_ =	sfence  }
0xb7: {  	s30 =	sld [smem:$0x0];
	_ =	sdelay $0x2  }
0xb8: {  	s31 =	sshll.u32 s1, $0xD;
	s1 =	sshrl.u32 s1, $0x2  }
0xb9: {  	s3 =	sand.u32 $0x4000, s31;
	s1 =	sadd.s32 s1, s30  }
0xba: {  	s0 =	sor.u32 s3, s0;
	s1 =	sshll.u32 s1, $0x11  }
0xbb: {  	s0 =	sor.u32 s1, s0  }
0xbc: {  	s0 =	sadd.s32 $0x8F2B, s0  }
0xbd: {  	[sflag:s0] =	ssyncadd.remote.s32 $0x1  }
0xbe: {  	_ =	sfence.sel $0xFFFF  }
0xbf: {  	[dreg:$0x0] =	wrdreg $0xFFFFFFFF;
	(pc) =	sbr.abs _section_cstart, $3  }
0xc0: {  	[dreg:$0x1] =	wrdreg $0xFFFFFFFF  }
0xc1: {  	_ =	task.clear_ibuf [dreg:s6], $0x2FFFF;
	_ =	strace $0x9FFFFFFF  }
0xc2: {  	(tm) =	ssettm $0x7FFFFFFF  }
0xc3: {  	_ =	shalt  }
tec
execute0_lowered:
.L_overlay_start_1:
0x0: {  	(tag) =	ssettag $0x1  }
0x1: {  	s6 =	rddreg [dreg:$0x0]  }
0x2: {  	s2 =	rddreg [dreg:$0x1]  }
0x3: {  	s0 =	rddreg [dreg:$0x2]  }
0x4: {  	s1 =	stileid.u32;
	s4 =	srdreg.scid;
	s3 =	simm.s32 $0x0  }
0x5: {  	s13 =	simm.s32 $0x2710;
	s14 =	simm.s32 $0x50;
	s15 =	simm.s32 $0x4EC0  }
0x6: {  	s16 =	simm.s32 $0x76C0;
	s17 =	simm.s32 $0x1;
	s18 =	simm.s32 $0x4E20  }
0x7: {  	s20 =	simm.s32 $0x4E70;
	s21 =	simm.s32 $0x0;
	s5 =	smul.u32 $0x4E2, s1  }
0x8: {  	s19 =	sand.u32 $0x1, s4;
	s7 =	smul.u32 $0x14000, s1;
	[smem:$0x7FF] =	sst s3  }
0x9: {  	s4 =	sadd.s32 $0x60800, s6;
	s31 =	sshll.u32 s1, $0x6;
	s8 =	smul.u32 $0x140000, s19  }
0xa: {  	_ =	strace $0x8000004A;
	s10 =	ssub.s32 $0x2, s19;
	v0 =	vmov s19;
	s19 =	simm.s32 $0x2  }
0xb: {  	s9 =	sadd.s32 s5, s6;
	s5 =	sadd.s32 $0xD000, s6;
	s30 =	sshrl.u32 s10, $0x1  }
0xc: {  	s12 =	sadd.s32 s7, s2;
	s8 =	sadd.s32 s7, s8;
	s10 =	ssub.s32 s10, s30  }
0xd: {  	s7 =	sadd.s32 $0x3000, s9;
	s8 =	sshrl.u32 s8, $0x3;
	s10 =	smax.u32 s10, $0x1  }
0xe: {  	s11 =	sadd.s32 s8, s6;
	s6 =	sor.u32 $0x1C03, s31;
	s8 =	sadd.s32 $0x8000, s9  }
0xf: {  	s9 =	sadd.s32 $0xAEA00, s11;
	s11 =	sshrl.u32 s12, $0x3;
	s12 =	simm.s32 $0x3  }
.LBB2_1:
0x10: {  	[spmem:s11], [sflag:s6] =	dma.local [hbm:s5], $0x2800  }
0x11: {  	_ =	swait.ge [sflag:s12], $0x2800  }
0x12: {  	[sflag:s12] =	ssyncset.done $0x0  }
0x13: {  	[sflag:s12] =	ssyncadd.s32 $0xFFFFD800  }
0x14: {  	[tilespmem:s3], [sflag:$0x3] =	stream.linear.gather [hbm4b:s7+s3], $0x2710, $0x38;
	[tilespmem:$0x1DEC0] =	vst v63  }
0x15: {  	_ =	swait.ge [sflag:s12], $0x2710  }
0x16: {  	[sflag:s12] =	ssyncset.done $0x0  }
0x17: {  	[sflag:s12] =	ssyncadd.s32 $0xFFFFD8F0  }
0x18: {  	[tilespmem:s13], [sflag:$0x3] =	stream.linear.gather [hbm4b:s8+s3], $0x2710, $0x38;
	[tilespmem:$0x1DEC0] =	vst v63  }
0x19: {  	_ =	swait.ge [sflag:s12], $0x2710  }
0x1a: {  	[sflag:s12] =	ssyncset.done $0x0  }
0x1b: {  	s22 =	simm.s32 $0x0;
	s23 =	simm.s32 $0x40;
	[sflag:s12] =	ssyncadd.s32 $0xFFFFD8F0  }
.LBB2_2:
0x1c: {  	p0 =	sne.s32 s23, $0x9C00;
	v1 =	vld [tilespmem:s22+$0x0];
	_ =	sdelay $0x2  }
.Ltmp0:
0x1d: {  	(pc) =	sbr.rel @p0 .LBB2_2-.Ltmp0, $4  }
0x1e: {  	_ = 	snop  }
0x1f: {  	v1 =	vshll.u32 v1, $0x1  }
0x20: {  	v1 =	vor.u32 v0, v1  }
0x21: {  	[tilespmem:s22+$0x0] =	vst v1;
	s22 =	sshra.s32 s23, $0x2;
	s23 =	sadd.s32 $0x40, s23  }
0x22: {  	v1 =	vld [tilespmem:s22+$0x0];
	_ =	sdelay $0x4  }
0x23: {  	v1 =	vshll.u32 v1, $0x1  }
0x24: {  	v1 =	vor.u32 v0, v1  }
0x25: {  	[tilespmem:s22+$0x0] =	vst v1  }
0x26: {  	s29 =	simm.s32 $0x0;
	[bflag:$0x0] =	sbarrier.arrive $0xFFFF  }
0x27: {  	[tilespmem:s15], [sflag:$0x1] =	stream.indirect.gather [hbm4b:s4+s14], $0x80, s29, s14, $0xb8;
	[tilespmem:$0x1DEC0] =	vst v63  }
0x28: {  	s30 =	simm.s32 $0x50  }
0x29: {  	[tilespmem:s16], [sflag:$0x2] =	stream.indirect.gather [hbm4b:s4+s14], $0x80, s30, s14, $0xb8;
	[tilespmem:$0x1DEC0] =	vst v63  }
0x2a: {  	_ =	swait.ge [sflag:s17], $0x2800  }
0x2b: {  	[sflag:s17] =	ssyncset.done $0x0  }
0x2c: {  	s31 =	simm.s32 $0x0;
	[sflag:s17] =	ssyncadd.s32 $0xFFFFD800  }
0x2d: {  	v1 =	vld [tilespmem:s31+$0x2710];
	_ =	sdelay $0x4  }
0x2e: {  	[tilespmem:$0x4E20] =	vst v1  }
0x2f: {  	v1 =	vld [tilespmem:s31+$0x2720];
	_ =	sdelay $0x4  }
0x30: {  	[tilespmem:$0x4E30] =	vst v1  }
0x31: {  	v1 =	vld [tilespmem:s31+$0x2730];
	_ =	sdelay $0x4  }
0x32: {  	[tilespmem:$0x4E40] =	vst v1  }
0x33: {  	v1 =	vld [tilespmem:s31+$0x2740];
	_ =	sdelay $0x4  }
0x34: {  	[tilespmem:$0x4E50] =	vst v1  }
0x35: {  	v1 =	vld [tilespmem:s31+$0x2750];
	_ =	sdelay $0x4  }
0x36: {  	[tilespmem:$0x4E60] =	vst v1  }
0x37: {  	[spmem:s2] =	stream.indirect.scatter.add.f32 [tilespmem:s15], [sflag:$0x3], $0x80, s18, s14, $0xb8;
	[tilespmem:$0x1DEC0] =	vst v63  }
0x38: {  	_ =	swait.ge [sflag:s12], $0x2800  }
0x39: {  	[sflag:s12] =	ssyncset.done $0x0  }
0x3a: {  	s23 =	simm.s32 $0xA0;
	[sflag:s12] =	ssyncadd.s32 $0xFFFFD800  }
0x3b: {  	[tilespmem:s15], [sflag:$0x1] =	stream.indirect.gather [hbm4b:s4+s14], $0x80, s23, s14, $0xb8;
	[tilespmem:$0x1DEC0] =	vst v63  }
0x3c: {  	_ =	swait.ge [sflag:s19], $0x2800  }
0x3d: {  	[sflag:s19] =	ssyncset.done $0x0  }
0x3e: {  	[sflag:s19] =	ssyncadd.s32 $0xFFFFD800  }
0x3f: {  	v1 =	vld [tilespmem:s31+$0x2760];
	_ =	sdelay $0x4  }
0x40: {  	[tilespmem:$0x4E70] =	vst v1  }
0x41: {  	v1 =	vld [tilespmem:s31+$0x2770];
	_ =	sdelay $0x4  }
0x42: {  	[tilespmem:$0x4E80] =	vst v1  }
0x43: {  	v1 =	vld [tilespmem:s31+$0x2780];
	_ =	sdelay $0x4  }
0x44: {  	[tilespmem:$0x4E90] =	vst v1  }
0x45: {  	v1 =	vld [tilespmem:s31+$0x2790];
	_ =	sdelay $0x4  }
0x46: {  	[tilespmem:$0x4EA0] =	vst v1  }
0x47: {  	v1 =	vld [tilespmem:s31+$0x27A0];
	_ =	sdelay $0x4  }
0x48: {  	[tilespmem:$0x4EB0] =	vst v1  }
0x49: {  	[spmem:s2] =	stream.indirect.scatter.add.f32 [tilespmem:s16], [sflag:$0x3], $0x80, s20, s14, $0xb8;
	[tilespmem:$0x1DEC0] =	vst v63  }
0x4a: {  	_ =	swait.ge [sflag:s12], $0x2800  }
0x4b: {  	s25 =	simm.s32 $0x500;
	s22 =	simm.s32 $0xA0;
	[sflag:s12] =	ssyncset.done $0x0  }
.LBB2_4:
0x4c: {  	s26 =	sadd.s32 $0x50, s22  }
0x4d: {  	[sflag:s12] =	ssyncadd.s32 $0xFFFFD800;
	s24 =	smov.u32 s25;
	s23 =	sadd.s32 $0x280, s25  }
0x4e: {  	[tilespmem:s16], [sflag:$0x2] =	stream.indirect.gather [hbm4b:s4+s14], $0x80, s26, s14, $0xb8;
	[tilespmem:$0x1DEC0] =	vst v63  }
0x4f: {  	p0 =	sne.s32 s25, $0x9880;
	_ =	swait.ge [sflag:s17], $0x2800  }
0x50: {  	[sflag:s17] =	ssyncset.done $0x0  }
0x51: {  	[sflag:s17] =	ssyncadd.s32 $0xFFFFD800  }
0x52: {  	v1 =	vld [tilespmem:s22+$0x2710];
	_ =	sdelay $0x4  }
0x53: {  	[tilespmem:$0x4E20] =	vst v1  }
0x54: {  	v1 =	vld [tilespmem:s22+$0x2720];
	_ =	sdelay $0x4  }
0x55: {  	[tilespmem:$0x4E30] =	vst v1  }
0x56: {  	v1 =	vld [tilespmem:s22+$0x2730];
	_ =	sdelay $0x4  }
0x57: {  	[tilespmem:$0x4E40] =	vst v1  }
0x58: {  	v1 =	vld [tilespmem:s22+$0x2740];
	_ =	sdelay $0x4  }
0x59: {  	[tilespmem:$0x4E50] =	vst v1  }
0x5a: {  	v1 =	vld [tilespmem:s22+$0x2750];
	_ =	sdelay $0x4  }
0x5b: {  	[tilespmem:$0x4E60] =	vst v1  }
0x5c: {  	[spmem:s2] =	stream.indirect.scatter.add.f32 [tilespmem:s15], [sflag:$0x3], $0x80, s18, s14, $0xb8;
	[tilespmem:$0x1DEC0] =	vst v63  }
0x5d: {  	_ =	swait.ge [sflag:s12], $0x2800  }
0x5e: {  	[sflag:s12] =	ssyncset.done $0x0  }
0x5f: {  	s25 =	sadd.s32 $0xA0, s22;
	[sflag:s12] =	ssyncadd.s32 $0xFFFFD800  }
0x60: {  	[tilespmem:s15], [sflag:$0x1] =	stream.indirect.gather [hbm4b:s4+s14], $0x80, s25, s14, $0xb8;
	[tilespmem:$0x1DEC0] =	vst v63  }
0x61: {  	_ =	swait.ge [sflag:s19], $0x2800  }
0x62: {  	[sflag:s19] =	ssyncset.done $0x0  }
0x63: {  	[sflag:s19] =	ssyncadd.s32 $0xFFFFD800  }
0x64: {  	v1 =	vld [tilespmem:s22+$0x2760];
	_ =	sdelay $0x4  }
0x65: {  	[tilespmem:$0x4E70] =	vst v1  }
0x66: {  	v1 =	vld [tilespmem:s22+$0x2770];
	_ =	sdelay $0x4  }
0x67: {  	[tilespmem:$0x4E80] =	vst v1  }
0x68: {  	v1 =	vld [tilespmem:s22+$0x2780];
	_ =	sdelay $0x4  }
0x69: {  	[tilespmem:$0x4E90] =	vst v1  }
0x6a: {  	v1 =	vld [tilespmem:s22+$0x2790];
	_ =	sdelay $0x4  }
0x6b: {  	[tilespmem:$0x4EA0] =	vst v1  }
0x6c: {  	v1 =	vld [tilespmem:s22+$0x27A0];
	_ =	sdelay $0x3  }
.Ltmp1:
0x6d: {  	(pc) =	sbr.rel @p0 .LBB2_4-.Ltmp1, $4  }
0x6e: {  	[tilespmem:$0x4EB0] =	vst v1  }
0x6f: {  	[spmem:s2] =	stream.indirect.scatter.add.f32 [tilespmem:s16], [sflag:$0x3], $0x80, s20, s14, $0xb8;
	[tilespmem:$0x1DEC0] =	vst v63  }
0x70: {  	_ =	swait.ge [sflag:s12], $0x2800  }
0x71: {  	s25 =	smov.u32 s23;
	s22 =	sshra.s32 s24, $0x2;
	[sflag:s12] =	ssyncset.done $0x0  }
0x72: {  	s23 =	sadd.s32 $0x50, s22;
	[sflag:s12] =	ssyncadd.s32 $0xFFFFD800  }
0x73: {  	[tilespmem:s16], [sflag:$0x2] =	stream.indirect.gather [hbm4b:s4+s14], $0x80, s23, s14, $0xb8;
	[tilespmem:$0x1DEC0] =	vst v63  }
0x74: {  	_ =	swait.ge [sflag:s17], $0x2800  }
0x75: {  	[sflag:s17] =	ssyncset.done $0x0  }
0x76: {  	[sflag:s17] =	ssyncadd.s32 $0xFFFFD800  }
0x77: {  	v1 =	vld [tilespmem:s22+$0x2710];
	_ =	sdelay $0x4  }
0x78: {  	[tilespmem:$0x4E20] =	vst v1  }
0x79: {  	v1 =	vld [tilespmem:s22+$0x2720];
	_ =	sdelay $0x4  }
0x7a: {  	[tilespmem:$0x4E30] =	vst v1  }
0x7b: {  	v1 =	vld [tilespmem:s22+$0x2730];
	_ =	sdelay $0x4  }
0x7c: {  	[tilespmem:$0x4E40] =	vst v1  }
0x7d: {  	v1 =	vld [tilespmem:s22+$0x2740];
	_ =	sdelay $0x4  }
0x7e: {  	[tilespmem:$0x4E50] =	vst v1  }
0x7f: {  	v1 =	vld [tilespmem:s22+$0x2750];
	_ =	sdelay $0x4  }
0x80: {  	[tilespmem:$0x4E60] =	vst v1  }
0x81: {  	[spmem:s2] =	stream.indirect.scatter.add.f32 [tilespmem:s15], [sflag:$0x3], $0x80, s18, s14, $0xb8;
	[tilespmem:$0x1DEC0] =	vst v63  }
0x82: {  	_ =	swait.ge [sflag:s12], $0x2800  }
0x83: {  	[sflag:s12] =	ssyncset.done $0x0  }
0x84: {  	s31 =	sadd.s32 $0xA0, s22;
	[sflag:s12] =	ssyncadd.s32 $0xFFFFD800  }
0x85: {  	[tilespmem:s15], [sflag:$0x1] =	stream.indirect.gather [hbm4b:s4+s14], $0x80, s31, s14, $0xb8;
	[tilespmem:$0x1DEC0] =	vst v63  }
0x86: {  	_ =	swait.ge [sflag:s19], $0x2800  }
0x87: {  	[sflag:s19] =	ssyncset.done $0x0  }
0x88: {  	[sflag:s19] =	ssyncadd.s32 $0xFFFFD800  }
0x89: {  	v1 =	vld [tilespmem:s22+$0x2760];
	_ =	sdelay $0x4  }
0x8a: {  	[tilespmem:$0x4E70] =	vst v1  }
0x8b: {  	v1 =	vld [tilespmem:s22+$0x2770];
	_ =	sdelay $0x4  }
0x8c: {  	[tilespmem:$0x4E80] =	vst v1  }
0x8d: {  	v1 =	vld [tilespmem:s22+$0x2780];
	_ =	sdelay $0x4  }
0x8e: {  	[tilespmem:$0x4E90] =	vst v1  }
0x8f: {  	v1 =	vld [tilespmem:s22+$0x2790];
	_ =	sdelay $0x4  }
0x90: {  	[tilespmem:$0x4EA0] =	vst v1  }
0x91: {  	v1 =	vld [tilespmem:s22+$0x27A0];
	_ =	sdelay $0x4  }
0x92: {  	[tilespmem:$0x4EB0] =	vst v1  }
0x93: {  	[spmem:s2] =	stream.indirect.scatter.add.f32 [tilespmem:s16], [sflag:$0x3], $0x80, s20, s14, $0xb8;
	[tilespmem:$0x1DEC0] =	vst v63  }
0x94: {  	_ =	swait.ge [sflag:s12], $0x2800  }
0x95: {  	[sflag:s12] =	ssyncset.done $0x0  }
0x96: {  	[sflag:s12] =	ssyncadd.s32 $0xFFFFD800  }
0x97: {  	_ =	swait.ge [sflag:s17], $0x2800  }
0x98: {  	[sflag:s17] =	ssyncset.done $0x0  }
0x99: {  	[sflag:s17] =	ssyncadd.s32 $0xFFFFD800  }
0x9a: {  	v1 =	vld [tilespmem:$0x4DD0]  }
0x9b: {  	v2 =	vld [tilespmem:$0x4DE0]  }
0x9c: {  	v3 =	vld [tilespmem:$0x4DF0]  }
0x9d: {  	v4 =	vld [tilespmem:$0x4E00]  }
0x9e: {  	v5 =	vld [tilespmem:$0x4E10]  }
0x9f: {  	[tilespmem:$0x4E20] =	vst v1  }
0xa0: {  	[tilespmem:$0x4E30] =	vst v2  }
0xa1: {  	[tilespmem:$0x4E40] =	vst v3  }
0xa2: {  	[tilespmem:$0x4E50] =	vst v4  }
0xa3: {  	[tilespmem:$0x4E60] =	vst v5  }
0xa4: {  	[spmem:s2] =	stream.indirect.scatter.add.f32 [tilespmem:s15], [sflag:$0x3], $0x80, s18, s14, $0xb8;
	[tilespmem:$0x1DEC0] =	vst v63  }
0xa5: {  	_ =	swait.ge [sflag:s12], $0x2800  }
0xa6: {  	s21 =	sadd.s32 $0x1, s21;
	[sflag:s12] =	ssyncset.done $0x0  }
0xa7: {  	p0 =	sne.s32 s21, s10;
	[sflag:s12] =	ssyncadd.s32 $0xFFFFD800  }
.Ltmp2:
0xa8: {  	[bflag:$0x0] =	sbarrier.arrive $0xFFFF;
	(pc) =	sbr.rel @p0 .LBB2_1-.Ltmp2, $4  }
0xa9: {  	[hbm:s9], [sflag:s6] =	dma.local [spmem:s11], $0x2800  }
0xaa: {  	_ =	swait.ge [sflag:s12], $0x2800  }
0xab: {  	[sflag:s12] =	ssyncset.done $0x0  }
0xac: {  	[sflag:s12] =	ssyncadd.s32 $0xFFFFD800  }
0xad: {  	_ =	sfence.sel $0x180000  }
0xae: {  	[bflag:$0x0] =	sbarrier.arrive $0xFFFF  }
0xaf: {  	p0 =	sne.s32 s1, $0x0;
	_ =	strace $0x9000004A  }
0xb0: {  	s0 =	sadd.s32 @!p0 $0x100000, s0;
	[bflag:$0x2] =	sbarrier.arrive $0xFFFF  }
0xb1: {  	[sflag:s0] =	ssyncadd.tile.s32 @!p0 $0x1;
	_ =	shalt  }
.Lfunc_end2:
_tile_overlayer_lowered:
.L_overlay_start_2:
0xb2: {  	(tag) =	ssettag $0x2  }
0xb3: {  	s0 =	rddreg [dreg:$0x0];
	s2 =	stileid.u32  }
0xb4: {  	s1 =	rddreg [dreg:$0x1];
	p0 =	sne.s32 s2, $0x0  }
0xb5: {  	s3 =	rddreg [dreg:$0x2];
	[bflag:$0x3] =	sbarrier.arrive $0xFFFF;
	s2 =	simm.s32 @!p0 $0x1C03  }
0xb6: {  	[timem:s3], [sflag:s2] =	dma.local @!p0 [hbm:s0], s1  }
0xb7: {  	s0 =	simm.s32 @!p0 $0x3  }
0xb8: {  	_ =	swait.ge @!p0 [sflag:s0], s1  }
0xb9: {  	s1 =	ssub.s32 @!p0 $0x0, s1;
	[sflag:s0] =	ssyncset.done @!p0 $0x0  }
0xba: {  	[sflag:s0] =	ssyncadd.s32 @!p0 s1  }
0xbb: {  	[bflag:$0x3] =	sbarrier.arrive $0xFFFF  }
0xbc: {  	_ =	shalt  }

// kernel: kernel.18.cloned.1.call-start
scs
__scs_entry_jumppad:
0x0: {  	(pc) =	sbr.rel $0x88, $3  }
0x1: {  	(tag) =	ssettag $0x0;
	lr =	simm.s32 $0x1  }
0x2: {  	[smem:$0x3F98] =	sst lr;
	_ =	strace $0xD0000000  }
0x3: {  	_ = 	snop  }
0x4: {  	_ = 	snop  }
0x5: {  	_ = 	snop  }
0x6: {  	_ = 	snop  }
0x7: {  	_ = 	snop  }
__scs_overlays_trampoline_lowered:
0x8: {  	[smem:$0x3FA7] =	sst s0  }
0x9: {  	[smem:$0x3FA8] =	sst s1  }
0xa: {  	[smem:$0x3FA9] =	sst s2  }
0xb: {  	[smem:$0x3FAA] =	sst s3  }
0xc: {  	[smem:$0x3FAB] =	sst s4  }
0xd: {  	[smem:$0x3FAC] =	sst s5  }
0xe: {  	[smem:$0x3FAD] =	sst s6  }
0xf: {  	[smem:$0x3FAE] =	sst s7  }
0x10: {  	[smem:$0x3FAF] =	sst s8  }
0x11: {  	[smem:$0x3FB0] =	sst s9;
	s0 =	simm.s32 @!p0 $0x0  }
0x12: {  	s1 =	sld [smem:$0x3F96];
	s0 =	simm.s32 @p0 $0x1  }
0x13: {  	[smem:$0x3FB1] =	sst s0;
	s0 =	simm.s32 @!p1 $0x0  }
0x14: {  	s2 =	sld [smem:$0x3F95];
	s0 =	simm.s32 @p1 $0x1  }
0x15: {  	[smem:$0x3FB2] =	sst s0;
	s0 =	simm.s32 @!p2 $0x0  }
0x16: {  	s3 =	sld [smem:$0x3FDB];
	s0 =	simm.s32 @p2 $0x1  }
0x17: {  	s4 =	simm.s32 $0x1BF5;
	[smem:$0x3FB4] =	sst s0  }
0x18: {  	s0 =	sld [smem:$0x3F97];
	_ =	swait.ge [sflag:s4], $0x0  }
0x19: {  	s7 =	sld [smem:$0x3F98]  }
0x1a: {  	s8 =	sadd.s32 $0xFFFFE003, lr  }
0x1b: {  	s9 =	sadd.s32 $0xFFFFFEF7, lr;
	s5 =	simm.s32 $0xFFFFFFFF;
	p2 =	slt.u32 s8, $0xFFFFF086  }
0x1c: {  	p1 =	slt.u32 s9, $0xF7A;
	s5 =	simm.s32 @!p2 $0x0  }
0x1d: {  	s5 =	simm.s32 @p1 $0x1;
	p0 =	seq.s32 s7, s2  }
0x1e: {  	s7 =	smul.u32 @!p0 $0xF7A, s2;
	p2 =	seq.s32 @!p0 s5, $0x0  }
0x1f: {  	s9 =	smul.u32 $0xF7A, s1;
	s8 =	simm.s32 @!p0 $0x1BF5;
	p2 =	por !p2, p0  }
0x20: {  	[sflag:s8] =	ssyncset.s32 @!p0 $0xFFFFF086;
	s6 =	sadd.s32 @!p0 s3, s7;
	s7 =	simm.s32 @!p0 $0x108  }
0x21: {  	s3 =	sadd.s32 s3, s9;
	s6 =	sadd.s32 @!p0 $0x88, s6;
	s7 =	simm.s32 @p2 $0x1082  }
0x22: {  	[simem:s7], [sflag:s8] =	dma.local @!p0 [hbm:s6], $0xF7A  }
0x23: {  	s9 =	sor.u32 $0xD0000000, s2;
	s6 =	simm.s32 $0x108;
	_ =	swait.ge @!p0 [sflag:s8], $0x0  }
0x24: {  	s3 =	sadd.s32 $0x88, s3;
	s6 =	simm.s32 @!p1 $0x1082;
	[sflag:s4] =	ssyncset.s32 $0xFFFFF086  }
0x25: {  	[simem:s6], [sflag:s4] =	dma.local [hbm:s3], $0xF7A  }
0x26: {  	[smem:$0x3F98] =	sst s1;
	(tag) =	ssettag s2;
	_ =	strace s9  }
0x27: {  	s1 =	sld [smem:$0x3FA8]  }
0x28: {  	s2 =	sld [smem:$0x3FA9]  }
0x29: {  	s4 =	sld [smem:$0x3FAB]  }
0x2a: {  	p0 =	seq.s32 s5, $0x0;
	s5 =	sld [smem:$0x3FAC]  }
0x2b: {  	s6 =	sld [smem:$0x3FAD]  }
0x2c: {  	s7 =	sld [smem:$0x3FAE]  }
0x2d: {  	s3 =	simm.s32 $0x108;
	s8 =	sld [smem:$0x3FAF]  }
0x2e: {  	s3 =	simm.s32 @!p0 $0x1082;
	s9 =	sld [smem:$0x3FB0]  }
0x2f: {  	lr =	sadd.s32 s0, s3;
	s0 =	sld [smem:$0x3FA7]  }
0x30: {  	s3 =	sld [smem:$0x3FAA]  }
0x31: {  	[smem:$0x3FB3] =	sst s10  }
0x32: {  	s10 =	sld [smem:$0x3FB1];
	_ =	sdelay $0x3  }
0x33: {  	p0 =	seq.s32 s10, $0x1;
	s10 =	sld [smem:$0x3FB3];
	_ =	sdelay $0x3  }
0x34: {  	[smem:$0x3FB3] =	sst s10  }
0x35: {  	s10 =	sld [smem:$0x3FB2];
	_ =	sdelay $0x3  }
0x36: {  	p1 =	seq.s32 s10, $0x1;
	s10 =	sld [smem:$0x3FB3];
	_ =	sdelay $0x3  }
0x37: {  	[smem:$0x3FB3] =	sst s10  }
0x38: {  	s10 =	sld [smem:$0x3FB4]  }
0x39: {  	_ = 	snop;
	(pc) =	sbr.ind lr, $3  }
0x3a: {  	_ = 	snop  }
0x3b: {  	_ = 	snop  }
0x3c: {  	p2 =	seq.s32 s10, $0x1;
	s10 =	sld [smem:$0x3FB3]  }
0x3d: {  	_ =	shalt  }
0x3e: {  	_ =	shalt  }
0x3f: {  	_ =	shalt  }
0x40: {  	_ =	shalt  }
0x41: {  	_ =	shalt  }
0x42: {  	_ =	shalt  }
0x43: {  	_ =	shalt  }
0x44: {  	_ =	shalt  }
0x45: {  	_ =	shalt  }
0x46: {  	_ =	shalt  }
0x47: {  	_ =	shalt  }
0x48: {  	_ =	shalt  }
0x49: {  	_ =	shalt  }
0x4a: {  	_ =	shalt  }
0x4b: {  	_ =	shalt  }
0x4c: {  	_ =	shalt  }
0x4d: {  	_ =	shalt  }
0x4e: {  	_ =	shalt  }
0x4f: {  	_ =	shalt  }
0x50: {  	_ =	shalt  }
0x51: {  	_ =	shalt  }
0x52: {  	_ =	shalt  }
0x53: {  	_ =	shalt  }
0x54: {  	_ =	shalt  }
0x55: {  	_ =	shalt  }
0x56: {  	_ =	shalt  }
0x57: {  	_ =	shalt  }
0x58: {  	_ =	shalt  }
0x59: {  	_ =	shalt  }
0x5a: {  	_ =	shalt  }
0x5b: {  	_ =	shalt  }
0x5c: {  	_ =	shalt  }
0x5d: {  	_ =	shalt  }
0x5e: {  	_ =	shalt  }
0x5f: {  	_ =	shalt  }
0x60: {  	_ =	shalt  }
0x61: {  	_ =	shalt  }
0x62: {  	_ =	shalt  }
0x63: {  	_ =	shalt  }
0x64: {  	_ =	shalt  }
0x65: {  	_ =	shalt  }
0x66: {  	_ =	shalt  }
0x67: {  	_ =	shalt  }
0x68: {  	_ =	shalt  }
0x69: {  	_ =	shalt  }
0x6a: {  	_ =	shalt  }
0x6b: {  	_ =	shalt  }
0x6c: {  	_ =	shalt  }
0x6d: {  	_ =	shalt  }
0x6e: {  	_ =	shalt  }
0x6f: {  	_ =	shalt  }
0x70: {  	_ =	shalt  }
0x71: {  	_ =	shalt  }
0x72: {  	_ =	shalt  }
0x73: {  	_ =	shalt  }
0x74: {  	_ =	shalt  }
0x75: {  	_ =	shalt  }
0x76: {  	_ =	shalt  }
0x77: {  	_ =	shalt  }
0x78: {  	_ =	shalt  }
0x79: {  	_ =	shalt  }
0x7a: {  	_ =	shalt  }
0x7b: {  	_ =	shalt  }
0x7c: {  	_ =	shalt  }
0x7d: {  	_ =	shalt  }
0x7e: {  	_ =	shalt  }
0x7f: {  	_ =	shalt  }
0x80: {  	_ =	shalt  }
0x81: {  	_ =	shalt  }
0x82: {  	_ =	shalt  }
0x83: {  	_ =	shalt  }
0x84: {  	_ =	shalt  }
0x85: {  	_ =	shalt  }
0x86: {  	_ =	shalt  }
0x87: {  	_ =	shalt  }
.Lfunc_end0:
.L_simem_size_0:
called_computation.2_lowered:
.L_overlay_start_0:
0x88: {  	s2 =	sld [smem:$0x3FD9]  }
0x89: {  	s3 =	sld [smem:$0x3FFE];
	_ =	sdelay $0x1  }
0x8a: {  	s1 =	srdreg.scid  }
0x8b: {  	s0 =	sand.u32 $0x1, s1  }
0x8c: {  	s16 =	sshll.u32 s0, $0xA;
	s2 =	sadd.s32 s3, s2  }
0x8d: {  	s2 =	sadd.s32 s2, s16  }
0x8e: {  	[smem:$0x3FBF] =	sst s2  }
0x8f: {  	_ = 	snop  }
0x90: {  	(tm) =	ssettm $0x1  }
0x91: {  	s17 =	sld [smem:$0x3FFB];
	_ =	sdelay $0x3  }
0x92: {  	_ =	strace s17  }
0x93: {  	s2 =	sld [smem:$0x3FFC];
	_ =	sdelay $0x3  }
0x94: {  	_ =	strace s2  }
0x95: {  	s2 =	sld [smem:$0x3FFD];
	_ =	sdelay $0x3  }
0x96: {  	_ =	strace s2  }
0x97: {  	_ =	strace $0x8FFFFFFF  }
0x98: {  	s18 =	sld [smem:$0x3FDB];
	_ =	sdelay $0x1  }
0x99: {  	s19 =	simm.s32 $_scs_section_size  }
0x9a: {  	s4 =	simm.s32 $_size__tile_overlayer_lowered;
	s5 =	simm.s32 $_tile_overlayer_lowered  }
0x9b: {  	s22 =	simm.s32 $0x1BFF;
	s21 =	sshll.u32 s5, $0x1;
	s2 =	sadd.s32 s19, s18  }
0x9c: {  	s6 =	simm.s32 $0x0;
	s20 =	sshll.u32 s4, $0x1;
	s4 =	sadd.s32 s21, s2  }
0x9d: {  	[timem:s6], [sflag:s22] =	dma.local [hbm:s4], s20  }
0x9e: {  	_ =	swait.ge [sflag:s22], s20  }
0x9f: {  	s3 =	ssub.s32 $0x0, s20;
	[sflag:s22] =	ssyncset.done $0x0  }
0xa0: {  	[sflag:s22] =	ssyncadd.s32 s3;
	_ =	sdelay $0x1  }
0xa1: {  	s23 =	simm.s32 $0x1B8B  }
0xa2: {  	_ =	swait.ge [sflag:s23], $0x1  }
0xa3: {  	[sflag:s23] =	ssyncset.done $0x0  }
0xa4: {  	s25 =	simm.s32 $0x1B8E;
	s24 =	sld [smem:$0x3FFE];
	[sflag:s23] =	ssyncadd.s32 $0xFFFFFFFF  }
0xa5: {  	s26 =	simm.s32 $execute0_lowered;
	[smem:$0x3FD2] =	sst s25  }
0xa6: {  	s4 =	sshll.u32 s26, $0x1;
	_ =	strace $0x8000004C;
	[dreg:$0x1] =	wrdreg $0xFFFFFFFF  }
0xa7: {  	s28 =	simm.s32 $_size_execute0_lowered;
	s2 =	sadd.s32 s2, s4;
	[dreg:$0x0] =	wrdreg $0x0  }
0xa8: {  	s4 =	sshll.u32 s28, $0x1;
	[dreg:$0x2] =	wrdreg s2  }
0xa9: {  	[dreg:$0x3] =	wrdreg s4  }
0xaa: {  	[dreg:$0x4] =	wrdreg $0xC0  }
0xab: {  	_ =	task [dreg:s6], $0x5FFFF  }
0xac: {  	[dreg:$0x1] =	wrdreg $0xFFFFFFFF  }
0xad: {  	[dreg:$0x0] =	wrdreg $0x60  }
0xae: {  	[dreg:$0x2] =	wrdreg s24  }
0xaf: {  	[dreg:$0x3] =	wrdreg $0x9EC00  }
0xb0: {  	[dreg:$0x4] =	wrdreg $0x9  }
0xb1: {  	_ =	task.clear_ibuf [dreg:s6], $0x5FFFF;
	_ =	strace $0x9000004C  }
0xb2: {  	s29 =	simm.s32 $0x9;
	_ =	strace $0x8000004E  }
0xb3: {  	_ =	swait.ge [sflag:s29], $0x1  }
0xb4: {  	[sflag:s29] =	ssyncadd.s32 $0xFFFFFFFF  }
0xb5: {  	_ =	strace $0x9000004E  }
0xb6: {  	_ =	sfence  }
0xb7: {  	s30 =	sld [smem:$0x0];
	_ =	sdelay $0x2  }
0xb8: {  	s31 =	sshll.u32 s1, $0xD;
	s1 =	sshrl.u32 s1, $0x2  }
0xb9: {  	s3 =	sand.u32 $0x4000, s31;
	s1 =	sadd.s32 s1, s30  }
0xba: {  	s0 =	sor.u32 s3, s0;
	s1 =	sshll.u32 s1, $0x11  }
0xbb: {  	s0 =	sor.u32 s1, s0  }
0xbc: {  	s0 =	sadd.s32 $0x8F2B, s0  }
0xbd: {  	[sflag:s0] =	ssyncadd.remote.s32 $0x1  }
0xbe: {  	_ =	sfence.sel $0xFFFF  }
0xbf: {  	[dreg:$0x0] =	wrdreg $0xFFFFFFFF;
	(pc) =	sbr.abs _section_cstart, $3  }
0xc0: {  	[dreg:$0x1] =	wrdreg $0xFFFFFFFF  }
0xc1: {  	_ =	task.clear_ibuf [dreg:s6], $0x2FFFF;
	_ =	strace $0x9FFFFFFF  }
0xc2: {  	(tm) =	ssettm $0x7FFFFFFF  }
0xc3: {  	_ =	shalt  }
tec
execute0_lowered:
.L_overlay_start_1:
0x0: {  	(tag) =	ssettag $0x1  }
0x1: {  	s6 =	rddreg [dreg:$0x0]  }
0x2: {  	s2 =	rddreg [dreg:$0x1]  }
0x3: {  	s0 =	rddreg [dreg:$0x2]  }
0x4: {  	s1 =	stileid.u32;
	s4 =	srdreg.scid;
	s3 =	simm.s32 $0x0  }
0x5: {  	s13 =	simm.s32 $0x2710;
	s14 =	simm.s32 $0x50;
	s15 =	simm.s32 $0x4EC0  }
0x6: {  	s16 =	simm.s32 $0x76C0;
	s17 =	simm.s32 $0x1;
	s18 =	simm.s32 $0x4E20  }
0x7: {  	s20 =	simm.s32 $0x4E70;
	s21 =	simm.s32 $0x0;
	s5 =	smul.u32 $0x4E2, s1  }
0x8: {  	s19 =	sand.u32 $0x1, s4;
	s7 =	smul.u32 $0x14000, s1;
	[smem:$0x7FF] =	sst s3  }
0x9: {  	s4 =	sadd.s32 $0xFCC00, s6;
	s31 =	sshll.u32 s1, $0x6;
	s8 =	smul.u32 $0x140000, s19  }
0xa: {  	_ =	strace $0x8000004D;
	s10 =	ssub.s32 $0x2, s19;
	v0 =	vmov s19;
	s19 =	simm.s32 $0x2  }
0xb: {  	s9 =	sadd.s32 s5, s6;
	s5 =	sadd.s32 $0xD000, s6;
	s30 =	sshrl.u32 s10, $0x1  }
0xc: {  	s12 =	sadd.s32 s7, s2;
	s8 =	sadd.s32 s7, s8;
	s10 =	ssub.s32 s10, s30  }
0xd: {  	s7 =	sadd.s32 $0x3000, s9;
	s8 =	sshrl.u32 s8, $0x3;
	s10 =	smax.u32 s10, $0x1  }
0xe: {  	s11 =	sadd.s32 s8, s6;
	s6 =	sor.u32 $0x1C03, s31;
	s8 =	sadd.s32 $0x8000, s9  }
0xf: {  	s9 =	sadd.s32 $0x14AE00, s11;
	s11 =	sshrl.u32 s12, $0x3;
	s12 =	simm.s32 $0x3  }
.LBB2_1:
0x10: {  	[spmem:s11], [sflag:s6] =	dma.local [hbm:s5], $0x2800  }
0x11: {  	_ =	swait.ge [sflag:s12], $0x2800  }
0x12: {  	[sflag:s12] =	ssyncset.done $0x0  }
0x13: {  	[sflag:s12] =	ssyncadd.s32 $0xFFFFD800  }
0x14: {  	[tilespmem:s3], [sflag:$0x3] =	stream.linear.gather [hbm4b:s7+s3], $0x2710, $0x38;
	[tilespmem:$0x1DEC0] =	vst v63  }
0x15: {  	_ =	swait.ge [sflag:s12], $0x2710  }
0x16: {  	[sflag:s12] =	ssyncset.done $0x0  }
0x17: {  	[sflag:s12] =	ssyncadd.s32 $0xFFFFD8F0  }
0x18: {  	[tilespmem:s13], [sflag:$0x3] =	stream.linear.gather [hbm4b:s8+s3], $0x2710, $0x38;
	[tilespmem:$0x1DEC0] =	vst v63  }
0x19: {  	_ =	swait.ge [sflag:s12], $0x2710  }
0x1a: {  	[sflag:s12] =	ssyncset.done $0x0  }
0x1b: {  	s22 =	simm.s32 $0x0;
	s23 =	simm.s32 $0x40;
	[sflag:s12] =	ssyncadd.s32 $0xFFFFD8F0  }
.LBB2_2:
0x1c: {  	p0 =	sne.s32 s23, $0x9C00;
	v1 =	vld [tilespmem:s22+$0x0];
	_ =	sdelay $0x2  }
.Ltmp0:
0x1d: {  	(pc) =	sbr.rel @p0 .LBB2_2-.Ltmp0, $4  }
0x1e: {  	_ = 	snop  }
0x1f: {  	v1 =	vshll.u32 v1, $0x1  }
0x20: {  	v1 =	vor.u32 v0, v1  }
0x21: {  	[tilespmem:s22+$0x0] =	vst v1;
	s22 =	sshra.s32 s23, $0x2;
	s23 =	sadd.s32 $0x40, s23  }
0x22: {  	v1 =	vld [tilespmem:s22+$0x0];
	_ =	sdelay $0x4  }
0x23: {  	v1 =	vshll.u32 v1, $0x1  }
0x24: {  	v1 =	vor.u32 v0, v1  }
0x25: {  	[tilespmem:s22+$0x0] =	vst v1  }
0x26: {  	s29 =	simm.s32 $0x0;
	[bflag:$0x0] =	sbarrier.arrive $0xFFFF  }
0x27: {  	[tilespmem:s15], [sflag:$0x1] =	stream.indirect.gather [hbm4b:s4+s14], $0x80, s29, s14, $0xb8;
	[tilespmem:$0x1DEC0] =	vst v63  }
0x28: {  	s30 =	simm.s32 $0x50  }
0x29: {  	[tilespmem:s16], [sflag:$0x2] =	stream.indirect.gather [hbm4b:s4+s14], $0x80, s30, s14, $0xb8;
	[tilespmem:$0x1DEC0] =	vst v63  }
0x2a: {  	_ =	swait.ge [sflag:s17], $0x2800  }
0x2b: {  	[sflag:s17] =	ssyncset.done $0x0  }
0x2c: {  	s31 =	simm.s32 $0x0;
	[sflag:s17] =	ssyncadd.s32 $0xFFFFD800  }
0x2d: {  	v1 =	vld [tilespmem:s31+$0x2710];
	_ =	sdelay $0x4  }
0x2e: {  	[tilespmem:$0x4E20] =	vst v1  }
0x2f: {  	v1 =	vld [tilespmem:s31+$0x2720];
	_ =	sdelay $0x4  }
0x30: {  	[tilespmem:$0x4E30] =	vst v1  }
0x31: {  	v1 =	vld [tilespmem:s31+$0x2730];
	_ =	sdelay $0x4  }
0x32: {  	[tilespmem:$0x4E40] =	vst v1  }
0x33: {  	v1 =	vld [tilespmem:s31+$0x2740];
	_ =	sdelay $0x4  }
0x34: {  	[tilespmem:$0x4E50] =	vst v1  }
0x35: {  	v1 =	vld [tilespmem:s31+$0x2750];
	_ =	sdelay $0x4  }
0x36: {  	[tilespmem:$0x4E60] =	vst v1  }
0x37: {  	[spmem:s2] =	stream.indirect.scatter.add.f32 [tilespmem:s15], [sflag:$0x3], $0x80, s18, s14, $0xb8;
	[tilespmem:$0x1DEC0] =	vst v63  }
0x38: {  	_ =	swait.ge [sflag:s12], $0x2800  }
0x39: {  	[sflag:s12] =	ssyncset.done $0x0  }
0x3a: {  	s23 =	simm.s32 $0xA0;
	[sflag:s12] =	ssyncadd.s32 $0xFFFFD800  }
0x3b: {  	[tilespmem:s15], [sflag:$0x1] =	stream.indirect.gather [hbm4b:s4+s14], $0x80, s23, s14, $0xb8;
	[tilespmem:$0x1DEC0] =	vst v63  }
0x3c: {  	_ =	swait.ge [sflag:s19], $0x2800  }
0x3d: {  	[sflag:s19] =	ssyncset.done $0x0  }
0x3e: {  	[sflag:s19] =	ssyncadd.s32 $0xFFFFD800  }
0x3f: {  	v1 =	vld [tilespmem:s31+$0x2760];
	_ =	sdelay $0x4  }
0x40: {  	[tilespmem:$0x4E70] =	vst v1  }
0x41: {  	v1 =	vld [tilespmem:s31+$0x2770];
	_ =	sdelay $0x4  }
0x42: {  	[tilespmem:$0x4E80] =	vst v1  }
0x43: {  	v1 =	vld [tilespmem:s31+$0x2780];
	_ =	sdelay $0x4  }
0x44: {  	[tilespmem:$0x4E90] =	vst v1  }
0x45: {  	v1 =	vld [tilespmem:s31+$0x2790];
	_ =	sdelay $0x4  }
0x46: {  	[tilespmem:$0x4EA0] =	vst v1  }
0x47: {  	v1 =	vld [tilespmem:s31+$0x27A0];
	_ =	sdelay $0x4  }
0x48: {  	[tilespmem:$0x4EB0] =	vst v1  }
0x49: {  	[spmem:s2] =	stream.indirect.scatter.add.f32 [tilespmem:s16], [sflag:$0x3], $0x80, s20, s14, $0xb8;
	[tilespmem:$0x1DEC0] =	vst v63  }
0x4a: {  	_ =	swait.ge [sflag:s12], $0x2800  }
0x4b: {  	s25 =	simm.s32 $0x500;
	s22 =	simm.s32 $0xA0;
	[sflag:s12] =	ssyncset.done $0x0  }
.LBB2_4:
0x4c: {  	s26 =	sadd.s32 $0x50, s22  }
0x4d: {  	[sflag:s12] =	ssyncadd.s32 $0xFFFFD800;
	s24 =	smov.u32 s25;
	s23 =	sadd.s32 $0x280, s25  }
0x4e: {  	[tilespmem:s16], [sflag:$0x2] =	stream.indirect.gather [hbm4b:s4+s14], $0x80, s26, s14, $0xb8;
	[tilespmem:$0x1DEC0] =	vst v63  }
0x4f: {  	p0 =	sne.s32 s25, $0x9880;
	_ =	swait.ge [sflag:s17], $0x2800  }
0x50: {  	[sflag:s17] =	ssyncset.done $0x0  }
0x51: {  	[sflag:s17] =	ssyncadd.s32 $0xFFFFD800  }
0x52: {  	v1 =	vld [tilespmem:s22+$0x2710];
	_ =	sdelay $0x4  }
0x53: {  	[tilespmem:$0x4E20] =	vst v1  }
0x54: {  	v1 =	vld [tilespmem:s22+$0x2720];
	_ =	sdelay $0x4  }
0x55: {  	[tilespmem:$0x4E30] =	vst v1  }
0x56: {  	v1 =	vld [tilespmem:s22+$0x2730];
	_ =	sdelay $0x4  }
0x57: {  	[tilespmem:$0x4E40] =	vst v1  }
0x58: {  	v1 =	vld [tilespmem:s22+$0x2740];
	_ =	sdelay $0x4  }
0x59: {  	[tilespmem:$0x4E50] =	vst v1  }
0x5a: {  	v1 =	vld [tilespmem:s22+$0x2750];
	_ =	sdelay $0x4  }
0x5b: {  	[tilespmem:$0x4E60] =	vst v1  }
0x5c: {  	[spmem:s2] =	stream.indirect.scatter.add.f32 [tilespmem:s15], [sflag:$0x3], $0x80, s18, s14, $0xb8;
	[tilespmem:$0x1DEC0] =	vst v63  }
0x5d: {  	_ =	swait.ge [sflag:s12], $0x2800  }
0x5e: {  	[sflag:s12] =	ssyncset.done $0x0  }
0x5f: {  	s25 =	sadd.s32 $0xA0, s22;
	[sflag:s12] =	ssyncadd.s32 $0xFFFFD800  }
0x60: {  	[tilespmem:s15], [sflag:$0x1] =	stream.indirect.gather [hbm4b:s4+s14], $0x80, s25, s14, $0xb8;
	[tilespmem:$0x1DEC0] =	vst v63  }
0x61: {  	_ =	swait.ge [sflag:s19], $0x2800  }
0x62: {  	[sflag:s19] =	ssyncset.done $0x0  }
0x63: {  	[sflag:s19] =	ssyncadd.s32 $0xFFFFD800  }
0x64: {  	v1 =	vld [tilespmem:s22+$0x2760];
	_ =	sdelay $0x4  }
0x65: {  	[tilespmem:$0x4E70] =	vst v1  }
0x66: {  	v1 =	vld [tilespmem:s22+$0x2770];
	_ =	sdelay $0x4  }
0x67: {  	[tilespmem:$0x4E80] =	vst v1  }
0x68: {  	v1 =	vld [tilespmem:s22+$0x2780];
	_ =	sdelay $0x4  }
0x69: {  	[tilespmem:$0x4E90] =	vst v1  }
0x6a: {  	v1 =	vld [tilespmem:s22+$0x2790];
	_ =	sdelay $0x4  }
0x6b: {  	[tilespmem:$0x4EA0] =	vst v1  }
0x6c: {  	v1 =	vld [tilespmem:s22+$0x27A0];
	_ =	sdelay $0x3  }
.Ltmp1:
0x6d: {  	(pc) =	sbr.rel @p0 .LBB2_4-.Ltmp1, $4  }
0x6e: {  	[tilespmem:$0x4EB0] =	vst v1  }
0x6f: {  	[spmem:s2] =	stream.indirect.scatter.add.f32 [tilespmem:s16], [sflag:$0x3], $0x80, s20, s14, $0xb8;
	[tilespmem:$0x1DEC0] =	vst v63  }
0x70: {  	_ =	swait.ge [sflag:s12], $0x2800  }
0x71: {  	s25 =	smov.u32 s23;
	s22 =	sshra.s32 s24, $0x2;
	[sflag:s12] =	ssyncset.done $0x0  }
0x72: {  	s23 =	sadd.s32 $0x50, s22;
	[sflag:s12] =	ssyncadd.s32 $0xFFFFD800  }
0x73: {  	[tilespmem:s16], [sflag:$0x2] =	stream.indirect.gather [hbm4b:s4+s14], $0x80, s23, s14, $0xb8;
	[tilespmem:$0x1DEC0] =	vst v63  }
0x74: {  	_ =	swait.ge [sflag:s17], $0x2800  }
0x75: {  	[sflag:s17] =	ssyncset.done $0x0  }
0x76: {  	[sflag:s17] =	ssyncadd.s32 $0xFFFFD800  }
0x77: {  	v1 =	vld [tilespmem:s22+$0x2710];
	_ =	sdelay $0x4  }
0x78: {  	[tilespmem:$0x4E20] =	vst v1  }
0x79: {  	v1 =	vld [tilespmem:s22+$0x2720];
	_ =	sdelay $0x4  }
0x7a: {  	[tilespmem:$0x4E30] =	vst v1  }
0x7b: {  	v1 =	vld [tilespmem:s22+$0x2730];
	_ =	sdelay $0x4  }
0x7c: {  	[tilespmem:$0x4E40] =	vst v1  }
0x7d: {  	v1 =	vld [tilespmem:s22+$0x2740];
	_ =	sdelay $0x4  }
0x7e: {  	[tilespmem:$0x4E50] =	vst v1  }
0x7f: {  	v1 =	vld [tilespmem:s22+$0x2750];
	_ =	sdelay $0x4  }
0x80: {  	[tilespmem:$0x4E60] =	vst v1  }
0x81: {  	[spmem:s2] =	stream.indirect.scatter.add.f32 [tilespmem:s15], [sflag:$0x3], $0x80, s18, s14, $0xb8;
	[tilespmem:$0x1DEC0] =	vst v63  }
0x82: {  	_ =	swait.ge [sflag:s12], $0x2800  }
0x83: {  	[sflag:s12] =	ssyncset.done $0x0  }
0x84: {  	s31 =	sadd.s32 $0xA0, s22;
	[sflag:s12] =	ssyncadd.s32 $0xFFFFD800  }
0x85: {  	[tilespmem:s15], [sflag:$0x1] =	stream.indirect.gather [hbm4b:s4+s14], $0x80, s31, s14, $0xb8;
	[tilespmem:$0x1DEC0] =	vst v63  }
0x86: {  	_ =	swait.ge [sflag:s19], $0x2800  }
0x87: {  	[sflag:s19] =	ssyncset.done $0x0  }
0x88: {  	[sflag:s19] =	ssyncadd.s32 $0xFFFFD800  }
0x89: {  	v1 =	vld [tilespmem:s22+$0x2760];
	_ =	sdelay $0x4  }
0x8a: {  	[tilespmem:$0x4E70] =	vst v1  }
0x8b: {  	v1 =	vld [tilespmem:s22+$0x2770];
	_ =	sdelay $0x4  }
0x8c: {  	[tilespmem:$0x4E80] =	vst v1  }
0x8d: {  	v1 =	vld [tilespmem:s22+$0x2780];
	_ =	sdelay $0x4  }
0x8e: {  	[tilespmem:$0x4E90] =	vst v1  }
0x8f: {  	v1 =	vld [tilespmem:s22+$0x2790];
	_ =	sdelay $0x4  }
0x90: {  	[tilespmem:$0x4EA0] =	vst v1  }
0x91: {  	v1 =	vld [tilespmem:s22+$0x27A0];
	_ =	sdelay $0x4  }
0x92: {  	[tilespmem:$0x4EB0] =	vst v1  }
0x93: {  	[spmem:s2] =	stream.indirect.scatter.add.f32 [tilespmem:s16], [sflag:$0x3], $0x80, s20, s14, $0xb8;
	[tilespmem:$0x1DEC0] =	vst v63  }
0x94: {  	_ =	swait.ge [sflag:s12], $0x2800  }
0x95: {  	[sflag:s12] =	ssyncset.done $0x0  }
0x96: {  	[sflag:s12] =	ssyncadd.s32 $0xFFFFD800  }
0x97: {  	_ =	swait.ge [sflag:s17], $0x2800  }
0x98: {  	[sflag:s17] =	ssyncset.done $0x0  }
0x99: {  	[sflag:s17] =	ssyncadd.s32 $0xFFFFD800  }
0x9a: {  	v1 =	vld [tilespmem:$0x4DD0]  }
0x9b: {  	v2 =	vld [tilespmem:$0x4DE0]  }
0x9c: {  	v3 =	vld [tilespmem:$0x4DF0]  }
0x9d: {  	v4 =	vld [tilespmem:$0x4E00]  }
0x9e: {  	v5 =	vld [tilespmem:$0x4E10]  }
0x9f: {  	[tilespmem:$0x4E20] =	vst v1  }
0xa0: {  	[tilespmem:$0x4E30] =	vst v2  }
0xa1: {  	[tilespmem:$0x4E40] =	vst v3  }
0xa2: {  	[tilespmem:$0x4E50] =	vst v4  }
0xa3: {  	[tilespmem:$0x4E60] =	vst v5  }
0xa4: {  	[spmem:s2] =	stream.indirect.scatter.add.f32 [tilespmem:s15], [sflag:$0x3], $0x80, s18, s14, $0xb8;
	[tilespmem:$0x1DEC0] =	vst v63  }
0xa5: {  	_ =	swait.ge [sflag:s12], $0x2800  }
0xa6: {  	s21 =	sadd.s32 $0x1, s21;
	[sflag:s12] =	ssyncset.done $0x0  }
0xa7: {  	p0 =	sne.s32 s21, s10;
	[sflag:s12] =	ssyncadd.s32 $0xFFFFD800  }
.Ltmp2:
0xa8: {  	[bflag:$0x0] =	sbarrier.arrive $0xFFFF;
	(pc) =	sbr.rel @p0 .LBB2_1-.Ltmp2, $4  }
0xa9: {  	[hbm:s9], [sflag:s6] =	dma.local [spmem:s11], $0x2800  }
0xaa: {  	_ =	swait.ge [sflag:s12], $0x2800  }
0xab: {  	[sflag:s12] =	ssyncset.done $0x0  }
0xac: {  	[sflag:s12] =	ssyncadd.s32 $0xFFFFD800  }
0xad: {  	_ =	sfence.sel $0x180000  }
0xae: {  	[bflag:$0x0] =	sbarrier.arrive $0xFFFF  }
0xaf: {  	p0 =	sne.s32 s1, $0x0;
	_ =	strace $0x9000004D  }
0xb0: {  	s0 =	sadd.s32 @!p0 $0x100000, s0;
	[bflag:$0x2] =	sbarrier.arrive $0xFFFF  }
0xb1: {  	[sflag:s0] =	ssyncadd.tile.s32 @!p0 $0x1;
	_ =	shalt  }
.Lfunc_end2:
_tile_overlayer_lowered:
.L_overlay_start_2:
0xb2: {  	(tag) =	ssettag $0x2  }
0xb3: {  	s0 =	rddreg [dreg:$0x0];
	s2 =	stileid.u32  }
0xb4: {  	s1 =	rddreg [dreg:$0x1];
	p0 =	sne.s32 s2, $0x0  }
0xb5: {  	s3 =	rddreg [dreg:$0x2];
	[bflag:$0x3] =	sbarrier.arrive $0xFFFF;
	s2 =	simm.s32 @!p0 $0x1C03  }
0xb6: {  	[timem:s3], [sflag:s2] =	dma.local @!p0 [hbm:s0], s1  }
0xb7: {  	s0 =	simm.s32 @!p0 $0x3  }
0xb8: {  	_ =	swait.ge @!p0 [sflag:s0], s1  }
0xb9: {  	s1 =	ssub.s32 @!p0 $0x0, s1;
	[sflag:s0] =	ssyncset.done @!p0 $0x0  }
0xba: {  	[sflag:s0] =	ssyncadd.s32 @!p0 s1  }
0xbb: {  	[bflag:$0x3] =	sbarrier.arrive $0xFFFF  }
0xbc: {  	_ =	shalt  }

// kernel: kernel.21.cloned.1.call-start
scs
__scs_entry_jumppad:
0x0: {  	(pc) =	sbr.rel $0x88, $3  }
0x1: {  	(tag) =	ssettag $0x0;
	lr =	simm.s32 $0x1  }
0x2: {  	[smem:$0x3F98] =	sst lr;
	_ =	strace $0xD0000000  }
0x3: {  	_ = 	snop  }
0x4: {  	_ = 	snop  }
0x5: {  	_ = 	snop  }
0x6: {  	_ = 	snop  }
0x7: {  	_ = 	snop  }
__scs_overlays_trampoline_lowered:
0x8: {  	[smem:$0x3FA7] =	sst s0  }
0x9: {  	[smem:$0x3FA8] =	sst s1  }
0xa: {  	[smem:$0x3FA9] =	sst s2  }
0xb: {  	[smem:$0x3FAA] =	sst s3  }
0xc: {  	[smem:$0x3FAB] =	sst s4  }
0xd: {  	[smem:$0x3FAC] =	sst s5  }
0xe: {  	[smem:$0x3FAD] =	sst s6  }
0xf: {  	[smem:$0x3FAE] =	sst s7  }
0x10: {  	[smem:$0x3FAF] =	sst s8  }
0x11: {  	[smem:$0x3FB0] =	sst s9;
	s0 =	simm.s32 @!p0 $0x0  }
0x12: {  	s1 =	sld [smem:$0x3F96];
	s0 =	simm.s32 @p0 $0x1  }
0x13: {  	[smem:$0x3FB1] =	sst s0;
	s0 =	simm.s32 @!p1 $0x0  }
0x14: {  	s2 =	sld [smem:$0x3F95];
	s0 =	simm.s32 @p1 $0x1  }
0x15: {  	[smem:$0x3FB2] =	sst s0;
	s0 =	simm.s32 @!p2 $0x0  }
0x16: {  	s3 =	sld [smem:$0x3FDB];
	s0 =	simm.s32 @p2 $0x1  }
0x17: {  	s4 =	simm.s32 $0x1BF5;
	[smem:$0x3FB4] =	sst s0  }
0x18: {  	s0 =	sld [smem:$0x3F97];
	_ =	swait.ge [sflag:s4], $0x0  }
0x19: {  	s7 =	sld [smem:$0x3F98]  }
0x1a: {  	s8 =	sadd.s32 $0xFFFFE003, lr  }
0x1b: {  	s9 =	sadd.s32 $0xFFFFFEF7, lr;
	s5 =	simm.s32 $0xFFFFFFFF;
	p2 =	slt.u32 s8, $0xFFFFF086  }
0x1c: {  	p1 =	slt.u32 s9, $0xF7A;
	s5 =	simm.s32 @!p2 $0x0  }
0x1d: {  	s5 =	simm.s32 @p1 $0x1;
	p0 =	seq.s32 s7, s2  }
0x1e: {  	s7 =	smul.u32 @!p0 $0xF7A, s2;
	p2 =	seq.s32 @!p0 s5, $0x0  }
0x1f: {  	s9 =	smul.u32 $0xF7A, s1;
	s8 =	simm.s32 @!p0 $0x1BF5;
	p2 =	por !p2, p0  }
0x20: {  	[sflag:s8] =	ssyncset.s32 @!p0 $0xFFFFF086;
	s6 =	sadd.s32 @!p0 s3, s7;
	s7 =	simm.s32 @!p0 $0x108  }
0x21: {  	s3 =	sadd.s32 s3, s9;
	s6 =	sadd.s32 @!p0 $0x88, s6;
	s7 =	simm.s32 @p2 $0x1082  }
0x22: {  	[simem:s7], [sflag:s8] =	dma.local @!p0 [hbm:s6], $0xF7A  }
0x23: {  	s9 =	sor.u32 $0xD0000000, s2;
	s6 =	simm.s32 $0x108;
	_ =	swait.ge @!p0 [sflag:s8], $0x0  }
0x24: {  	s3 =	sadd.s32 $0x88, s3;
	s6 =	simm.s32 @!p1 $0x1082;
	[sflag:s4] =	ssyncset.s32 $0xFFFFF086  }
0x25: {  	[simem:s6], [sflag:s4] =	dma.local [hbm:s3], $0xF7A  }
0x26: {  	[smem:$0x3F98] =	sst s1;
	(tag) =	ssettag s2;
	_ =	strace s9  }
0x27: {  	s1 =	sld [smem:$0x3FA8]  }
0x28: {  	s2 =	sld [smem:$0x3FA9]  }
0x29: {  	s4 =	sld [smem:$0x3FAB]  }
0x2a: {  	p0 =	seq.s32 s5, $0x0;
	s5 =	sld [smem:$0x3FAC]  }
0x2b: {  	s6 =	sld [smem:$0x3FAD]  }
0x2c: {  	s7 =	sld [smem:$0x3FAE]  }
0x2d: {  	s3 =	simm.s32 $0x108;
	s8 =	sld [smem:$0x3FAF]  }
0x2e: {  	s3 =	simm.s32 @!p0 $0x1082;
	s9 =	sld [smem:$0x3FB0]  }
0x2f: {  	lr =	sadd.s32 s0, s3;
	s0 =	sld [smem:$0x3FA7]  }
0x30: {  	s3 =	sld [smem:$0x3FAA]  }
0x31: {  	[smem:$0x3FB3] =	sst s10  }
0x32: {  	s10 =	sld [smem:$0x3FB1];
	_ =	sdelay $0x3  }
0x33: {  	p0 =	seq.s32 s10, $0x1;
	s10 =	sld [smem:$0x3FB3];
	_ =	sdelay $0x3  }
0x34: {  	[smem:$0x3FB3] =	sst s10  }
0x35: {  	s10 =	sld [smem:$0x3FB2];
	_ =	sdelay $0x3  }
0x36: {  	p1 =	seq.s32 s10, $0x1;
	s10 =	sld [smem:$0x3FB3];
	_ =	sdelay $0x3  }
0x37: {  	[smem:$0x3FB3] =	sst s10  }
0x38: {  	s10 =	sld [smem:$0x3FB4]  }
0x39: {  	_ = 	snop;
	(pc) =	sbr.ind lr, $3  }
0x3a: {  	_ = 	snop  }
0x3b: {  	_ = 	snop  }
0x3c: {  	p2 =	seq.s32 s10, $0x1;
	s10 =	sld [smem:$0x3FB3]  }
0x3d: {  	_ =	shalt  }
0x3e: {  	_ =	shalt  }
0x3f: {  	_ =	shalt  }
0x40: {  	_ =	shalt  }
0x41: {  	_ =	shalt  }
0x42: {  	_ =	shalt  }
0x43: {  	_ =	shalt  }
0x44: {  	_ =	shalt  }
0x45: {  	_ =	shalt  }
0x46: {  	_ =	shalt  }
0x47: {  	_ =	shalt  }
0x48: {  	_ =	shalt  }
0x49: {  	_ =	shalt  }
0x4a: {  	_ =	shalt  }
0x4b: {  	_ =	shalt  }
0x4c: {  	_ =	shalt  }
0x4d: {  	_ =	shalt  }
0x4e: {  	_ =	shalt  }
0x4f: {  	_ =	shalt  }
0x50: {  	_ =	shalt  }
0x51: {  	_ =	shalt  }
0x52: {  	_ =	shalt  }
0x53: {  	_ =	shalt  }
0x54: {  	_ =	shalt  }
0x55: {  	_ =	shalt  }
0x56: {  	_ =	shalt  }
0x57: {  	_ =	shalt  }
0x58: {  	_ =	shalt  }
0x59: {  	_ =	shalt  }
0x5a: {  	_ =	shalt  }
0x5b: {  	_ =	shalt  }
0x5c: {  	_ =	shalt  }
0x5d: {  	_ =	shalt  }
0x5e: {  	_ =	shalt  }
0x5f: {  	_ =	shalt  }
0x60: {  	_ =	shalt  }
0x61: {  	_ =	shalt  }
0x62: {  	_ =	shalt  }
0x63: {  	_ =	shalt  }
0x64: {  	_ =	shalt  }
0x65: {  	_ =	shalt  }
0x66: {  	_ =	shalt  }
0x67: {  	_ =	shalt  }
0x68: {  	_ =	shalt  }
0x69: {  	_ =	shalt  }
0x6a: {  	_ =	shalt  }
0x6b: {  	_ =	shalt  }
0x6c: {  	_ =	shalt  }
0x6d: {  	_ =	shalt  }
0x6e: {  	_ =	shalt  }
0x6f: {  	_ =	shalt  }
0x70: {  	_ =	shalt  }
0x71: {  	_ =	shalt  }
0x72: {  	_ =	shalt  }
0x73: {  	_ =	shalt  }
0x74: {  	_ =	shalt  }
0x75: {  	_ =	shalt  }
0x76: {  	_ =	shalt  }
0x77: {  	_ =	shalt  }
0x78: {  	_ =	shalt  }
0x79: {  	_ =	shalt  }
0x7a: {  	_ =	shalt  }
0x7b: {  	_ =	shalt  }
0x7c: {  	_ =	shalt  }
0x7d: {  	_ =	shalt  }
0x7e: {  	_ =	shalt  }
0x7f: {  	_ =	shalt  }
0x80: {  	_ =	shalt  }
0x81: {  	_ =	shalt  }
0x82: {  	_ =	shalt  }
0x83: {  	_ =	shalt  }
0x84: {  	_ =	shalt  }
0x85: {  	_ =	shalt  }
0x86: {  	_ =	shalt  }
0x87: {  	_ =	shalt  }
.Lfunc_end0:
.L_simem_size_0:
called_computation.3_lowered:
.L_overlay_start_0:
0x88: {  	s2 =	sld [smem:$0x3FD9]  }
0x89: {  	s3 =	sld [smem:$0x3FFE];
	_ =	sdelay $0x1  }
0x8a: {  	s1 =	srdreg.scid  }
0x8b: {  	s0 =	sand.u32 $0x1, s1  }
0x8c: {  	s16 =	sshll.u32 s0, $0xA;
	s2 =	sadd.s32 s3, s2  }
0x8d: {  	s2 =	sadd.s32 s2, s16  }
0x8e: {  	[smem:$0x3FBF] =	sst s2  }
0x8f: {  	_ = 	snop  }
0x90: {  	(tm) =	ssettm $0x1  }
0x91: {  	s17 =	sld [smem:$0x3FFB];
	_ =	sdelay $0x3  }
0x92: {  	_ =	strace s17  }
0x93: {  	s2 =	sld [smem:$0x3FFC];
	_ =	sdelay $0x3  }
0x94: {  	_ =	strace s2  }
0x95: {  	s2 =	sld [smem:$0x3FFD];
	_ =	sdelay $0x3  }
0x96: {  	_ =	strace s2  }
0x97: {  	_ =	strace $0x8FFFFFFF  }
0x98: {  	s18 =	sld [smem:$0x3FDB];
	_ =	sdelay $0x1  }
0x99: {  	s19 =	simm.s32 $_scs_section_size  }
0x9a: {  	s4 =	simm.s32 $_size__tile_overlayer_lowered;
	s5 =	simm.s32 $_tile_overlayer_lowered  }
0x9b: {  	s22 =	simm.s32 $0x1BFF;
	s21 =	sshll.u32 s5, $0x1;
	s2 =	sadd.s32 s19, s18  }
0x9c: {  	s6 =	simm.s32 $0x0;
	s20 =	sshll.u32 s4, $0x1;
	s4 =	sadd.s32 s21, s2  }
0x9d: {  	[timem:s6], [sflag:s22] =	dma.local [hbm:s4], s20  }
0x9e: {  	_ =	swait.ge [sflag:s22], s20  }
0x9f: {  	s3 =	ssub.s32 $0x0, s20;
	[sflag:s22] =	ssyncset.done $0x0  }
0xa0: {  	[sflag:s22] =	ssyncadd.s32 s3;
	_ =	sdelay $0x1  }
0xa1: {  	s23 =	simm.s32 $0x1B8B  }
0xa2: {  	_ =	swait.ge [sflag:s23], $0x1  }
0xa3: {  	[sflag:s23] =	ssyncset.done $0x0  }
0xa4: {  	s25 =	simm.s32 $0x1B8E;
	s24 =	sld [smem:$0x3FFE];
	[sflag:s23] =	ssyncadd.s32 $0xFFFFFFFF  }
0xa5: {  	s26 =	simm.s32 $execute0_lowered;
	[smem:$0x3FD2] =	sst s25  }
0xa6: {  	s4 =	sshll.u32 s26, $0x1;
	_ =	strace $0x8000004F;
	[dreg:$0x1] =	wrdreg $0xFFFFFFFF  }
0xa7: {  	s28 =	simm.s32 $_size_execute0_lowered;
	s2 =	sadd.s32 s2, s4;
	[dreg:$0x0] =	wrdreg $0x0  }
0xa8: {  	s4 =	sshll.u32 s28, $0x1;
	[dreg:$0x2] =	wrdreg s2  }
0xa9: {  	[dreg:$0x3] =	wrdreg s4  }
0xaa: {  	[dreg:$0x4] =	wrdreg $0xC0  }
0xab: {  	_ =	task [dreg:s6], $0x5FFFF  }
0xac: {  	[dreg:$0x1] =	wrdreg $0xFFFFFFFF  }
0xad: {  	[dreg:$0x0] =	wrdreg $0x60  }
0xae: {  	[dreg:$0x2] =	wrdreg s24  }
0xaf: {  	[dreg:$0x3] =	wrdreg $0x9EC00  }
0xb0: {  	[dreg:$0x4] =	wrdreg $0x9  }
0xb1: {  	_ =	task.clear_ibuf [dreg:s6], $0x5FFFF;
	_ =	strace $0x9000004F  }
0xb2: {  	s29 =	simm.s32 $0x9;
	_ =	strace $0x80000051  }
0xb3: {  	_ =	swait.ge [sflag:s29], $0x1  }
0xb4: {  	[sflag:s29] =	ssyncadd.s32 $0xFFFFFFFF  }
0xb5: {  	_ =	strace $0x90000051  }
0xb6: {  	_ =	sfence  }
0xb7: {  	s30 =	sld [smem:$0x0];
	_ =	sdelay $0x2  }
0xb8: {  	s31 =	sshll.u32 s1, $0xD;
	s1 =	sshrl.u32 s1, $0x2  }
0xb9: {  	s3 =	sand.u32 $0x4000, s31;
	s1 =	sadd.s32 s1, s30  }
0xba: {  	s0 =	sor.u32 s3, s0;
	s1 =	sshll.u32 s1, $0x11  }
0xbb: {  	s0 =	sor.u32 s1, s0  }
0xbc: {  	s0 =	sadd.s32 $0x8F2B, s0  }
0xbd: {  	[sflag:s0] =	ssyncadd.remote.s32 $0x1  }
0xbe: {  	_ =	sfence.sel $0xFFFF  }
0xbf: {  	[dreg:$0x0] =	wrdreg $0xFFFFFFFF;
	(pc) =	sbr.abs _section_cstart, $3  }
0xc0: {  	[dreg:$0x1] =	wrdreg $0xFFFFFFFF  }
0xc1: {  	_ =	task.clear_ibuf [dreg:s6], $0x2FFFF;
	_ =	strace $0x9FFFFFFF  }
0xc2: {  	(tm) =	ssettm $0x7FFFFFFF  }
0xc3: {  	_ =	shalt  }
tec
execute0_lowered:
.L_overlay_start_1:
0x0: {  	(tag) =	ssettag $0x1  }
0x1: {  	s6 =	rddreg [dreg:$0x0]  }
0x2: {  	s2 =	rddreg [dreg:$0x1]  }
0x3: {  	s0 =	rddreg [dreg:$0x2]  }
0x4: {  	s1 =	stileid.u32;
	s4 =	srdreg.scid;
	s3 =	simm.s32 $0x0  }
0x5: {  	s13 =	simm.s32 $0x2710;
	s14 =	simm.s32 $0x50;
	s15 =	simm.s32 $0x4EC0  }
0x6: {  	s16 =	simm.s32 $0x76C0;
	s17 =	simm.s32 $0x1;
	s18 =	simm.s32 $0x4E20  }
0x7: {  	s20 =	simm.s32 $0x4E70;
	s21 =	simm.s32 $0x0;
	s5 =	smul.u32 $0x4E2, s1  }
0x8: {  	s19 =	sand.u32 $0x1, s4;
	s7 =	smul.u32 $0x14000, s1;
	[smem:$0x7FF] =	sst s3  }
0x9: {  	s4 =	sadd.s32 $0x14AE00, s6;
	s31 =	sshll.u32 s1, $0x6;
	s8 =	smul.u32 $0x140000, s19  }
0xa: {  	_ =	strace $0x80000050;
	s10 =	ssub.s32 $0x2, s19;
	v0 =	vmov s19;
	s19 =	simm.s32 $0x2  }
0xb: {  	s9 =	sadd.s32 s5, s6;
	s5 =	sadd.s32 $0xD000, s6;
	s30 =	sshrl.u32 s10, $0x1  }
0xc: {  	s12 =	sadd.s32 s7, s2;
	s8 =	sadd.s32 s7, s8;
	s10 =	ssub.s32 s10, s30  }
0xd: {  	s7 =	sadd.s32 $0x3000, s9;
	s8 =	sshrl.u32 s8, $0x3;
	s10 =	smax.u32 s10, $0x1  }
0xe: {  	s11 =	sadd.s32 s8, s6;
	s6 =	sor.u32 $0x1C03, s31;
	s8 =	sadd.s32 $0x8000, s9  }
0xf: {  	s9 =	sadd.s32 $0x199000, s11;
	s11 =	sshrl.u32 s12, $0x3;
	s12 =	simm.s32 $0x3  }
.LBB2_1:
0x10: {  	[spmem:s11], [sflag:s6] =	dma.local [hbm:s5], $0x2800  }
0x11: {  	_ =	swait.ge [sflag:s12], $0x2800  }
0x12: {  	[sflag:s12] =	ssyncset.done $0x0  }
0x13: {  	[sflag:s12] =	ssyncadd.s32 $0xFFFFD800  }
0x14: {  	[tilespmem:s3], [sflag:$0x3] =	stream.linear.gather [hbm4b:s7+s3], $0x2710, $0x38;
	[tilespmem:$0x1DEC0] =	vst v63  }
0x15: {  	_ =	swait.ge [sflag:s12], $0x2710  }
0x16: {  	[sflag:s12] =	ssyncset.done $0x0  }
0x17: {  	[sflag:s12] =	ssyncadd.s32 $0xFFFFD8F0  }
0x18: {  	[tilespmem:s13], [sflag:$0x3] =	stream.linear.gather [hbm4b:s8+s3], $0x2710, $0x38;
	[tilespmem:$0x1DEC0] =	vst v63  }
0x19: {  	_ =	swait.ge [sflag:s12], $0x2710  }
0x1a: {  	[sflag:s12] =	ssyncset.done $0x0  }
0x1b: {  	s22 =	simm.s32 $0x0;
	s23 =	simm.s32 $0x40;
	[sflag:s12] =	ssyncadd.s32 $0xFFFFD8F0  }
.LBB2_2:
0x1c: {  	p0 =	sne.s32 s23, $0x9C00;
	v1 =	vld [tilespmem:s22+$0x0];
	_ =	sdelay $0x2  }
.Ltmp0:
0x1d: {  	(pc) =	sbr.rel @p0 .LBB2_2-.Ltmp0, $4  }
0x1e: {  	_ = 	snop  }
0x1f: {  	v1 =	vshll.u32 v1, $0x1  }
0x20: {  	v1 =	vor.u32 v0, v1  }
0x21: {  	[tilespmem:s22+$0x0] =	vst v1;
	s22 =	sshra.s32 s23, $0x2;
	s23 =	sadd.s32 $0x40, s23  }
0x22: {  	v1 =	vld [tilespmem:s22+$0x0];
	_ =	sdelay $0x4  }
0x23: {  	v1 =	vshll.u32 v1, $0x1  }
0x24: {  	v1 =	vor.u32 v0, v1  }
0x25: {  	[tilespmem:s22+$0x0] =	vst v1  }
0x26: {  	s29 =	simm.s32 $0x0;
	[bflag:$0x0] =	sbarrier.arrive $0xFFFF  }
0x27: {  	[tilespmem:s15], [sflag:$0x1] =	stream.indirect.gather [hbm4b:s4+s14], $0x80, s29, s14, $0xb8;
	[tilespmem:$0x1DEC0] =	vst v63  }
0x28: {  	s30 =	simm.s32 $0x50  }
0x29: {  	[tilespmem:s16], [sflag:$0x2] =	stream.indirect.gather [hbm4b:s4+s14], $0x80, s30, s14, $0xb8;
	[tilespmem:$0x1DEC0] =	vst v63  }
0x2a: {  	_ =	swait.ge [sflag:s17], $0x2800  }
0x2b: {  	[sflag:s17] =	ssyncset.done $0x0  }
0x2c: {  	s31 =	simm.s32 $0x0;
	[sflag:s17] =	ssyncadd.s32 $0xFFFFD800  }
0x2d: {  	v1 =	vld [tilespmem:s31+$0x2710];
	_ =	sdelay $0x4  }
0x2e: {  	[tilespmem:$0x4E20] =	vst v1  }
0x2f: {  	v1 =	vld [tilespmem:s31+$0x2720];
	_ =	sdelay $0x4  }
0x30: {  	[tilespmem:$0x4E30] =	vst v1  }
0x31: {  	v1 =	vld [tilespmem:s31+$0x2730];
	_ =	sdelay $0x4  }
0x32: {  	[tilespmem:$0x4E40] =	vst v1  }
0x33: {  	v1 =	vld [tilespmem:s31+$0x2740];
	_ =	sdelay $0x4  }
0x34: {  	[tilespmem:$0x4E50] =	vst v1  }
0x35: {  	v1 =	vld [tilespmem:s31+$0x2750];
	_ =	sdelay $0x4  }
0x36: {  	[tilespmem:$0x4E60] =	vst v1  }
0x37: {  	[spmem:s2] =	stream.indirect.scatter.add.f32 [tilespmem:s15], [sflag:$0x3], $0x80, s18, s14, $0xb8;
	[tilespmem:$0x1DEC0] =	vst v63  }
0x38: {  	_ =	swait.ge [sflag:s12], $0x2800  }
0x39: {  	[sflag:s12] =	ssyncset.done $0x0  }
0x3a: {  	s23 =	simm.s32 $0xA0;
	[sflag:s12] =	ssyncadd.s32 $0xFFFFD800  }
0x3b: {  	[tilespmem:s15], [sflag:$0x1] =	stream.indirect.gather [hbm4b:s4+s14], $0x80, s23, s14, $0xb8;
	[tilespmem:$0x1DEC0] =	vst v63  }
0x3c: {  	_ =	swait.ge [sflag:s19], $0x2800  }
0x3d: {  	[sflag:s19] =	ssyncset.done $0x0  }
0x3e: {  	[sflag:s19] =	ssyncadd.s32 $0xFFFFD800  }
0x3f: {  	v1 =	vld [tilespmem:s31+$0x2760];
	_ =	sdelay $0x4  }
0x40: {  	[tilespmem:$0x4E70] =	vst v1  }
0x41: {  	v1 =	vld [tilespmem:s31+$0x2770];
	_ =	sdelay $0x4  }
0x42: {  	[tilespmem:$0x4E80] =	vst v1  }
0x43: {  	v1 =	vld [tilespmem:s31+$0x2780];
	_ =	sdelay $0x4  }
0x44: {  	[tilespmem:$0x4E90] =	vst v1  }
0x45: {  	v1 =	vld [tilespmem:s31+$0x2790];
	_ =	sdelay $0x4  }
0x46: {  	[tilespmem:$0x4EA0] =	vst v1  }
0x47: {  	v1 =	vld [tilespmem:s31+$0x27A0];
	_ =	sdelay $0x4  }
0x48: {  	[tilespmem:$0x4EB0] =	vst v1  }
0x49: {  	[spmem:s2] =	stream.indirect.scatter.add.f32 [tilespmem:s16], [sflag:$0x3], $0x80, s20, s14, $0xb8;
	[tilespmem:$0x1DEC0] =	vst v63  }
0x4a: {  	_ =	swait.ge [sflag:s12], $0x2800  }
0x4b: {  	s25 =	simm.s32 $0x500;
	s22 =	simm.s32 $0xA0;
	[sflag:s12] =	ssyncset.done $0x0  }
.LBB2_4:
0x4c: {  	s26 =	sadd.s32 $0x50, s22  }
0x4d: {  	[sflag:s12] =	ssyncadd.s32 $0xFFFFD800;
	s24 =	smov.u32 s25;
	s23 =	sadd.s32 $0x280, s25  }
0x4e: {  	[tilespmem:s16], [sflag:$0x2] =	stream.indirect.gather [hbm4b:s4+s14], $0x80, s26, s14, $0xb8;
	[tilespmem:$0x1DEC0] =	vst v63  }
0x4f: {  	p0 =	sne.s32 s25, $0x9880;
	_ =	swait.ge [sflag:s17], $0x2800  }
0x50: {  	[sflag:s17] =	ssyncset.done $0x0  }
0x51: {  	[sflag:s17] =	ssyncadd.s32 $0xFFFFD800  }
0x52: {  	v1 =	vld [tilespmem:s22+$0x2710];
	_ =	sdelay $0x4  }
0x53: {  	[tilespmem:$0x4E20] =	vst v1  }
0x54: {  	v1 =	vld [tilespmem:s22+$0x2720];
	_ =	sdelay $0x4  }
0x55: {  	[tilespmem:$0x4E30] =	vst v1  }
0x56: {  	v1 =	vld [tilespmem:s22+$0x2730];
	_ =	sdelay $0x4  }
0x57: {  	[tilespmem:$0x4E40] =	vst v1  }
0x58: {  	v1 =	vld [tilespmem:s22+$0x2740];
	_ =	sdelay $0x4  }
0x59: {  	[tilespmem:$0x4E50] =	vst v1  }
0x5a: {  	v1 =	vld [tilespmem:s22+$0x2750];
	_ =	sdelay $0x4  }
0x5b: {  	[tilespmem:$0x4E60] =	vst v1  }
0x5c: {  	[spmem:s2] =	stream.indirect.scatter.add.f32 [tilespmem:s15], [sflag:$0x3], $0x80, s18, s14, $0xb8;
	[tilespmem:$0x1DEC0] =	vst v63  }
0x5d: {  	_ =	swait.ge [sflag:s12], $0x2800  }
0x5e: {  	[sflag:s12] =	ssyncset.done $0x0  }
0x5f: {  	s25 =	sadd.s32 $0xA0, s22;
	[sflag:s12] =	ssyncadd.s32 $0xFFFFD800  }
0x60: {  	[tilespmem:s15], [sflag:$0x1] =	stream.indirect.gather [hbm4b:s4+s14], $0x80, s25, s14, $0xb8;
	[tilespmem:$0x1DEC0] =	vst v63  }
0x61: {  	_ =	swait.ge [sflag:s19], $0x2800  }
0x62: {  	[sflag:s19] =	ssyncset.done $0x0  }
0x63: {  	[sflag:s19] =	ssyncadd.s32 $0xFFFFD800  }
0x64: {  	v1 =	vld [tilespmem:s22+$0x2760];
	_ =	sdelay $0x4  }
0x65: {  	[tilespmem:$0x4E70] =	vst v1  }
0x66: {  	v1 =	vld [tilespmem:s22+$0x2770];
	_ =	sdelay $0x4  }
0x67: {  	[tilespmem:$0x4E80] =	vst v1  }
0x68: {  	v1 =	vld [tilespmem:s22+$0x2780];
	_ =	sdelay $0x4  }
0x69: {  	[tilespmem:$0x4E90] =	vst v1  }
0x6a: {  	v1 =	vld [tilespmem:s22+$0x2790];
	_ =	sdelay $0x4  }
0x6b: {  	[tilespmem:$0x4EA0] =	vst v1  }
0x6c: {  	v1 =	vld [tilespmem:s22+$0x27A0];
	_ =	sdelay $0x3  }
.Ltmp1:
0x6d: {  	(pc) =	sbr.rel @p0 .LBB2_4-.Ltmp1, $4  }
0x6e: {  	[tilespmem:$0x4EB0] =	vst v1  }
0x6f: {  	[spmem:s2] =	stream.indirect.scatter.add.f32 [tilespmem:s16], [sflag:$0x3], $0x80, s20, s14, $0xb8;
	[tilespmem:$0x1DEC0] =	vst v63  }
0x70: {  	_ =	swait.ge [sflag:s12], $0x2800  }
0x71: {  	s25 =	smov.u32 s23;
	s22 =	sshra.s32 s24, $0x2;
	[sflag:s12] =	ssyncset.done $0x0  }
0x72: {  	s23 =	sadd.s32 $0x50, s22;
	[sflag:s12] =	ssyncadd.s32 $0xFFFFD800  }
0x73: {  	[tilespmem:s16], [sflag:$0x2] =	stream.indirect.gather [hbm4b:s4+s14], $0x80, s23, s14, $0xb8;
	[tilespmem:$0x1DEC0] =	vst v63  }
0x74: {  	_ =	swait.ge [sflag:s17], $0x2800  }
0x75: {  	[sflag:s17] =	ssyncset.done $0x0  }
0x76: {  	[sflag:s17] =	ssyncadd.s32 $0xFFFFD800  }
0x77: {  	v1 =	vld [tilespmem:s22+$0x2710];
	_ =	sdelay $0x4  }
0x78: {  	[tilespmem:$0x4E20] =	vst v1  }
0x79: {  	v1 =	vld [tilespmem:s22+$0x2720];
	_ =	sdelay $0x4  }
0x7a: {  	[tilespmem:$0x4E30] =	vst v1  }
0x7b: {  	v1 =	vld [tilespmem:s22+$0x2730];
	_ =	sdelay $0x4  }
0x7c: {  	[tilespmem:$0x4E40] =	vst v1  }
0x7d: {  	v1 =	vld [tilespmem:s22+$0x2740];
	_ =	sdelay $0x4  }
0x7e: {  	[tilespmem:$0x4E50] =	vst v1  }
0x7f: {  	v1 =	vld [tilespmem:s22+$0x2750];
	_ =	sdelay $0x4  }
0x80: {  	[tilespmem:$0x4E60] =	vst v1  }
0x81: {  	[spmem:s2] =	stream.indirect.scatter.add.f32 [tilespmem:s15], [sflag:$0x3], $0x80, s18, s14, $0xb8;
	[tilespmem:$0x1DEC0] =	vst v63  }
0x82: {  	_ =	swait.ge [sflag:s12], $0x2800  }
0x83: {  	[sflag:s12] =	ssyncset.done $0x0  }
0x84: {  	s31 =	sadd.s32 $0xA0, s22;
	[sflag:s12] =	ssyncadd.s32 $0xFFFFD800  }
0x85: {  	[tilespmem:s15], [sflag:$0x1] =	stream.indirect.gather [hbm4b:s4+s14], $0x80, s31, s14, $0xb8;
	[tilespmem:$0x1DEC0] =	vst v63  }
0x86: {  	_ =	swait.ge [sflag:s19], $0x2800  }
0x87: {  	[sflag:s19] =	ssyncset.done $0x0  }
0x88: {  	[sflag:s19] =	ssyncadd.s32 $0xFFFFD800  }
0x89: {  	v1 =	vld [tilespmem:s22+$0x2760];
	_ =	sdelay $0x4  }
0x8a: {  	[tilespmem:$0x4E70] =	vst v1  }
0x8b: {  	v1 =	vld [tilespmem:s22+$0x2770];
	_ =	sdelay $0x4  }
0x8c: {  	[tilespmem:$0x4E80] =	vst v1  }
0x8d: {  	v1 =	vld [tilespmem:s22+$0x2780];
	_ =	sdelay $0x4  }
0x8e: {  	[tilespmem:$0x4E90] =	vst v1  }
0x8f: {  	v1 =	vld [tilespmem:s22+$0x2790];
	_ =	sdelay $0x4  }
0x90: {  	[tilespmem:$0x4EA0] =	vst v1  }
0x91: {  	v1 =	vld [tilespmem:s22+$0x27A0];
	_ =	sdelay $0x4  }
0x92: {  	[tilespmem:$0x4EB0] =	vst v1  }
0x93: {  	[spmem:s2] =	stream.indirect.scatter.add.f32 [tilespmem:s16], [sflag:$0x3], $0x80, s20, s14, $0xb8;
	[tilespmem:$0x1DEC0] =	vst v63  }
0x94: {  	_ =	swait.ge [sflag:s12], $0x2800  }
0x95: {  	[sflag:s12] =	ssyncset.done $0x0  }
0x96: {  	[sflag:s12] =	ssyncadd.s32 $0xFFFFD800  }
0x97: {  	_ =	swait.ge [sflag:s17], $0x2800  }
0x98: {  	[sflag:s17] =	ssyncset.done $0x0  }
0x99: {  	[sflag:s17] =	ssyncadd.s32 $0xFFFFD800  }
0x9a: {  	v1 =	vld [tilespmem:$0x4DD0]  }
0x9b: {  	v2 =	vld [tilespmem:$0x4DE0]  }
0x9c: {  	v3 =	vld [tilespmem:$0x4DF0]  }
0x9d: {  	v4 =	vld [tilespmem:$0x4E00]  }
0x9e: {  	v5 =	vld [tilespmem:$0x4E10]  }
0x9f: {  	[tilespmem:$0x4E20] =	vst v1  }
0xa0: {  	[tilespmem:$0x4E30] =	vst v2  }
0xa1: {  	[tilespmem:$0x4E40] =	vst v3  }
0xa2: {  	[tilespmem:$0x4E50] =	vst v4  }
0xa3: {  	[tilespmem:$0x4E60] =	vst v5  }
0xa4: {  	[spmem:s2] =	stream.indirect.scatter.add.f32 [tilespmem:s15], [sflag:$0x3], $0x80, s18, s14, $0xb8;
	[tilespmem:$0x1DEC0] =	vst v63  }
0xa5: {  	_ =	swait.ge [sflag:s12], $0x2800  }
0xa6: {  	s21 =	sadd.s32 $0x1, s21;
	[sflag:s12] =	ssyncset.done $0x0  }
0xa7: {  	p0 =	sne.s32 s21, s10;
	[sflag:s12] =	ssyncadd.s32 $0xFFFFD800  }
.Ltmp2:
0xa8: {  	[bflag:$0x0] =	sbarrier.arrive $0xFFFF;
	(pc) =	sbr.rel @p0 .LBB2_1-.Ltmp2, $4  }
0xa9: {  	[hbm:s9], [sflag:s6] =	dma.local [spmem:s11], $0x2800  }
0xaa: {  	_ =	swait.ge [sflag:s12], $0x2800  }
0xab: {  	[sflag:s12] =	ssyncset.done $0x0  }
0xac: {  	[sflag:s12] =	ssyncadd.s32 $0xFFFFD800  }
0xad: {  	_ =	sfence.sel $0x180000  }
0xae: {  	[bflag:$0x0] =	sbarrier.arrive $0xFFFF  }
0xaf: {  	p0 =	sne.s32 s1, $0x0;
	_ =	strace $0x90000050  }
0xb0: {  	s0 =	sadd.s32 @!p0 $0x100000, s0;
	[bflag:$0x2] =	sbarrier.arrive $0xFFFF  }
0xb1: {  	[sflag:s0] =	ssyncadd.tile.s32 @!p0 $0x1;
	_ =	shalt  }
.Lfunc_end2:
_tile_overlayer_lowered:
.L_overlay_start_2:
0xb2: {  	(tag) =	ssettag $0x2  }
0xb3: {  	s0 =	rddreg [dreg:$0x0];
	s2 =	stileid.u32  }
0xb4: {  	s1 =	rddreg [dreg:$0x1];
	p0 =	sne.s32 s2, $0x0  }
0xb5: {  	s3 =	rddreg [dreg:$0x2];
	[bflag:$0x3] =	sbarrier.arrive $0xFFFF;
	s2 =	simm.s32 @!p0 $0x1C03  }
0xb6: {  	[timem:s3], [sflag:s2] =	dma.local @!p0 [hbm:s0], s1  }
0xb7: {  	s0 =	simm.s32 @!p0 $0x3  }
0xb8: {  	_ =	swait.ge @!p0 [sflag:s0], s1  }
0xb9: {  	s1 =	ssub.s32 @!p0 $0x0, s1;
	[sflag:s0] =	ssyncset.done @!p0 $0x0  }
0xba: {  	[sflag:s0] =	ssyncadd.s32 @!p0 s1  }
0xbb: {  	[bflag:$0x3] =	sbarrier.arrive $0xFFFF  }
0xbc: {  	_ =	shalt  }

// kernel: kernel.24.cloned.1.call-start
scs
__scs_entry_jumppad:
0x0: {  	(pc) =	sbr.rel $0x88, $3  }
0x1: {  	(tag) =	ssettag $0x0;
	lr =	simm.s32 $0x1  }
0x2: {  	[smem:$0x3F98] =	sst lr;
	_ =	strace $0xD0000000  }
0x3: {  	_ = 	snop  }
0x4: {  	_ = 	snop  }
0x5: {  	_ = 	snop  }
0x6: {  	_ = 	snop  }
0x7: {  	_ = 	snop  }
__scs_overlays_trampoline_lowered:
0x8: {  	[smem:$0x3FA7] =	sst s0  }
0x9: {  	[smem:$0x3FA8] =	sst s1  }
0xa: {  	[smem:$0x3FA9] =	sst s2  }
0xb: {  	[smem:$0x3FAA] =	sst s3  }
0xc: {  	[smem:$0x3FAB] =	sst s4  }
0xd: {  	[smem:$0x3FAC] =	sst s5  }
0xe: {  	[smem:$0x3FAD] =	sst s6  }
0xf: {  	[smem:$0x3FAE] =	sst s7  }
0x10: {  	[smem:$0x3FAF] =	sst s8  }
0x11: {  	[smem:$0x3FB0] =	sst s9;
	s0 =	simm.s32 @!p0 $0x0  }
0x12: {  	s1 =	sld [smem:$0x3F96];
	s0 =	simm.s32 @p0 $0x1  }
0x13: {  	[smem:$0x3FB1] =	sst s0;
	s0 =	simm.s32 @!p1 $0x0  }
0x14: {  	s2 =	sld [smem:$0x3F95];
	s0 =	simm.s32 @p1 $0x1  }
0x15: {  	[smem:$0x3FB2] =	sst s0;
	s0 =	simm.s32 @!p2 $0x0  }
0x16: {  	s3 =	sld [smem:$0x3FDB];
	s0 =	simm.s32 @p2 $0x1  }
0x17: {  	s4 =	simm.s32 $0x1BF5;
	[smem:$0x3FB4] =	sst s0  }
0x18: {  	s0 =	sld [smem:$0x3F97];
	_ =	swait.ge [sflag:s4], $0x0  }
0x19: {  	s7 =	sld [smem:$0x3F98]  }
0x1a: {  	s8 =	sadd.s32 $0xFFFFE003, lr  }
0x1b: {  	s9 =	sadd.s32 $0xFFFFFEF7, lr;
	s5 =	simm.s32 $0xFFFFFFFF;
	p2 =	slt.u32 s8, $0xFFFFF086  }
0x1c: {  	p1 =	slt.u32 s9, $0xF7A;
	s5 =	simm.s32 @!p2 $0x0  }
0x1d: {  	s5 =	simm.s32 @p1 $0x1;
	p0 =	seq.s32 s7, s2  }
0x1e: {  	s7 =	smul.u32 @!p0 $0xF7A, s2;
	p2 =	seq.s32 @!p0 s5, $0x0  }
0x1f: {  	s9 =	smul.u32 $0xF7A, s1;
	s8 =	simm.s32 @!p0 $0x1BF5;
	p2 =	por !p2, p0  }
0x20: {  	[sflag:s8] =	ssyncset.s32 @!p0 $0xFFFFF086;
	s6 =	sadd.s32 @!p0 s3, s7;
	s7 =	simm.s32 @!p0 $0x108  }
0x21: {  	s3 =	sadd.s32 s3, s9;
	s6 =	sadd.s32 @!p0 $0x88, s6;
	s7 =	simm.s32 @p2 $0x1082  }
0x22: {  	[simem:s7], [sflag:s8] =	dma.local @!p0 [hbm:s6], $0xF7A  }
0x23: {  	s9 =	sor.u32 $0xD0000000, s2;
	s6 =	simm.s32 $0x108;
	_ =	swait.ge @!p0 [sflag:s8], $0x0  }
0x24: {  	s3 =	sadd.s32 $0x88, s3;
	s6 =	simm.s32 @!p1 $0x1082;
	[sflag:s4] =	ssyncset.s32 $0xFFFFF086  }
0x25: {  	[simem:s6], [sflag:s4] =	dma.local [hbm:s3], $0xF7A  }
0x26: {  	[smem:$0x3F98] =	sst s1;
	(tag) =	ssettag s2;
	_ =	strace s9  }
0x27: {  	s1 =	sld [smem:$0x3FA8]  }
0x28: {  	s2 =	sld [smem:$0x3FA9]  }
0x29: {  	s4 =	sld [smem:$0x3FAB]  }
0x2a: {  	p0 =	seq.s32 s5, $0x0;
	s5 =	sld [smem:$0x3FAC]  }
0x2b: {  	s6 =	sld [smem:$0x3FAD]  }
0x2c: {  	s7 =	sld [smem:$0x3FAE]  }
0x2d: {  	s3 =	simm.s32 $0x108;
	s8 =	sld [smem:$0x3FAF]  }
0x2e: {  	s3 =	simm.s32 @!p0 $0x1082;
	s9 =	sld [smem:$0x3FB0]  }
0x2f: {  	lr =	sadd.s32 s0, s3;
	s0 =	sld [smem:$0x3FA7]  }
0x30: {  	s3 =	sld [smem:$0x3FAA]  }
0x31: {  	[smem:$0x3FB3] =	sst s10  }
0x32: {  	s10 =	sld [smem:$0x3FB1];
	_ =	sdelay $0x3  }
0x33: {  	p0 =	seq.s32 s10, $0x1;
	s10 =	sld [smem:$0x3FB3];
	_ =	sdelay $0x3  }
0x34: {  	[smem:$0x3FB3] =	sst s10  }
0x35: {  	s10 =	sld [smem:$0x3FB2];
	_ =	sdelay $0x3  }
0x36: {  	p1 =	seq.s32 s10, $0x1;
	s10 =	sld [smem:$0x3FB3];
	_ =	sdelay $0x3  }
0x37: {  	[smem:$0x3FB3] =	sst s10  }
0x38: {  	s10 =	sld [smem:$0x3FB4]  }
0x39: {  	_ = 	snop;
	(pc) =	sbr.ind lr, $3  }
0x3a: {  	_ = 	snop  }
0x3b: {  	_ = 	snop  }
0x3c: {  	p2 =	seq.s32 s10, $0x1;
	s10 =	sld [smem:$0x3FB3]  }
0x3d: {  	_ =	shalt  }
0x3e: {  	_ =	shalt  }
0x3f: {  	_ =	shalt  }
0x40: {  	_ =	shalt  }
0x41: {  	_ =	shalt  }
0x42: {  	_ =	shalt  }
0x43: {  	_ =	shalt  }
0x44: {  	_ =	shalt  }
0x45: {  	_ =	shalt  }
0x46: {  	_ =	shalt  }
0x47: {  	_ =	shalt  }
0x48: {  	_ =	shalt  }
0x49: {  	_ =	shalt  }
0x4a: {  	_ =	shalt  }
0x4b: {  	_ =	shalt  }
0x4c: {  	_ =	shalt  }
0x4d: {  	_ =	shalt  }
0x4e: {  	_ =	shalt  }
0x4f: {  	_ =	shalt  }
0x50: {  	_ =	shalt  }
0x51: {  	_ =	shalt  }
0x52: {  	_ =	shalt  }
0x53: {  	_ =	shalt  }
0x54: {  	_ =	shalt  }
0x55: {  	_ =	shalt  }
0x56: {  	_ =	shalt  }
0x57: {  	_ =	shalt  }
0x58: {  	_ =	shalt  }
0x59: {  	_ =	shalt  }
0x5a: {  	_ =	shalt  }
0x5b: {  	_ =	shalt  }
0x5c: {  	_ =	shalt  }
0x5d: {  	_ =	shalt  }
0x5e: {  	_ =	shalt  }
0x5f: {  	_ =	shalt  }
0x60: {  	_ =	shalt  }
0x61: {  	_ =	shalt  }
0x62: {  	_ =	shalt  }
0x63: {  	_ =	shalt  }
0x64: {  	_ =	shalt  }
0x65: {  	_ =	shalt  }
0x66: {  	_ =	shalt  }
0x67: {  	_ =	shalt  }
0x68: {  	_ =	shalt  }
0x69: {  	_ =	shalt  }
0x6a: {  	_ =	shalt  }
0x6b: {  	_ =	shalt  }
0x6c: {  	_ =	shalt  }
0x6d: {  	_ =	shalt  }
0x6e: {  	_ =	shalt  }
0x6f: {  	_ =	shalt  }
0x70: {  	_ =	shalt  }
0x71: {  	_ =	shalt  }
0x72: {  	_ =	shalt  }
0x73: {  	_ =	shalt  }
0x74: {  	_ =	shalt  }
0x75: {  	_ =	shalt  }
0x76: {  	_ =	shalt  }
0x77: {  	_ =	shalt  }
0x78: {  	_ =	shalt  }
0x79: {  	_ =	shalt  }
0x7a: {  	_ =	shalt  }
0x7b: {  	_ =	shalt  }
0x7c: {  	_ =	shalt  }
0x7d: {  	_ =	shalt  }
0x7e: {  	_ =	shalt  }
0x7f: {  	_ =	shalt  }
0x80: {  	_ =	shalt  }
0x81: {  	_ =	shalt  }
0x82: {  	_ =	shalt  }
0x83: {  	_ =	shalt  }
0x84: {  	_ =	shalt  }
0x85: {  	_ =	shalt  }
0x86: {  	_ =	shalt  }
0x87: {  	_ =	shalt  }
.Lfunc_end0:
.L_simem_size_0:
called_computation.4_lowered:
.L_overlay_start_0:
0x88: {  	s2 =	sld [smem:$0x3FD9]  }
0x89: {  	s3 =	sld [smem:$0x3FFE];
	_ =	sdelay $0x1  }
0x8a: {  	s1 =	srdreg.scid  }
0x8b: {  	s0 =	sand.u32 $0x1, s1  }
0x8c: {  	s17 =	sshll.u32 s0, $0xA;
	s2 =	sadd.s32 s3, s2  }
0x8d: {  	s2 =	sadd.s32 s2, s17  }
0x8e: {  	[smem:$0x3FBF] =	sst s2  }
0x8f: {  	_ = 	snop  }
0x90: {  	s2 =	sld [smem:$0x3FC9]  }
0x91: {  	s18 =	sld [smem:$0x3FC8];
	(tm) =	ssettm $0x1  }
0x92: {  	s4 =	sld [smem:$0x3FFB];
	_ =	sdelay $0x3  }
0x93: {  	_ =	strace s4  }
0x94: {  	s4 =	sld [smem:$0x3FFC];
	_ =	sdelay $0x3  }
0x95: {  	_ =	strace s4  }
0x96: {  	s4 =	sld [smem:$0x3FFD];
	_ =	sdelay $0x3  }
0x97: {  	_ =	strace s4  }
0x98: {  	_ =	strace $0x8FFFFFFF  }
0x99: {  	s19 =	sld [smem:$0x3FDB];
	_ =	sdelay $0x1  }
0x9a: {  	s5 =	simm.s32 $_scs_section_size  }
0x9b: {  	s6 =	simm.s32 $_size__tile_overlayer_lowered;
	s7 =	simm.s32 $_tile_overlayer_lowered  }
0x9c: {  	s22 =	simm.s32 $0x1BFF;
	s21 =	sshll.u32 s7, $0x1;
	s4 =	sadd.s32 s5, s19  }
0x9d: {  	s8 =	simm.s32 $0x0;
	s20 =	sshll.u32 s6, $0x1;
	s6 =	sadd.s32 s21, s4  }
0x9e: {  	[timem:s8], [sflag:s22] =	dma.local [hbm:s6], s20  }
0x9f: {  	_ =	swait.ge [sflag:s22], s20  }
0xa0: {  	s5 =	ssub.s32 $0x0, s20;
	[sflag:s22] =	ssyncset.done $0x0  }
0xa1: {  	[sflag:s22] =	ssyncadd.s32 s5;
	_ =	sdelay $0x1  }
0xa2: {  	s23 =	simm.s32 $0x1B8B  }
0xa3: {  	_ =	swait.ge [sflag:s23], $0x1  }
0xa4: {  	[sflag:s23] =	ssyncset.done $0x0  }
0xa5: {  	s25 =	simm.s32 $0x1B8E;
	s24 =	sld [smem:$0x3FFE];
	[sflag:s23] =	ssyncadd.s32 $0xFFFFFFFF  }
0xa6: {  	s26 =	simm.s32 $execute0_lowered;
	[smem:$0x3FD2] =	sst s25  }
0xa7: {  	s6 =	sshll.u32 s26, $0x1;
	_ =	strace $0x80000052;
	[dreg:$0x1] =	wrdreg $0xFFFFFFFF  }
0xa8: {  	s28 =	simm.s32 $_size_execute0_lowered;
	s4 =	sadd.s32 s4, s6;
	[dreg:$0x0] =	wrdreg $0x0  }
0xa9: {  	s6 =	sshll.u32 s28, $0x1;
	[dreg:$0x2] =	wrdreg s4  }
0xaa: {  	[dreg:$0x3] =	wrdreg s6  }
0xab: {  	[dreg:$0x4] =	wrdreg $0xC0  }
0xac: {  	_ =	task [dreg:s8], $0x5FFFF  }
0xad: {  	[dreg:$0x1] =	wrdreg $0xFFFFFFFF  }
0xae: {  	[dreg:$0x0] =	wrdreg $0x60  }
0xaf: {  	[dreg:$0x2] =	wrdreg s24  }
0xb0: {  	[dreg:$0x3] =	wrdreg s2  }
0xb1: {  	[dreg:$0x4] =	wrdreg s18  }
0xb2: {  	[dreg:$0x5] =	wrdreg $0x9  }
0xb3: {  	_ =	task.clear_ibuf [dreg:s8], $0x6FFFF;
	_ =	strace $0x90000052  }
0xb4: {  	s29 =	simm.s32 $0x9;
	_ =	strace $0x80000054  }
0xb5: {  	_ =	swait.ge [sflag:s29], $0x1  }
0xb6: {  	[sflag:s29] =	ssyncadd.s32 $0xFFFFFFFF  }
0xb7: {  	_ =	strace $0x90000054  }
0xb8: {  	_ =	sfence  }
0xb9: {  	s30 =	sld [smem:$0x0];
	_ =	sdelay $0x2  }
0xba: {  	s31 =	sshll.u32 s1, $0xD;
	s1 =	sshrl.u32 s1, $0x2  }
0xbb: {  	s3 =	sand.u32 $0x4000, s31;
	s1 =	sadd.s32 s1, s30  }
0xbc: {  	s0 =	sor.u32 s3, s0;
	s1 =	sshll.u32 s1, $0x11  }
0xbd: {  	s0 =	sor.u32 s1, s0  }
0xbe: {  	s0 =	sadd.s32 $0x8F2B, s0  }
0xbf: {  	[sflag:s0] =	ssyncadd.remote.s32 $0x1  }
0xc0: {  	_ =	sfence.sel $0xFFFF  }
0xc1: {  	[dreg:$0x0] =	wrdreg $0xFFFFFFFF;
	(pc) =	sbr.abs _section_cstart, $3  }
0xc2: {  	[dreg:$0x1] =	wrdreg $0xFFFFFFFF  }
0xc3: {  	_ =	task.clear_ibuf [dreg:s8], $0x2FFFF;
	_ =	strace $0x9FFFFFFF  }
0xc4: {  	(tm) =	ssettm $0x7FFFFFFF  }
0xc5: {  	_ =	shalt  }
tec
execute0_lowered:
.L_overlay_start_1:
0x0: {  	(tag) =	ssettag $0x1  }
0x1: {  	s20 =	rddreg [dreg:$0x0];
	s1 =	srdreg.scid  }
0x2: {  	s3 =	rddreg [dreg:$0x1];
	s0 =	stileid.u32;
	s21 =	sand.u32 $0x1, s1  }
0x3: {  	s5 =	rddreg [dreg:$0x2];
	s4 =	sshll.u32 s0, $0x8;
	s6 =	sshll.u32 s21, $0x7  }
0x4: {  	s2 =	simm.s32 $0x0;
	s1 =	rddreg [dreg:$0x3];
	s11 =	sor.u32 s6, s4  }
0x5: {  	[smem:$0x7FF] =	sst s2;
	s6 =	sshrl.u32 s11, $0x3  }
0x6: {  	_ =	strace $0x80000053;
	s4 =	sadd.s32 s3, s6;
	s3 =	simm.s32 $0x3  }
0x7: {  	[tilespmem:s2], [sflag:$0x3] =	stream.linear.gather [hbm4b:s4+s2], $0x80, $0x38;
	[tilespmem:$0x10100] =	vst v63  }
0x8: {  	_ =	swait.ge [sflag:s3], $0x80  }
0x9: {  	[sflag:s3] =	ssyncset.done $0x0  }
0xa: {  	s5 =	sadd.s32 s5, s6;
	s6 =	simm.s32 $0x80;
	[sflag:s3] =	ssyncadd.s32 $0xFFFFFF80  }
0xb: {  	[tilespmem:s6], [sflag:$0x3] =	stream.linear.gather [hbm4b:s5+s2], $0x80, $0x38;
	[tilespmem:$0x10100] =	vst v63  }
0xc: {  	_ =	swait.ge [sflag:s3], $0x80  }
0xd: {  	[sflag:s3] =	ssyncset.done $0x0  }
0xe: {  	[sflag:s3] =	ssyncadd.s32 $0xFFFFFF80  }
0xf: {  	v0 =	vld [tilespmem:$0xF0]  }
0x10: {  	v1 =	vld [tilespmem:$0xE0]  }
0x11: {  	v2 =	vld [tilespmem:$0xD0]  }
0x12: {  	v3 =	vld [tilespmem:$0xB0]  }
0x13: {  	v4 =	vld [tilespmem:$0xA0]  }
0x14: {  	v5 =	vld [tilespmem:$0x90];
	v0 =	vadd.s32 $0x7D0, v0  }
0x15: {  	v6 =	vld [tilespmem:$0xC0];
	v1 =	vadd.s32 $0x7D0, v1;
	[tilespmem:$0xF0] =	vst v0  }
0x16: {  	v59 =	vld [tilespmem:$0x80];
	v2 =	vadd.s32 $0x7D0, v2;
	[tilespmem:$0xE0] =	vst v1  }
0x17: {  	v60 =	vadd.s32 $0x7D0, v3;
	[tilespmem:$0xD0] =	vst v2  }
0x18: {  	v61 =	vadd.s32 $0x7D0, v4;
	[tilespmem:$0xB0] =	vst v60  }
0x19: {  	v62 =	vadd.s32 $0x7D0, v5;
	[tilespmem:$0xA0] =	vst v61  }
0x1a: {  	v63 =	vadd.s32 $0x7D0, v6;
	[tilespmem:$0x90] =	vst v62  }
0x1b: {  	v0 =	vadd.s32 $0x7D0, v59;
	[tilespmem:$0xC0] =	vst v63  }
0x1c: {  	s9 =	simm.s32 $0x100;
	s8 =	sadd.s32 $0x60800, s20;
	[tilespmem:$0x80] =	vst v0  }
0x1d: {  	[tilespmem:s9], [sflag:$0x1] =	stream.indirect.gather [hbm4b:s8+s6], $0x100, s2, s6, $0xb8;
	[tilespmem:$0x10100] =	vst v63  }
0x1e: {  	s7 =	simm.s32 $0x8100;
	s10 =	simm.s32 $0x1  }
0x1f: {  	[tilespmem:s7], [sflag:$0x2] =	stream.indirect.gather [hbm4b:s8+s6], $0x100, s6, s6, $0xb8;
	[tilespmem:$0x10100] =	vst v63  }
0x20: {  	_ =	swait.ge [sflag:s10], $0x8000  }
0x21: {  	s22 =	sadd.s32 $0x1CAE00, s20;
	s23 =	sshll.u32 s11, $0x5;
	[sflag:s10] =	ssyncset.done $0x0  }
0x22: {  	s11 =	sadd.s32 s22, s23;
	[sflag:s10] =	ssyncadd.s32 $0xFFFF8000  }
0x23: {  	[hbm4b:s11+s2] =	stream.linear.scatter [tilespmem:s9], [sflag:$0x3], $0x8000, $0x38;
	[tilespmem:$0x10100] =	vst v63  }
0x24: {  	_ =	swait.ge [sflag:s3], $0x8000  }
0x25: {  	[sflag:s3] =	ssyncset.done $0x0  }
0x26: {  	s12 =	simm.s32 $0x2;
	[sflag:s3] =	ssyncadd.s32 $0xFFFF8000  }
0x27: {  	_ =	swait.ge [sflag:s12], $0x8000  }
0x28: {  	s24 =	sadd.s32 $0x14AE00, s20;
	[sflag:s12] =	ssyncset.done $0x0  }
0x29: {  	s13 =	sadd.s32 s24, s23;
	[sflag:s12] =	ssyncadd.s32 $0xFFFF8000  }
0x2a: {  	[hbm4b:s13+s2] =	stream.linear.scatter [tilespmem:s7], [sflag:$0x3], $0x8000, $0x38;
	[tilespmem:$0x10100] =	vst v63  }
0x2b: {  	_ =	swait.ge [sflag:s3], $0x8000  }
0x2c: {  	[sflag:s3] =	ssyncset.done $0x0  }
0x2d: {  	s14 =	sadd.s32 $0xAEA00, s20;
	[sflag:s3] =	ssyncadd.s32 $0xFFFF8000  }
0x2e: {  	[tilespmem:s9], [sflag:$0x1] =	stream.indirect.gather [hbm4b:s14+s6], $0x100, s2, s6, $0xb8;
	[tilespmem:$0x10100] =	vst v63  }
0x2f: {  	_ = 	snop  }
0x30: {  	[tilespmem:s7], [sflag:$0x2] =	stream.indirect.gather [hbm4b:s14+s6], $0x100, s6, s6, $0xb8;
	[tilespmem:$0x10100] =	vst v63  }
0x31: {  	_ =	swait.ge [sflag:s10], $0x8000  }
0x32: {  	s16 =	sor.u32 $0x20000, s23;
	[sflag:s10] =	ssyncset.done $0x0  }
0x33: {  	s15 =	sadd.s32 s22, s16;
	[sflag:s10] =	ssyncadd.s32 $0xFFFF8000  }
0x34: {  	[hbm4b:s15+s2] =	stream.linear.scatter [tilespmem:s9], [sflag:$0x3], $0x8000, $0x38;
	[tilespmem:$0x10100] =	vst v63  }
0x35: {  	_ =	swait.ge [sflag:s3], $0x8000  }
0x36: {  	[sflag:s3] =	ssyncset.done $0x0  }
0x37: {  	[sflag:s3] =	ssyncadd.s32 $0xFFFF8000  }
0x38: {  	_ =	swait.ge [sflag:s12], $0x8000  }
0x39: {  	[sflag:s12] =	ssyncset.done $0x0  }
0x3a: {  	s16 =	sadd.s32 s24, s16;
	[sflag:s12] =	ssyncadd.s32 $0xFFFF8000  }
0x3b: {  	[hbm4b:s16+s2] =	stream.linear.scatter [tilespmem:s7], [sflag:$0x3], $0x8000, $0x38;
	[tilespmem:$0x10100] =	vst v63  }
0x3c: {  	_ =	swait.ge [sflag:s3], $0x8000  }
0x3d: {  	[sflag:s3] =	ssyncset.done $0x0  }
0x3e: {  	s17 =	sadd.s32 $0xF800, s20;
	[sflag:s3] =	ssyncadd.s32 $0xFFFF8000  }
0x3f: {  	[tilespmem:s9], [sflag:$0x1] =	stream.indirect.gather [hbm4b:s17+s6], $0x100, s2, s6, $0xb8;
	[tilespmem:$0x10100] =	vst v63  }
0x40: {  	_ = 	snop  }
0x41: {  	[tilespmem:s7], [sflag:$0x2] =	stream.indirect.gather [hbm4b:s17+s6], $0x100, s6, s6, $0xb8;
	[tilespmem:$0x10100] =	vst v63  }
0x42: {  	_ =	swait.ge [sflag:s10], $0x8000  }
0x43: {  	s19 =	sor.u32 $0x40000, s23;
	[sflag:s10] =	ssyncset.done $0x0  }
0x44: {  	s18 =	sadd.s32 s22, s19;
	[sflag:s10] =	ssyncadd.s32 $0xFFFF8000  }
0x45: {  	[hbm4b:s18+s2] =	stream.linear.scatter [tilespmem:s9], [sflag:$0x3], $0x8000, $0x38;
	[tilespmem:$0x10100] =	vst v63  }
0x46: {  	_ =	swait.ge [sflag:s3], $0x8000  }
0x47: {  	[sflag:s3] =	ssyncset.done $0x0  }
0x48: {  	[sflag:s3] =	ssyncadd.s32 $0xFFFF8000  }
0x49: {  	_ =	swait.ge [sflag:s12], $0x8000  }
0x4a: {  	[sflag:s12] =	ssyncset.done $0x0  }
0x4b: {  	s19 =	sadd.s32 s24, s19;
	[sflag:s12] =	ssyncadd.s32 $0xFFFF8000  }
0x4c: {  	[hbm4b:s19+s2] =	stream.linear.scatter [tilespmem:s7], [sflag:$0x3], $0x8000, $0x38;
	[tilespmem:$0x10100] =	vst v63  }
0x4d: {  	s21 =	ssub.s32 $0x2, s21;
	_ =	swait.ge [sflag:s3], $0x8000  }
0x4e: {  	s25 =	sshrl.u32 s21, $0x1;
	[sflag:s3] =	ssyncset.done $0x0  }
0x4f: {  	s20 =	sadd.s32 $0xFCC00, s20;
	s25 =	ssub.s32 s21, s25;
	[sflag:s3] =	ssyncadd.s32 $0xFFFF8000  }
0x50: {  	[tilespmem:s9], [sflag:$0x1] =	stream.indirect.gather [hbm4b:s20+s6], $0x100, s2, s6, $0xb8;
	[tilespmem:$0x10100] =	vst v63  }
0x51: {  	s25 =	smax.u32 s25, $0x1  }
0x52: {  	[tilespmem:s7], [sflag:$0x2] =	stream.indirect.gather [hbm4b:s20+s6], $0x100, s6, s6, $0xb8;
	[tilespmem:$0x10100] =	vst v63  }
0x53: {  	p0 =	sne.s32 s25, $0x1;
	_ =	swait.ge [sflag:s10], $0x8000  }
.Ltmp0:
0x54: {  	s23 =	sor.u32 $0x60000, s23;
	[sflag:s10] =	ssyncset.done $0x0;
	(pc) =	sbr.rel @!p0 .LBB2_2-.Ltmp0, $4  }
0x55: {  	s21 =	sadd.s32 s22, s23;
	[sflag:s10] =	ssyncadd.s32 $0xFFFF8000  }
0x56: {  	[hbm4b:s21+s2] =	stream.linear.scatter [tilespmem:s9], [sflag:$0x3], $0x8000, $0x38;
	[tilespmem:$0x10100] =	vst v63  }
0x57: {  	_ =	swait.ge [sflag:s3], $0x8000  }
0x58: {  	s22 =	sadd.s32 s24, s23;
	s23 =	sadd.s32 $0xFFFFFFFF, s25;
	[sflag:s3] =	ssyncset.done $0x0  }
.LBB2_1:
0x59: {  	p0 =	sne.s32 s23, $0x1;
	s23 =	sadd.s32 $0xFFFFFFFF, s23;
	[sflag:s3] =	ssyncadd.s32 $0xFFFF8000  }
0x5a: {  	_ =	swait.ge [sflag:s12], $0x8000  }
0x5b: {  	[sflag:s12] =	ssyncset.done $0x0  }
0x5c: {  	[sflag:s12] =	ssyncadd.s32 $0xFFFF8000  }
0x5d: {  	[hbm4b:s22+s2] =	stream.linear.scatter [tilespmem:s7], [sflag:$0x3], $0x8000, $0x38;
	[tilespmem:$0x10100] =	vst v63  }
0x5e: {  	_ =	swait.ge [sflag:s3], $0x8000  }
0x5f: {  	[sflag:s3] =	ssyncset.done $0x0  }
0x60: {  	[sflag:s3] =	ssyncadd.s32 $0xFFFF8000  }
0x61: {  	[tilespmem:s2], [sflag:$0x3] =	stream.linear.gather [hbm4b:s4+s2], $0x80, $0x38;
	[tilespmem:$0x10100] =	vst v63  }
0x62: {  	_ =	swait.ge [sflag:s3], $0x80  }
0x63: {  	[sflag:s3] =	ssyncset.done $0x0  }
0x64: {  	[sflag:s3] =	ssyncadd.s32 $0xFFFFFF80  }
0x65: {  	[tilespmem:s6], [sflag:$0x3] =	stream.linear.gather [hbm4b:s5+s2], $0x80, $0x38;
	[tilespmem:$0x10100] =	vst v63  }
0x66: {  	_ =	swait.ge [sflag:s3], $0x80  }
0x67: {  	[sflag:s3] =	ssyncset.done $0x0  }
0x68: {  	[sflag:s3] =	ssyncadd.s32 $0xFFFFFF80  }
0x69: {  	v0 =	vld [tilespmem:$0xF0]  }
0x6a: {  	v1 =	vld [tilespmem:$0xE0]  }
0x6b: {  	v2 =	vld [tilespmem:$0xD0]  }
0x6c: {  	v3 =	vld [tilespmem:$0xB0]  }
0x6d: {  	v4 =	vld [tilespmem:$0xA0]  }
0x6e: {  	v5 =	vld [tilespmem:$0x90];
	v0 =	vadd.s32 $0x7D0, v0  }
0x6f: {  	v6 =	vld [tilespmem:$0xC0];
	v1 =	vadd.s32 $0x7D0, v1;
	[tilespmem:$0xF0] =	vst v0  }
0x70: {  	v0 =	vld [tilespmem:$0x80];
	v2 =	vadd.s32 $0x7D0, v2;
	[tilespmem:$0xE0] =	vst v1  }
0x71: {  	v1 =	vadd.s32 $0x7D0, v3;
	[tilespmem:$0xD0] =	vst v2  }
0x72: {  	v2 =	vadd.s32 $0x7D0, v4;
	[tilespmem:$0xB0] =	vst v1  }
0x73: {  	v1 =	vadd.s32 $0x7D0, v5;
	[tilespmem:$0xA0] =	vst v2  }
0x74: {  	[tilespmem:$0x90] =	vst v1;
	v1 =	vadd.s32 $0x7D0, v6  }
0x75: {  	v0 =	vadd.s32 $0x7D0, v0;
	[tilespmem:$0xC0] =	vst v1  }
0x76: {  	[tilespmem:$0x80] =	vst v0  }
0x77: {  	[tilespmem:s9], [sflag:$0x1] =	stream.indirect.gather [hbm4b:s8+s6], $0x100, s2, s6, $0xb8;
	[tilespmem:$0x10100] =	vst v63  }
0x78: {  	_ = 	snop  }
0x79: {  	[tilespmem:s7], [sflag:$0x2] =	stream.indirect.gather [hbm4b:s8+s6], $0x100, s6, s6, $0xb8;
	[tilespmem:$0x10100] =	vst v63  }
0x7a: {  	_ =	swait.ge [sflag:s10], $0x8000  }
0x7b: {  	[sflag:s10] =	ssyncset.done $0x0  }
0x7c: {  	[sflag:s10] =	ssyncadd.s32 $0xFFFF8000  }
0x7d: {  	[hbm4b:s11+s2] =	stream.linear.scatter [tilespmem:s9], [sflag:$0x3], $0x8000, $0x38;
	[tilespmem:$0x10100] =	vst v63  }
0x7e: {  	_ =	swait.ge [sflag:s3], $0x8000  }
0x7f: {  	[sflag:s3] =	ssyncset.done $0x0  }
0x80: {  	[sflag:s3] =	ssyncadd.s32 $0xFFFF8000  }
0x81: {  	_ =	swait.ge [sflag:s12], $0x8000  }
0x82: {  	[sflag:s12] =	ssyncset.done $0x0  }
0x83: {  	[sflag:s12] =	ssyncadd.s32 $0xFFFF8000  }
0x84: {  	[hbm4b:s13+s2] =	stream.linear.scatter [tilespmem:s7], [sflag:$0x3], $0x8000, $0x38;
	[tilespmem:$0x10100] =	vst v63  }
0x85: {  	_ =	swait.ge [sflag:s3], $0x8000  }
0x86: {  	[sflag:s3] =	ssyncset.done $0x0  }
0x87: {  	[sflag:s3] =	ssyncadd.s32 $0xFFFF8000  }
0x88: {  	[tilespmem:s9], [sflag:$0x1] =	stream.indirect.gather [hbm4b:s14+s6], $0x100, s2, s6, $0xb8;
	[tilespmem:$0x10100] =	vst v63  }
0x89: {  	_ = 	snop  }
0x8a: {  	[tilespmem:s7], [sflag:$0x2] =	stream.indirect.gather [hbm4b:s14+s6], $0x100, s6, s6, $0xb8;
	[tilespmem:$0x10100] =	vst v63  }
0x8b: {  	_ =	swait.ge [sflag:s10], $0x8000  }
0x8c: {  	[sflag:s10] =	ssyncset.done $0x0  }
0x8d: {  	[sflag:s10] =	ssyncadd.s32 $0xFFFF8000  }
0x8e: {  	[hbm4b:s15+s2] =	stream.linear.scatter [tilespmem:s9], [sflag:$0x3], $0x8000, $0x38;
	[tilespmem:$0x10100] =	vst v63  }
0x8f: {  	_ =	swait.ge [sflag:s3], $0x8000  }
0x90: {  	[sflag:s3] =	ssyncset.done $0x0  }
0x91: {  	[sflag:s3] =	ssyncadd.s32 $0xFFFF8000  }
0x92: {  	_ =	swait.ge [sflag:s12], $0x8000  }
0x93: {  	[sflag:s12] =	ssyncset.done $0x0  }
0x94: {  	[sflag:s12] =	ssyncadd.s32 $0xFFFF8000  }
0x95: {  	[hbm4b:s16+s2] =	stream.linear.scatter [tilespmem:s7], [sflag:$0x3], $0x8000, $0x38;
	[tilespmem:$0x10100] =	vst v63  }
0x96: {  	_ =	swait.ge [sflag:s3], $0x8000  }
0x97: {  	[sflag:s3] =	ssyncset.done $0x0  }
0x98: {  	[sflag:s3] =	ssyncadd.s32 $0xFFFF8000  }
0x99: {  	[tilespmem:s9], [sflag:$0x1] =	stream.indirect.gather [hbm4b:s17+s6], $0x100, s2, s6, $0xb8;
	[tilespmem:$0x10100] =	vst v63  }
0x9a: {  	_ = 	snop  }
0x9b: {  	[tilespmem:s7], [sflag:$0x2] =	stream.indirect.gather [hbm4b:s17+s6], $0x100, s6, s6, $0xb8;
	[tilespmem:$0x10100] =	vst v63  }
0x9c: {  	_ =	swait.ge [sflag:s10], $0x8000  }
0x9d: {  	[sflag:s10] =	ssyncset.done $0x0  }
0x9e: {  	[sflag:s10] =	ssyncadd.s32 $0xFFFF8000  }
0x9f: {  	[hbm4b:s18+s2] =	stream.linear.scatter [tilespmem:s9], [sflag:$0x3], $0x8000, $0x38;
	[tilespmem:$0x10100] =	vst v63  }
0xa0: {  	_ =	swait.ge [sflag:s3], $0x8000  }
0xa1: {  	[sflag:s3] =	ssyncset.done $0x0  }
0xa2: {  	[sflag:s3] =	ssyncadd.s32 $0xFFFF8000  }
0xa3: {  	_ =	swait.ge [sflag:s12], $0x8000  }
0xa4: {  	[sflag:s12] =	ssyncset.done $0x0  }
0xa5: {  	[sflag:s12] =	ssyncadd.s32 $0xFFFF8000  }
0xa6: {  	[hbm4b:s19+s2] =	stream.linear.scatter [tilespmem:s7], [sflag:$0x3], $0x8000, $0x38;
	[tilespmem:$0x10100] =	vst v63  }
0xa7: {  	_ =	swait.ge [sflag:s3], $0x8000  }
0xa8: {  	[sflag:s3] =	ssyncset.done $0x0  }
0xa9: {  	[sflag:s3] =	ssyncadd.s32 $0xFFFF8000  }
0xaa: {  	[tilespmem:s9], [sflag:$0x1] =	stream.indirect.gather [hbm4b:s20+s6], $0x100, s2, s6, $0xb8;
	[tilespmem:$0x10100] =	vst v63  }
0xab: {  	_ = 	snop  }
0xac: {  	[tilespmem:s7], [sflag:$0x2] =	stream.indirect.gather [hbm4b:s20+s6], $0x100, s6, s6, $0xb8;
	[tilespmem:$0x10100] =	vst v63  }
0xad: {  	_ =	swait.ge [sflag:s10], $0x8000  }
.Ltmp1:
0xae: {  	[sflag:s10] =	ssyncset.done $0x0;
	(pc) =	sbr.rel @p0 .LBB2_1-.Ltmp1, $4  }
0xaf: {  	[sflag:s10] =	ssyncadd.s32 $0xFFFF8000  }
0xb0: {  	[hbm4b:s21+s2] =	stream.linear.scatter [tilespmem:s9], [sflag:$0x3], $0x8000, $0x38;
	[tilespmem:$0x10100] =	vst v63  }
0xb1: {  	_ =	swait.ge [sflag:s3], $0x8000  }
0xb2: {  	[sflag:s3] =	ssyncset.done $0x0  }
.LBB2_2:
0xb3: {  	[sflag:s3] =	ssyncadd.s32 $0xFFFF8000  }
0xb4: {  	_ =	swait.ge [sflag:s12], $0x8000  }
0xb5: {  	[sflag:s12] =	ssyncset.done $0x0  }
0xb6: {  	[sflag:s12] =	ssyncadd.s32 $0xFFFF8000  }
0xb7: {  	[hbm4b:s22+s2] =	stream.linear.scatter [tilespmem:s7], [sflag:$0x3], $0x8000, $0x38;
	[tilespmem:$0x10100] =	vst v63  }
0xb8: {  	_ =	swait.ge [sflag:s3], $0x8000  }
0xb9: {  	[sflag:s3] =	ssyncset.done $0x0  }
0xba: {  	[sflag:s3] =	ssyncadd.s32 $0xFFFF8000  }
0xbb: {  	_ =	sfence.sel $0x180000  }
0xbc: {  	[bflag:$0x0] =	sbarrier.arrive $0xFFFF  }
0xbd: {  	p0 =	sne.s32 s0, $0x0;
	_ =	strace $0x90000053  }
0xbe: {  	s0 =	sadd.s32 @!p0 $0x100000, s1;
	[bflag:$0x2] =	sbarrier.arrive $0xFFFF  }
0xbf: {  	[sflag:s0] =	ssyncadd.tile.s32 @!p0 $0x1;
	_ =	shalt  }
.Lfunc_end2:
_tile_overlayer_lowered:
.L_overlay_start_2:
0xc0: {  	(tag) =	ssettag $0x2  }
0xc1: {  	s0 =	rddreg [dreg:$0x0];
	s2 =	stileid.u32  }
0xc2: {  	s1 =	rddreg [dreg:$0x1];
	p0 =	sne.s32 s2, $0x0  }
0xc3: {  	s3 =	rddreg [dreg:$0x2];
	[bflag:$0x3] =	sbarrier.arrive $0xFFFF;
	s2 =	simm.s32 @!p0 $0x1C03  }
0xc4: {  	[timem:s3], [sflag:s2] =	dma.local @!p0 [hbm:s0], s1  }
0xc5: {  	s0 =	simm.s32 @!p0 $0x3  }
0xc6: {  	_ =	swait.ge @!p0 [sflag:s0], s1  }
0xc7: {  	s1 =	ssub.s32 @!p0 $0x0, s1;
	[sflag:s0] =	ssyncset.done @!p0 $0x0  }
0xc8: {  	[sflag:s0] =	ssyncadd.s32 @!p0 s1  }
0xc9: {  	[bflag:$0x3] =	sbarrier.arrive $0xFFFF  }
0xca: {  	_ =	shalt  }

</sc_bundles>
